<compile_context>
chip_gen: v7x
topology: tpu7x:2x2x1
jax: 0.10.2.dev20260603
libtpu: 0.0.44.dev20260713+nightly
codegen_flags: <defaults>
</compile_context>

<pallas_src>
import math

import jax
import jax.numpy as jnp
from jax import lax
from jax.experimental import pallas as pl
from jax.experimental.pallas import tpu as pltpu
from jax.experimental.pallas import tpu_sc as plsc

_N = 10000
_H = 128
_E = 320000
_G = 128
_BN_EPS = 1e-5
_INV_BN = 1.0 / math.sqrt(1.0 + _BN_EPS)

_NC, _NS = 2, 16
_NW = _NC * _NS

_CH = 50
_CHUNKS = _E // _CH
_CPT = _CHUNKS // _NW
_NPAD = 10240

_EMB_CH = 80
_EMB_CHUNKS = _N // _EMB_CH
_EMB_PER_W = -(-_EMB_CHUNKS // _NW)

_mesh = plsc.VectorSubcoreMesh(
    core_axis_name="c", subcore_axis_name="s", num_cores=_NC, num_subcores=_NS
)


def _embed_body(z_hbm, tab_hbm, out_hbm, idx_v, rows_v, sem):
    wid = lax.axis_index("s") * _NC + lax.axis_index("c")
    for k in range(_EMB_PER_W):
        cid = wid * _EMB_PER_W + k

        @pl.when(cid < _EMB_CHUNKS)
        def _():
            off = pl.multiple_of(cid * _EMB_CH, _EMB_CH)
            pltpu.sync_copy(z_hbm.at[pl.ds(off, _EMB_CH)], idx_v)
            pltpu.async_copy(tab_hbm.at[idx_v], rows_v, sem).wait()
            pltpu.sync_copy(rows_v, out_hbm.at[pl.ds(off, _EMB_CH)])


_embed = pl.kernel(
    _embed_body,
    out_type=jax.ShapeDtypeStruct((_N, _H), jnp.float32),
    mesh=_mesh,
    scratch_types=[
        pltpu.VMEM((_EMB_CH,), jnp.int32),
        pltpu.VMEM((_EMB_CH, _H), jnp.float32),
        pltpu.SemaphoreType.DMA,
    ],
)


def _agg_body(x_hbm, ei_hbm, zero_hbm, out_hbm, *refs):
    ebuf = refs[0:4]
    rows = refs[4:8]
    agg_sh = refs[8]
    esem = refs[9:13]
    gsem = refs[13:17]
    ssem = refs[17:21]

    c = lax.axis_index("c")
    s = lax.axis_index("s")

    chunk0 = (c * _NS + s) * _CPT
    rpt = _NPAD // _NS

    def load_idx(g, j):
        return pltpu.async_copy(ei_hbm.at[chunk0 + g], ebuf[j], esem[j])

    def gather(g, j):
        return pltpu.async_copy(x_hbm.at[ebuf[j].at[0]], rows[j], gsem[j])

    def wait_gather(j):
        pltpu.make_async_copy(x_hbm.at[ebuf[j].at[0]], rows[j], gsem[j]).wait()

    def scatter(j):
        return pltpu.async_copy(rows[j], agg_sh.at[ebuf[j].at[1]], ssem[j], add=True)

    def wait_scatter(j):
        pltpu.make_async_copy(rows[j], agg_sh.at[ebuf[j].at[1]], ssem[j]).wait()

    def wait_idx(j):
        pltpu.make_async_copy(ei_hbm.at[chunk0], ebuf[j], esem[j]).wait()

    load_idx(0, 0)
    load_idx(1, 1)
    wait_idx(0)
    gather(0, 0)
    wait_idx(1)
    gather(1, 1)

    pltpu.sync_copy(zero_hbm.at[pl.ds(s * rpt, rpt)],
                    agg_sh.at[pl.ds(s * rpt, rpt)])
    plsc.subcore_barrier()

    @pl.loop(0, _CPT, step=4)
    def _(g4):
        for j in range(4):
            g = g4 + j
            j2 = (j + 2) % 4

            if j < 2:
                @pl.when(g >= 2)
                def _():
                    wait_scatter(j2)

                @pl.when(g + 2 < _CPT)
                def _():
                    load_idx(g + 2, j2)
            else:
                wait_scatter(j2)

                @pl.when(g + 2 < _CPT)
                def _():
                    load_idx(g + 2, j2)

            wait_gather(j)
            scatter(j)

            @pl.when(g + 2 < _CPT)
            def _():
                wait_idx(j2)
                gather(g + 2, j2)

    wait_scatter((_CPT - 2) % 4)
    wait_scatter((_CPT - 1) % 4)

    plsc.subcore_barrier()
    pltpu.sync_copy(
        agg_sh.at[pl.ds(s * rpt, rpt)],
        out_hbm.at[c, pl.ds(s * rpt, rpt)],
    )


_agg = pl.kernel(
    _agg_body,
    out_type=jax.ShapeDtypeStruct((_NC, _NPAD, _H), jnp.float32),
    mesh=_mesh,
    scratch_types=(
        [pltpu.VMEM((2, _CH), jnp.int32)] * 4
        + [pltpu.VMEM((_CH, _H), jnp.float32)] * 4
        + [pltpu.VMEM_SHARED((_NPAD, _H), jnp.float32)]
        + [pltpu.SemaphoreType.DMA] * 12
    ),
)


_BM = 1000


def _mlp_body(x_ref, agg_ref, batch_ref, w1_ref, b1_ref, w2_ref, b2_ref,
              g_ref, be_ref, out_ref, pp_ref, cnt_ref, pp_s, cnt_s):
    i = pl.program_id(0)
    h = x_ref[...] + agg_ref[0] + agg_ref[1]
    h = jnp.maximum(jnp.dot(h, w1_ref[...], preferred_element_type=jnp.float32) + b1_ref[...], 0.0)
    h = jnp.maximum(jnp.dot(h, w2_ref[...], preferred_element_type=jnp.float32) + b2_ref[...], 0.0)
    y = h * (g_ref[...] * _INV_BN) + be_ref[...]
    out_ref[...] = y

    onehot = (batch_ref[...] == lax.broadcasted_iota(jnp.int32, (_BM, _G), 1)).astype(jnp.float32)

    @pl.when(i == 0)
    def _():
        pp_s[...] = jnp.zeros_like(pp_s)
        cnt_s[...] = jnp.zeros_like(cnt_s)

    pp_s[...] += lax.dot_general(
        onehot, y, (((0,), (0,)), ((), ())), preferred_element_type=jnp.float32,
        precision=lax.Precision.HIGHEST)
    cnt_s[...] += lax.dot_general(
        onehot, jnp.ones((_BM, 1), jnp.float32), (((0,), (0,)), ((), ())),
        preferred_element_type=jnp.float32)

    @pl.when(i == _N // _BM - 1)
    def _():
        pp_ref[...] = pp_s[...]
        cnt_ref[...] = cnt_s[...]


_mlp = pl.pallas_call(
    _mlp_body,
    grid=(_N // _BM,),
    in_specs=[
        pl.BlockSpec((_BM, _H), lambda i: (i, 0)),
        pl.BlockSpec((_NC, _BM, _H), lambda i: (0, i, 0)),
        pl.BlockSpec((_BM, 1), lambda i: (i, 0)),
        pl.BlockSpec((_H, _H), lambda i: (0, 0)),
        pl.BlockSpec((1, _H), lambda i: (0, 0)),
        pl.BlockSpec((_H, _H), lambda i: (0, 0)),
        pl.BlockSpec((1, _H), lambda i: (0, 0)),
        pl.BlockSpec((1, _H), lambda i: (0, 0)),
        pl.BlockSpec((1, _H), lambda i: (0, 0)),
    ],
    out_specs=[
        pl.BlockSpec((_BM, _H), lambda i: (i, 0)),
        pl.BlockSpec((_G, _H), lambda i: (0, 0)),
        pl.BlockSpec((_G, 1), lambda i: (0, 0)),
    ],
    out_shape=[
        jax.ShapeDtypeStruct((_N, _H), jnp.float32),
        jax.ShapeDtypeStruct((_G, _H), jnp.float32),
        jax.ShapeDtypeStruct((_G, 1), jnp.float32),
    ],
    scratch_shapes=[
        pltpu.VMEM((_G, _H), jnp.float32),
        pltpu.VMEM((_G, 1), jnp.float32),
    ],
)


def _head_body(adj_ref, pp0_ref, pp1_ref, pp2_ref, cnt_ref, wm1_ref, bm1_ref,
               wm2_ref, bm2_ref, out_ref):
    cnt = jnp.maximum(cnt_ref[...] + adj_ref[0, 0], 1.0)
    pooled = jnp.concatenate([pp0_ref[...], pp1_ref[...], pp2_ref[...]], axis=1) / cnt
    hm = jnp.maximum(
        jnp.dot(pooled, wm1_ref[...], preferred_element_type=jnp.float32) + bm1_ref[...], 0.0)
    out_ref[...] = jnp.dot(hm, wm2_ref[...], preferred_element_type=jnp.float32) + bm2_ref[...]


_head = pl.pallas_call(
    _head_body,
    out_shape=jax.ShapeDtypeStruct((_G, 1), jnp.float32),
)


def kernel(num_nodes, z, edge_index, batch, z_table,
           W1_0, b1_0, W2_0, b2_0, g_0, be_0,
           W1_1, b1_1, W2_1, b2_1, g_1, be_1,
           W1_2, b1_2, W2_2, b2_2, g_2, be_2,
           Wm1, bm1, Wm2, bm2):
    ei = edge_index.astype(jnp.int32).reshape(2, _CHUNKS, _CH).transpose(1, 0, 2)
    zeros = jnp.zeros((_NPAD, _H), jnp.float32)

    x = _embed(z.astype(jnp.int32), z_table)

    layer_params = [
        (W1_0, b1_0, W2_0, b2_0, g_0, be_0),
        (W1_1, b1_1, W2_1, b2_1, g_1, be_1),
        (W1_2, b1_2, W2_2, b2_2, g_2, be_2),
    ]
    batch2 = batch.astype(jnp.int32).reshape(_N, 1)
    pps = []
    cnt = None
    for (w1, b1, w2, b2, g, be) in layer_params:
        agg = _agg(x, ei, zeros)
        x, pp, cnt = _mlp(x, agg, batch2, w1, b1.reshape(1, _H), w2,
                          b2.reshape(1, _H), g.reshape(1, _H), be.reshape(1, _H))
        pps.append(pp)

    adj = (jnp.asarray(num_nodes, jnp.int32) - _N).astype(jnp.float32).reshape(1, 1)
    out = _head(adj, pps[0], pps[1], pps[2], cnt,
                Wm1, bm1.reshape(1, _H), Wm2, bm2.reshape(1, 1))
    return out

# --- scband reference (transcript-rebuilt; emitter-appended) ---
"""Pipeline reference for scband-gin-28956669510283 (READ-ONLY COPY).

The authoritative reference and input builder live on the scoring server;
editing this copy changes nothing except your own understanding.
"""

import jax, jax.numpy as jnp
import numpy as np

N = 10000
E = 320000
H = 128
MAX_Z = 1000
NUM_LAYERS = 3
NUM_GRAPHS = 128
BN_EPS = 1e-5


def setup_inputs(seed: int = 0):
    key = jax.random.key(seed)
    ks = jax.random.split(key, 32)
    inp = {}
    inp["num_nodes"] = N
    inp["z"] = jax.random.randint(ks[0], (N,), 0, MAX_Z)
    inp["edge_index"] = jax.random.randint(ks[1], (2, E), 0, N)
    inp["batch"] = jnp.sort(jax.random.randint(ks[2], (N,), 0, NUM_GRAPHS))
    inp["z_table"] = jax.random.normal(ks[3], (MAX_Z, H), dtype=jnp.float32) * 0.02
    ki = 4
    for l in range(NUM_LAYERS):
        inp["W1_%d" % l] = jax.random.normal(ks[ki], (H, H), dtype=jnp.float32) / np.sqrt(H); ki += 1
        inp["b1_%d" % l] = jnp.zeros((H,), jnp.float32)
        inp["W2_%d" % l] = jax.random.normal(ks[ki], (H, H), dtype=jnp.float32) / np.sqrt(H); ki += 1
        inp["b2_%d" % l] = jnp.zeros((H,), jnp.float32)
        inp["g_%d" % l] = jnp.ones((H,), jnp.float32)
        inp["be_%d" % l] = jnp.zeros((H,), jnp.float32)
    inp["Wm1"] = jax.random.normal(ks[ki], (NUM_LAYERS * H, H), dtype=jnp.float32) / np.sqrt(NUM_LAYERS * H); ki += 1
    inp["bm1"] = jnp.zeros((H,), jnp.float32)
    inp["Wm2"] = jax.random.normal(ks[ki], (H, 1), dtype=jnp.float32) / np.sqrt(H); ki += 1
    inp["bm2"] = jnp.zeros((1,), jnp.float32)
    return inp


def _gin_layer(x, src, dst, W1, b1, W2, b2, g, be, num_nodes):
    # GINConv with eps=0 (train_eps=False): nn((1+eps)*x + sum_{j in N(i)} x_j)
    agg = jax.ops.segment_sum(x[src], dst, num_segments=num_nodes)
    h = x + agg
    h = jax.nn.relu(h @ W1 + b1)
    h = jax.nn.relu(h @ W2 + b2)
    # BatchNorm1d in eval mode: running_mean=0, running_var=1
    h = h / jnp.sqrt(1.0 + BN_EPS) * g + be
    return h


def _forward(num_nodes, z, edge_index, batch, z_table, layer_params, Wm1, bm1, Wm2, bm2):
    # dropedge=0.0 and eval mode -> dropout_adj is identity
    n_static = z.shape[0]
    src = edge_index[0]
    dst = edge_index[1]
    x = z_table[z]  # z_embedding lookup (z.ndim==1 so no sum over dim 1)
    xs = []
    for (W1, b1, W2, b2, g, be) in layer_params:
        x = _gin_layer(x, src, dst, W1, b1, W2, b2, g, be, n_static)
        xs.append(x)
    # jk=True: concatenate all layer outputs then global mean pool
    xcat = jnp.concatenate(xs, axis=1)
    sums = jax.ops.segment_sum(xcat, batch, num_segments=NUM_GRAPHS)
    counts = jax.ops.segment_sum(jnp.ones((n_static,), jnp.float32), batch, num_segments=NUM_GRAPHS)
    counts = counts + (num_nodes - n_static).astype(jnp.float32)
    pooled = sums / jnp.maximum(counts, 1.0)[:, None]
    # MLP([3*H, H, 1], dropout=0.5, batch_norm=False) in eval mode (dropout=identity)
    h = jax.nn.relu(pooled @ Wm1 + bm1)
    out = h @ Wm2 + bm2
    return out


def reference(num_nodes, z, edge_index, batch, z_table, W1_0, b1_0, W2_0, b2_0, g_0, be_0, W1_1, b1_1, W2_1, b2_1, g_1, be_1, W1_2, b1_2, W2_2, b2_2, g_2, be_2, Wm1, bm1, Wm2, bm2):
    layer_params = [
        (W1_0, b1_0, W2_0, b2_0, g_0, be_0),
        (W1_1, b1_1, W2_1, b2_1, g_1, be_1),
        (W1_2, b1_2, W2_2, b2_2, g_2, be_2),
    ]
    return _forward(jnp.asarray(num_nodes), z, edge_index, batch, z_table, layer_params, Wm1, bm1, Wm2, bm2)

if __name__ == "__main__":
    import jax
    _d = setup_inputs()
    print(jax.jit(kernel)(*tuple(_d.values())))

</pallas_src>

<mosaic_0001>
#map = affine_map<(d0, d1) -> (0, 0)>
#map1 = affine_map<(d0, d1) -> (0, 0, 0)>
module attributes {stable_mosaic.version = 14 : i64} {
  func.func @_agg_body(%arg0: i32, %arg1: i32, %arg2: memref<10000x128xf32, #tpu.memory_space<hbm>>, %arg3: memref<6400x2x50xi32, #tpu.memory_space<hbm>>, %arg4: memref<10240x128xf32, #tpu.memory_space<hbm>>, %arg5: memref<2x10240x128xf32, #tpu.memory_space<hbm>>, %arg6: memref<2x50xi32, #tpu.memory_space<vmem>>, %arg7: memref<2x50xi32, #tpu.memory_space<vmem>>, %arg8: memref<2x50xi32, #tpu.memory_space<vmem>>, %arg9: memref<2x50xi32, #tpu.memory_space<vmem>>, %arg10: memref<50x128xf32, #tpu.memory_space<vmem>>, %arg11: memref<50x128xf32, #tpu.memory_space<vmem>>, %arg12: memref<50x128xf32, #tpu.memory_space<vmem>>, %arg13: memref<50x128xf32, #tpu.memory_space<vmem>>, %arg14: memref<10240x128xf32, #tpu.memory_space<vmem_shared>>, %arg15: memref<!tpu.dma_semaphore, #tpu.memory_space<semaphore_mem>>, %arg16: memref<!tpu.dma_semaphore, #tpu.memory_space<semaphore_mem>>, %arg17: memref<!tpu.dma_semaphore, #tpu.memory_space<semaphore_mem>>, %arg18: memref<!tpu.dma_semaphore, #tpu.memory_space<semaphore_mem>>, %arg19: memref<!tpu.dma_semaphore, #tpu.memory_space<semaphore_mem>>, %arg20: memref<!tpu.dma_semaphore, #tpu.memory_space<semaphore_mem>>, %arg21: memref<!tpu.dma_semaphore, #tpu.memory_space<semaphore_mem>>, %arg22: memref<!tpu.dma_semaphore, #tpu.memory_space<semaphore_mem>>, %arg23: memref<!tpu.dma_semaphore, #tpu.memory_space<semaphore_mem>>, %arg24: memref<!tpu.dma_semaphore, #tpu.memory_space<semaphore_mem>>, %arg25: memref<!tpu.dma_semaphore, #tpu.memory_space<semaphore_mem>>, %arg26: memref<!tpu.dma_semaphore, #tpu.memory_space<semaphore_mem>>) attributes {dimension_semantics = [#tpu.dimension_semantics<core_parallel>, #tpu.dimension_semantics<subcore_parallel>], iteration_bounds = array<i64: 2, 16>, scalar_prefetch = 0 : i64, scratch_operands = 21 : i64, tpu.core_type = #tpu.core_type<sc_vector_subcore>, window_params = [{transform_indices = #map}, {transform_indices = #map1}, {transform_indices = #map}, {transform_indices = #map1}]} {
    %mul3A = arith.constant 16 : i32
    %mul3A_0 = arith.muli %arg0, %mul3A : i32
    %add3A = arith.addi %mul3A_0, %arg1 : i32
    %mul3A_1 = arith.constant 200 : i32
    %mul3A_2 = arith.muli %add3A, %mul3A_1 : i32
    %add3A_3 = arith.constant 0 : i32
    %add3A_4 = arith.addi %mul3A_2, %add3A_3 : i32
    %dma_start3A = arith.constant 0 : i32
    %dma_start3A_5 = arith.constant 0 : i32
    %dma_start3A_6 = tpu.memref_slice %arg3[%add3A_4, %dma_start3A, %dma_start3A_5] : memref<6400x2x50xi32, #tpu.memory_space<hbm>> -> memref<1x2x50xi32, #tpu.memory_space<hbm>>
    %dma_start3A_7 = tpu.memref_squeeze %dma_start3A_6 : memref<1x2x50xi32, #tpu.memory_space<hbm>> -> memref<2x50xi32, #tpu.memory_space<hbm>>
    %dma_start3A_8 = arith.constant 0 : i32
    %dma_start3A_9 = arith.constant 0 : i32
    %dma_start3A_10 = tpu.memref_slice %arg3[%add3A_4, %dma_start3A_8, %dma_start3A_9] : memref<6400x2x50xi32, #tpu.memory_space<hbm>> -> memref<1x2x50xi32, #tpu.memory_space<hbm>>
    %dma_start3A_11 = tpu.memref_squeeze %dma_start3A_10 : memref<1x2x50xi32, #tpu.memory_space<hbm>> -> memref<2x50xi32, #tpu.memory_space<hbm>>
    tpu.enqueue_dma source(%dma_start3A_11 : memref<2x50xi32, #tpu.memory_space<hbm>>) target(%arg6 : memref<2x50xi32, #tpu.memory_space<vmem>>) target_semaphore(%arg15 : memref<!tpu.dma_semaphore, #tpu.memory_space<semaphore_mem>>)
    %add3A_12 = arith.constant 1 : i32
    %add3A_13 = arith.addi %mul3A_2, %add3A_12 : i32
    %dma_start3A_14 = arith.constant 0 : i32
    %dma_start3A_15 = arith.constant 0 : i32
    %dma_start3A_16 = tpu.memref_slice %arg3[%add3A_13, %dma_start3A_14, %dma_start3A_15] : memref<6400x2x50xi32, #tpu.memory_space<hbm>> -> memref<1x2x50xi32, #tpu.memory_space<hbm>>
    %dma_start3A_17 = tpu.memref_squeeze %dma_start3A_16 : memref<1x2x50xi32, #tpu.memory_space<hbm>> -> memref<2x50xi32, #tpu.memory_space<hbm>>
    %dma_start3A_18 = arith.constant 0 : i32
    %dma_start3A_19 = arith.constant 0 : i32
    %dma_start3A_20 = tpu.memref_slice %arg3[%add3A_13, %dma_start3A_18, %dma_start3A_19] : memref<6400x2x50xi32, #tpu.memory_space<hbm>> -> memref<1x2x50xi32, #tpu.memory_space<hbm>>
    %dma_start3A_21 = tpu.memref_squeeze %dma_start3A_20 : memref<1x2x50xi32, #tpu.memory_space<hbm>> -> memref<2x50xi32, #tpu.memory_space<hbm>>
    tpu.enqueue_dma source(%dma_start3A_21 : memref<2x50xi32, #tpu.memory_space<hbm>>) target(%arg7 : memref<2x50xi32, #tpu.memory_space<vmem>>) target_semaphore(%arg16 : memref<!tpu.dma_semaphore, #tpu.memory_space<semaphore_mem>>)
    %dma_wait3A = arith.constant 0 : i32
    %dma_wait3A_22 = arith.constant 0 : i32
    %dma_wait3A_23 = tpu.memref_slice %arg3[%mul3A_2, %dma_wait3A, %dma_wait3A_22] : memref<6400x2x50xi32, #tpu.memory_space<hbm>> -> memref<1x2x50xi32, #tpu.memory_space<hbm>>
    %dma_wait3A_24 = tpu.memref_squeeze %dma_wait3A_23 : memref<1x2x50xi32, #tpu.memory_space<hbm>> -> memref<2x50xi32, #tpu.memory_space<hbm>>
    %dma_wait3A_25 = arith.constant 0 : i32
    %dma_wait3A_26 = arith.constant 0 : i32
    %dma_wait3A_27 = tpu.memref_slice %arg3[%mul3A_2, %dma_wait3A_25, %dma_wait3A_26] : memref<6400x2x50xi32, #tpu.memory_space<hbm>> -> memref<1x2x50xi32, #tpu.memory_space<hbm>>
    %dma_wait3A_28 = tpu.memref_squeeze %dma_wait3A_27 : memref<1x2x50xi32, #tpu.memory_space<hbm>> -> memref<2x50xi32, #tpu.memory_space<hbm>>
    tpu.wait_dma2 semaphore(%arg15 : memref<!tpu.dma_semaphore, #tpu.memory_space<semaphore_mem>>) src(%dma_wait3A_28 : memref<2x50xi32, #tpu.memory_space<hbm>>) dst(%arg6 : memref<2x50xi32, #tpu.memory_space<vmem>>)
    %dma_start3A_29 = arith.constant 0 : i32
    %dma_start3A_30 = arith.constant 0 : i32
    %dma_start3A_31 = tpu.memref_slice %arg6[%dma_start3A_29, %dma_start3A_30] : memref<2x50xi32, #tpu.memory_space<vmem>> -> memref<1x50xi32, #tpu.memory_space<vmem>>
    %dma_start3A_32 = tpu.memref_squeeze %dma_start3A_31 : memref<1x50xi32, #tpu.memory_space<vmem>> -> memref<50xi32, #tpu.memory_space<vmem>>
    %dma_start3A_33 = arith.constant 0 : i32
    %dma_start3A_34 = arith.constant 0 : i32
    %dma_start3A_35 = tpu.memref_slice %arg2[%dma_start3A_33, %dma_start3A_34] : memref<10000x128xf32, #tpu.memory_space<hbm>> -> memref<10000x128xf32, #tpu.memory_space<hbm>>
    tpu.enqueue_indirect_dma source(%dma_start3A_35 : memref<10000x128xf32, #tpu.memory_space<hbm>>) target(%arg10 : memref<50x128xf32, #tpu.memory_space<vmem>>) offsets(%dma_start3A_32 : memref<50xi32, #tpu.memory_space<vmem>>) semaphore(%arg19 : memref<!tpu.dma_semaphore, #tpu.memory_space<semaphore_mem>>)
    %dma_wait3A_36 = arith.constant 0 : i32
    %dma_wait3A_37 = arith.constant 0 : i32
    %dma_wait3A_38 = tpu.memref_slice %arg3[%mul3A_2, %dma_wait3A_36, %dma_wait3A_37] : memref<6400x2x50xi32, #tpu.memory_space<hbm>> -> memref<1x2x50xi32, #tpu.memory_space<hbm>>
    %dma_wait3A_39 = tpu.memref_squeeze %dma_wait3A_38 : memref<1x2x50xi32, #tpu.memory_space<hbm>> -> memref<2x50xi32, #tpu.memory_space<hbm>>
    %dma_wait3A_40 = arith.constant 0 : i32
    %dma_wait3A_41 = arith.constant 0 : i32
    %dma_wait3A_42 = tpu.memref_slice %arg3[%mul3A_2, %dma_wait3A_40, %dma_wait3A_41] : memref<6400x2x50xi32, #tpu.memory_space<hbm>> -> memref<1x2x50xi32, #tpu.memory_space<hbm>>
    %dma_wait3A_43 = tpu.memref_squeeze %dma_wait3A_42 : memref<1x2x50xi32, #tpu.memory_space<hbm>> -> memref<2x50xi32, #tpu.memory_space<hbm>>
    tpu.wait_dma2 semaphore(%arg16 : memref<!tpu.dma_semaphore, #tpu.memory_space<semaphore_mem>>) src(%dma_wait3A_43 : memref<2x50xi32, #tpu.memory_space<hbm>>) dst(%arg7 : memref<2x50xi32, #tpu.memory_space<vmem>>)
    %dma_start3A_44 = arith.constant 0 : i32
    %dma_start3A_45 = arith.constant 0 : i32
    %dma_start3A_46 = tpu.memref_slice %arg7[%dma_start3A_44, %dma_start3A_45] : memref<2x50xi32, #tpu.memory_space<vmem>> -> memref<1x50xi32, #tpu.memory_space<vmem>>
    %dma_start3A_47 = tpu.memref_squeeze %dma_start3A_46 : memref<1x50xi32, #tpu.memory_space<vmem>> -> memref<50xi32, #tpu.memory_space<vmem>>
    %dma_start3A_48 = arith.constant 0 : i32
    %dma_start3A_49 = arith.constant 0 : i32
    %dma_start3A_50 = tpu.memref_slice %arg2[%dma_start3A_48, %dma_start3A_49] : memref<10000x128xf32, #tpu.memory_space<hbm>> -> memref<10000x128xf32, #tpu.memory_space<hbm>>
    tpu.enqueue_indirect_dma source(%dma_start3A_50 : memref<10000x128xf32, #tpu.memory_space<hbm>>) target(%arg11 : memref<50x128xf32, #tpu.memory_space<vmem>>) offsets(%dma_start3A_47 : memref<50xi32, #tpu.memory_space<vmem>>) semaphore(%arg20 : memref<!tpu.dma_semaphore, #tpu.memory_space<semaphore_mem>>)
    %mul3A_51 = arith.constant 640 : i32
    %mul3A_52 = arith.muli %arg1, %mul3A_51 : i32
    %mul3A_53 = arith.constant 640 : i32
    %mul3A_54 = arith.muli %arg1, %mul3A_53 : i32
    "tpu.region"() ({
      %run_scoped3A = tpu.sem_alloc : memref<!tpu.dma_semaphore, #tpu.memory_space<semaphore_mem>>
      %dma_start3A_78 = arith.constant 0 : i32
      %dma_start3A_79 = tpu.memref_slice %arg14[%mul3A_54, %dma_start3A_78] : memref<10240x128xf32, #tpu.memory_space<vmem_shared>> -> memref<640x128xf32, #tpu.memory_space<vmem_shared>>
      %dma_start3A_80 = arith.constant 0 : i32
      %dma_start3A_81 = tpu.memref_slice %arg4[%mul3A_52, %dma_start3A_80] : memref<10240x128xf32, #tpu.memory_space<hbm>> -> memref<640x128xf32, #tpu.memory_space<hbm>>
      tpu.enqueue_dma source(%dma_start3A_81 : memref<640x128xf32, #tpu.memory_space<hbm>>) target(%dma_start3A_79 : memref<640x128xf32, #tpu.memory_space<vmem_shared>>) target_semaphore(%run_scoped3A : memref<!tpu.dma_semaphore, #tpu.memory_space<semaphore_mem>>)
      %dma_wait3A_82 = arith.constant 0 : i32
      %dma_wait3A_83 = tpu.memref_slice %arg14[%mul3A_54, %dma_wait3A_82] : memref<10240x128xf32, #tpu.memory_space<vmem_shared>> -> memref<640x128xf32, #tpu.memory_space<vmem_shared>>
      %dma_wait3A_84 = arith.constant 0 : i32
      %dma_wait3A_85 = tpu.memref_slice %arg4[%mul3A_52, %dma_wait3A_84] : memref<10240x128xf32, #tpu.memory_space<hbm>> -> memref<640x128xf32, #tpu.memory_space<hbm>>
      tpu.wait_dma2 semaphore(%run_scoped3A : memref<!tpu.dma_semaphore, #tpu.memory_space<semaphore_mem>>) src(%dma_wait3A_85 : memref<640x128xf32, #tpu.memory_space<hbm>>) dst(%dma_wait3A_83 : memref<640x128xf32, #tpu.memory_space<vmem_shared>>)
      tpu.yield
    }) : () -> ()
    %barrier3A = arith.constant 0 : index
    tpu.barrier barrier_id(%barrier3A)
    %scan3A = arith.constant 0 : i32
    %scan3A_55 = arith.constant 50 : i32
    %scan3A_56 = arith.addi %scan3A, %scan3A_55 : i32
    %scan3A_57 = arith.constant 1 : i32
    scf.for %scan3A_78 = %scan3A to %scan3A_56 step %scan3A_57  : i32 {
      %mul3A_79 = arith.constant 4 : i32
      %mul3A_80 = arith.muli %scan3A_78, %mul3A_79 : i32
      %add3A_81 = arith.constant 0 : i32
      %add3A_82 = arith.addi %add3A_81, %mul3A_80 : i32
      %add3A_83 = arith.constant 0 : i32
      %add3A_84 = arith.addi %add3A_82, %add3A_83 : i32
      %ge3A = arith.constant 2 : i32
      %ge3A_85 = arith.cmpi sge, %add3A_84, %ge3A : i32
      %convert_element_type3A = arith.extui %ge3A_85 : i1 to i32
      %cond3A = arith.constant 0 : i32
      %cond3A_86 = arith.cmpi ne, %convert_element_type3A, %cond3A : i32
      scf.if %cond3A_86 {
        %dma_wait3A_223 = arith.constant 1 : i32
        %dma_wait3A_224 = arith.constant 0 : i32
        %dma_wait3A_225 = tpu.memref_slice %arg8[%dma_wait3A_223, %dma_wait3A_224] : memref<2x50xi32, #tpu.memory_space<vmem>> -> memref<1x50xi32, #tpu.memory_space<vmem>>
        %dma_wait3A_226 = tpu.memref_squeeze %dma_wait3A_225 : memref<1x50xi32, #tpu.memory_space<vmem>> -> memref<50xi32, #tpu.memory_space<vmem>>
        %dma_wait3A_227 = arith.constant 0 : i32
        %dma_wait3A_228 = arith.constant 0 : i32
        %dma_wait3A_229 = tpu.memref_slice %arg14[%dma_wait3A_227, %dma_wait3A_228] : memref<10240x128xf32, #tpu.memory_space<vmem_shared>> -> memref<10240x128xf32, #tpu.memory_space<vmem_shared>>
        tpu.wait_indirect_dma semaphore(%arg25 : memref<!tpu.dma_semaphore, #tpu.memory_space<semaphore_mem>>) src(%arg12 : memref<50x128xf32, #tpu.memory_space<vmem>>) dst(%dma_wait3A_229 : memref<10240x128xf32, #tpu.memory_space<vmem_shared>>)
      } else {
      }
      %add3A_87 = arith.constant 2 : i32
      %add3A_88 = arith.addi %add3A_84, %add3A_87 : i32
      %lt3A = arith.constant 200 : i32
      %lt3A_89 = arith.cmpi slt, %add3A_88, %lt3A : i32
      %convert_element_type3A_90 = arith.extui %lt3A_89 : i1 to i32
      %cond3A_91 = arith.constant 0 : i32
      %cond3A_92 = arith.cmpi ne, %convert_element_type3A_90, %cond3A_91 : i32
      scf.if %cond3A_92 {
        %add3A_223 = arith.constant 2 : i32
        %add3A_224 = arith.addi %add3A_84, %add3A_223 : i32
        %add3A_225 = arith.addi %mul3A_2, %add3A_224 : i32
        %dma_start3A_226 = arith.constant 0 : i32
        %dma_start3A_227 = arith.constant 0 : i32
        %dma_start3A_228 = tpu.memref_slice %arg3[%add3A_225, %dma_start3A_226, %dma_start3A_227] : memref<6400x2x50xi32, #tpu.memory_space<hbm>> -> memref<1x2x50xi32, #tpu.memory_space<hbm>>
        %dma_start3A_229 = tpu.memref_squeeze %dma_start3A_228 : memref<1x2x50xi32, #tpu.memory_space<hbm>> -> memref<2x50xi32, #tpu.memory_space<hbm>>
        %dma_start3A_230 = arith.constant 0 : i32
        %dma_start3A_231 = arith.constant 0 : i32
        %dma_start3A_232 = tpu.memref_slice %arg3[%add3A_225, %dma_start3A_230, %dma_start3A_231] : memref<6400x2x50xi32, #tpu.memory_space<hbm>> -> memref<1x2x50xi32, #tpu.memory_space<hbm>>
        %dma_start3A_233 = tpu.memref_squeeze %dma_start3A_232 : memref<1x2x50xi32, #tpu.memory_space<hbm>> -> memref<2x50xi32, #tpu.memory_space<hbm>>
        tpu.enqueue_dma source(%dma_start3A_233 : memref<2x50xi32, #tpu.memory_space<hbm>>) target(%arg8 : memref<2x50xi32, #tpu.memory_space<vmem>>) target_semaphore(%arg17 : memref<!tpu.dma_semaphore, #tpu.memory_space<semaphore_mem>>)
      } else {
      }
      %dma_wait3A_93 = arith.constant 0 : i32
      %dma_wait3A_94 = arith.constant 0 : i32
      %dma_wait3A_95 = tpu.memref_slice %arg6[%dma_wait3A_93, %dma_wait3A_94] : memref<2x50xi32, #tpu.memory_space<vmem>> -> memref<1x50xi32, #tpu.memory_space<vmem>>
      %dma_wait3A_96 = tpu.memref_squeeze %dma_wait3A_95 : memref<1x50xi32, #tpu.memory_space<vmem>> -> memref<50xi32, #tpu.memory_space<vmem>>
      %dma_wait3A_97 = arith.constant 0 : i32
      %dma_wait3A_98 = arith.constant 0 : i32
      %dma_wait3A_99 = tpu.memref_slice %arg2[%dma_wait3A_97, %dma_wait3A_98] : memref<10000x128xf32, #tpu.memory_space<hbm>> -> memref<10000x128xf32, #tpu.memory_space<hbm>>
      tpu.wait_indirect_dma semaphore(%arg19 : memref<!tpu.dma_semaphore, #tpu.memory_space<semaphore_mem>>) src(%dma_wait3A_99 : memref<10000x128xf32, #tpu.memory_space<hbm>>) dst(%arg10 : memref<50x128xf32, #tpu.memory_space<vmem>>)
      %dma_start3A_100 = arith.constant 1 : i32
      %dma_start3A_101 = arith.constant 0 : i32
      %dma_start3A_102 = tpu.memref_slice %arg6[%dma_start3A_100, %dma_start3A_101] : memref<2x50xi32, #tpu.memory_space<vmem>> -> memref<1x50xi32, #tpu.memory_space<vmem>>
      %dma_start3A_103 = tpu.memref_squeeze %dma_start3A_102 : memref<1x50xi32, #tpu.memory_space<vmem>> -> memref<50xi32, #tpu.memory_space<vmem>>
      %dma_start3A_104 = arith.constant 0 : i32
      %dma_start3A_105 = arith.constant 0 : i32
      %dma_start3A_106 = tpu.memref_slice %arg14[%dma_start3A_104, %dma_start3A_105] : memref<10240x128xf32, #tpu.memory_space<vmem_shared>> -> memref<10240x128xf32, #tpu.memory_space<vmem_shared>>
      tpu.enqueue_indirect_dma source(%arg10 : memref<50x128xf32, #tpu.memory_space<vmem>>) target(%dma_start3A_106 : memref<10240x128xf32, #tpu.memory_space<vmem_shared>>) offsets(%dma_start3A_103 : memref<50xi32, #tpu.memory_space<vmem>>) semaphore(%arg23 : memref<!tpu.dma_semaphore, #tpu.memory_space<semaphore_mem>>) {add = true}
      %add3A_107 = arith.constant 2 : i32
      %add3A_108 = arith.addi %add3A_84, %add3A_107 : i32
      %lt3A_109 = arith.constant 200 : i32
      %lt3A_110 = arith.cmpi slt, %add3A_108, %lt3A_109 : i32
      %convert_element_type3A_111 = arith.extui %lt3A_110 : i1 to i32
      %cond3A_112 = arith.constant 0 : i32
      %cond3A_113 = arith.cmpi ne, %convert_element_type3A_111, %cond3A_112 : i32
      scf.if %cond3A_113 {
        %dma_wait3A_223 = arith.constant 0 : i32
        %dma_wait3A_224 = arith.constant 0 : i32
        %dma_wait3A_225 = tpu.memref_slice %arg3[%mul3A_2, %dma_wait3A_223, %dma_wait3A_224] : memref<6400x2x50xi32, #tpu.memory_space<hbm>> -> memref<1x2x50xi32, #tpu.memory_space<hbm>>
        %dma_wait3A_226 = tpu.memref_squeeze %dma_wait3A_225 : memref<1x2x50xi32, #tpu.memory_space<hbm>> -> memref<2x50xi32, #tpu.memory_space<hbm>>
        %dma_wait3A_227 = arith.constant 0 : i32
        %dma_wait3A_228 = arith.constant 0 : i32
        %dma_wait3A_229 = tpu.memref_slice %arg3[%mul3A_2, %dma_wait3A_227, %dma_wait3A_228] : memref<6400x2x50xi32, #tpu.memory_space<hbm>> -> memref<1x2x50xi32, #tpu.memory_space<hbm>>
        %dma_wait3A_230 = tpu.memref_squeeze %dma_wait3A_229 : memref<1x2x50xi32, #tpu.memory_space<hbm>> -> memref<2x50xi32, #tpu.memory_space<hbm>>
        tpu.wait_dma2 semaphore(%arg17 : memref<!tpu.dma_semaphore, #tpu.memory_space<semaphore_mem>>) src(%dma_wait3A_230 : memref<2x50xi32, #tpu.memory_space<hbm>>) dst(%arg8 : memref<2x50xi32, #tpu.memory_space<vmem>>)
        %add3A_231 = arith.constant 2 : i32
        %add3A_232 = arith.addi %add3A_84, %add3A_231 : i32
        %dma_start3A_233 = arith.constant 0 : i32
        %dma_start3A_234 = arith.constant 0 : i32
        %dma_start3A_235 = tpu.memref_slice %arg8[%dma_start3A_233, %dma_start3A_234] : memref<2x50xi32, #tpu.memory_space<vmem>> -> memref<1x50xi32, #tpu.memory_space<vmem>>
        %dma_start3A_236 = tpu.memref_squeeze %dma_start3A_235 : memref<1x50xi32, #tpu.memory_space<vmem>> -> memref<50xi32, #tpu.memory_space<vmem>>
        %dma_start3A_237 = arith.constant 0 : i32
        %dma_start3A_238 = arith.constant 0 : i32
        %dma_start3A_239 = tpu.memref_slice %arg2[%dma_start3A_237, %dma_start3A_238] : memref<10000x128xf32, #tpu.memory_space<hbm>> -> memref<10000x128xf32, #tpu.memory_space<hbm>>
        tpu.enqueue_indirect_dma source(%dma_start3A_239 : memref<10000x128xf32, #tpu.memory_space<hbm>>) target(%arg12 : memref<50x128xf32, #tpu.memory_space<vmem>>) offsets(%dma_start3A_236 : memref<50xi32, #tpu.memory_space<vmem>>) semaphore(%arg21 : memref<!tpu.dma_semaphore, #tpu.memory_space<semaphore_mem>>)
      } else {
      }
      %add3A_114 = arith.constant 1 : i32
      %add3A_115 = arith.addi %add3A_82, %add3A_114 : i32
      %ge3A_116 = arith.constant 2 : i32
      %ge3A_117 = arith.cmpi sge, %add3A_115, %ge3A_116 : i32
      %convert_element_type3A_118 = arith.extui %ge3A_117 : i1 to i32
      %cond3A_119 = arith.constant 0 : i32
      %cond3A_120 = arith.cmpi ne, %convert_element_type3A_118, %cond3A_119 : i32
      scf.if %cond3A_120 {
        %dma_wait3A_223 = arith.constant 1 : i32
        %dma_wait3A_224 = arith.constant 0 : i32
        %dma_wait3A_225 = tpu.memref_slice %arg9[%dma_wait3A_223, %dma_wait3A_224] : memref<2x50xi32, #tpu.memory_space<vmem>> -> memref<1x50xi32, #tpu.memory_space<vmem>>
        %dma_wait3A_226 = tpu.memref_squeeze %dma_wait3A_225 : memref<1x50xi32, #tpu.memory_space<vmem>> -> memref<50xi32, #tpu.memory_space<vmem>>
        %dma_wait3A_227 = arith.constant 0 : i32
        %dma_wait3A_228 = arith.constant 0 : i32
        %dma_wait3A_229 = tpu.memref_slice %arg14[%dma_wait3A_227, %dma_wait3A_228] : memref<10240x128xf32, #tpu.memory_space<vmem_shared>> -> memref<10240x128xf32, #tpu.memory_space<vmem_shared>>
        tpu.wait_indirect_dma semaphore(%arg26 : memref<!tpu.dma_semaphore, #tpu.memory_space<semaphore_mem>>) src(%arg13 : memref<50x128xf32, #tpu.memory_space<vmem>>) dst(%dma_wait3A_229 : memref<10240x128xf32, #tpu.memory_space<vmem_shared>>)
      } else {
      }
      %add3A_121 = arith.constant 2 : i32
      %add3A_122 = arith.addi %add3A_115, %add3A_121 : i32
      %lt3A_123 = arith.constant 200 : i32
      %lt3A_124 = arith.cmpi slt, %add3A_122, %lt3A_123 : i32
      %convert_element_type3A_125 = arith.extui %lt3A_124 : i1 to i32
      %cond3A_126 = arith.constant 0 : i32
      %cond3A_127 = arith.cmpi ne, %convert_element_type3A_125, %cond3A_126 : i32
      scf.if %cond3A_127 {
        %add3A_223 = arith.constant 2 : i32
        %add3A_224 = arith.addi %add3A_115, %add3A_223 : i32
        %add3A_225 = arith.addi %mul3A_2, %add3A_224 : i32
        %dma_start3A_226 = arith.constant 0 : i32
        %dma_start3A_227 = arith.constant 0 : i32
        %dma_start3A_228 = tpu.memref_slice %arg3[%add3A_225, %dma_start3A_226, %dma_start3A_227] : memref<6400x2x50xi32, #tpu.memory_space<hbm>> -> memref<1x2x50xi32, #tpu.memory_space<hbm>>
        %dma_start3A_229 = tpu.memref_squeeze %dma_start3A_228 : memref<1x2x50xi32, #tpu.memory_space<hbm>> -> memref<2x50xi32, #tpu.memory_space<hbm>>
        %dma_start3A_230 = arith.constant 0 : i32
        %dma_start3A_231 = arith.constant 0 : i32
        %dma_start3A_232 = tpu.memref_slice %arg3[%add3A_225, %dma_start3A_230, %dma_start3A_231] : memref<6400x2x50xi32, #tpu.memory_space<hbm>> -> memref<1x2x50xi32, #tpu.memory_space<hbm>>
        %dma_start3A_233 = tpu.memref_squeeze %dma_start3A_232 : memref<1x2x50xi32, #tpu.memory_space<hbm>> -> memref<2x50xi32, #tpu.memory_space<hbm>>
        tpu.enqueue_dma source(%dma_start3A_233 : memref<2x50xi32, #tpu.memory_space<hbm>>) target(%arg9 : memref<2x50xi32, #tpu.memory_space<vmem>>) target_semaphore(%arg18 : memref<!tpu.dma_semaphore, #tpu.memory_space<semaphore_mem>>)
      } else {
      }
      %dma_wait3A_128 = arith.constant 0 : i32
      %dma_wait3A_129 = arith.constant 0 : i32
      %dma_wait3A_130 = tpu.memref_slice %arg7[%dma_wait3A_128, %dma_wait3A_129] : memref<2x50xi32, #tpu.memory_space<vmem>> -> memref<1x50xi32, #tpu.memory_space<vmem>>
      %dma_wait3A_131 = tpu.memref_squeeze %dma_wait3A_130 : memref<1x50xi32, #tpu.memory_space<vmem>> -> memref<50xi32, #tpu.memory_space<vmem>>
      %dma_wait3A_132 = arith.constant 0 : i32
      %dma_wait3A_133 = arith.constant 0 : i32
      %dma_wait3A_134 = tpu.memref_slice %arg2[%dma_wait3A_132, %dma_wait3A_133] : memref<10000x128xf32, #tpu.memory_space<hbm>> -> memref<10000x128xf32, #tpu.memory_space<hbm>>
      tpu.wait_indirect_dma semaphore(%arg20 : memref<!tpu.dma_semaphore, #tpu.memory_space<semaphore_mem>>) src(%dma_wait3A_134 : memref<10000x128xf32, #tpu.memory_space<hbm>>) dst(%arg11 : memref<50x128xf32, #tpu.memory_space<vmem>>)
      %dma_start3A_135 = arith.constant 1 : i32
      %dma_start3A_136 = arith.constant 0 : i32
      %dma_start3A_137 = tpu.memref_slice %arg7[%dma_start3A_135, %dma_start3A_136] : memref<2x50xi32, #tpu.memory_space<vmem>> -> memref<1x50xi32, #tpu.memory_space<vmem>>
      %dma_start3A_138 = tpu.memref_squeeze %dma_start3A_137 : memref<1x50xi32, #tpu.memory_space<vmem>> -> memref<50xi32, #tpu.memory_space<vmem>>
      %dma_start3A_139 = arith.constant 0 : i32
      %dma_start3A_140 = arith.constant 0 : i32
      %dma_start3A_141 = tpu.memref_slice %arg14[%dma_start3A_139, %dma_start3A_140] : memref<10240x128xf32, #tpu.memory_space<vmem_shared>> -> memref<10240x128xf32, #tpu.memory_space<vmem_shared>>
      tpu.enqueue_indirect_dma source(%arg11 : memref<50x128xf32, #tpu.memory_space<vmem>>) target(%dma_start3A_141 : memref<10240x128xf32, #tpu.memory_space<vmem_shared>>) offsets(%dma_start3A_138 : memref<50xi32, #tpu.memory_space<vmem>>) semaphore(%arg24 : memref<!tpu.dma_semaphore, #tpu.memory_space<semaphore_mem>>) {add = true}
      %add3A_142 = arith.constant 2 : i32
      %add3A_143 = arith.addi %add3A_115, %add3A_142 : i32
      %lt3A_144 = arith.constant 200 : i32
      %lt3A_145 = arith.cmpi slt, %add3A_143, %lt3A_144 : i32
      %convert_element_type3A_146 = arith.extui %lt3A_145 : i1 to i32
      %cond3A_147 = arith.constant 0 : i32
      %cond3A_148 = arith.cmpi ne, %convert_element_type3A_146, %cond3A_147 : i32
      scf.if %cond3A_148 {
        %dma_wait3A_223 = arith.constant 0 : i32
        %dma_wait3A_224 = arith.constant 0 : i32
        %dma_wait3A_225 = tpu.memref_slice %arg3[%mul3A_2, %dma_wait3A_223, %dma_wait3A_224] : memref<6400x2x50xi32, #tpu.memory_space<hbm>> -> memref<1x2x50xi32, #tpu.memory_space<hbm>>
        %dma_wait3A_226 = tpu.memref_squeeze %dma_wait3A_225 : memref<1x2x50xi32, #tpu.memory_space<hbm>> -> memref<2x50xi32, #tpu.memory_space<hbm>>
        %dma_wait3A_227 = arith.constant 0 : i32
        %dma_wait3A_228 = arith.constant 0 : i32
        %dma_wait3A_229 = tpu.memref_slice %arg3[%mul3A_2, %dma_wait3A_227, %dma_wait3A_228] : memref<6400x2x50xi32, #tpu.memory_space<hbm>> -> memref<1x2x50xi32, #tpu.memory_space<hbm>>
        %dma_wait3A_230 = tpu.memref_squeeze %dma_wait3A_229 : memref<1x2x50xi32, #tpu.memory_space<hbm>> -> memref<2x50xi32, #tpu.memory_space<hbm>>
        tpu.wait_dma2 semaphore(%arg18 : memref<!tpu.dma_semaphore, #tpu.memory_space<semaphore_mem>>) src(%dma_wait3A_230 : memref<2x50xi32, #tpu.memory_space<hbm>>) dst(%arg9 : memref<2x50xi32, #tpu.memory_space<vmem>>)
        %add3A_231 = arith.constant 2 : i32
        %add3A_232 = arith.addi %add3A_115, %add3A_231 : i32
        %dma_start3A_233 = arith.constant 0 : i32
        %dma_start3A_234 = arith.constant 0 : i32
        %dma_start3A_235 = tpu.memref_slice %arg9[%dma_start3A_233, %dma_start3A_234] : memref<2x50xi32, #tpu.memory_space<vmem>> -> memref<1x50xi32, #tpu.memory_space<vmem>>
        %dma_start3A_236 = tpu.memref_squeeze %dma_start3A_235 : memref<1x50xi32, #tpu.memory_space<vmem>> -> memref<50xi32, #tpu.memory_space<vmem>>
        %dma_start3A_237 = arith.constant 0 : i32
        %dma_start3A_238 = arith.constant 0 : i32
        %dma_start3A_239 = tpu.memref_slice %arg2[%dma_start3A_237, %dma_start3A_238] : memref<10000x128xf32, #tpu.memory_space<hbm>> -> memref<10000x128xf32, #tpu.memory_space<hbm>>
        tpu.enqueue_indirect_dma source(%dma_start3A_239 : memref<10000x128xf32, #tpu.memory_space<hbm>>) target(%arg13 : memref<50x128xf32, #tpu.memory_space<vmem>>) offsets(%dma_start3A_236 : memref<50xi32, #tpu.memory_space<vmem>>) semaphore(%arg22 : memref<!tpu.dma_semaphore, #tpu.memory_space<semaphore_mem>>)
      } else {
      }
      %add3A_149 = arith.constant 2 : i32
      %add3A_150 = arith.addi %add3A_82, %add3A_149 : i32
      %dma_wait3A_151 = arith.constant 1 : i32
      %dma_wait3A_152 = arith.constant 0 : i32
      %dma_wait3A_153 = tpu.memref_slice %arg6[%dma_wait3A_151, %dma_wait3A_152] : memref<2x50xi32, #tpu.memory_space<vmem>> -> memref<1x50xi32, #tpu.memory_space<vmem>>
      %dma_wait3A_154 = tpu.memref_squeeze %dma_wait3A_153 : memref<1x50xi32, #tpu.memory_space<vmem>> -> memref<50xi32, #tpu.memory_space<vmem>>
      %dma_wait3A_155 = arith.constant 0 : i32
      %dma_wait3A_156 = arith.constant 0 : i32
      %dma_wait3A_157 = tpu.memref_slice %arg14[%dma_wait3A_155, %dma_wait3A_156] : memref<10240x128xf32, #tpu.memory_space<vmem_shared>> -> memref<10240x128xf32, #tpu.memory_space<vmem_shared>>
      tpu.wait_indirect_dma semaphore(%arg23 : memref<!tpu.dma_semaphore, #tpu.memory_space<semaphore_mem>>) src(%arg10 : memref<50x128xf32, #tpu.memory_space<vmem>>) dst(%dma_wait3A_157 : memref<10240x128xf32, #tpu.memory_space<vmem_shared>>)
      %add3A_158 = arith.constant 2 : i32
      %add3A_159 = arith.addi %add3A_150, %add3A_158 : i32
      %lt3A_160 = arith.constant 200 : i32
      %lt3A_161 = arith.cmpi slt, %add3A_159, %lt3A_160 : i32
      %convert_element_type3A_162 = arith.extui %lt3A_161 : i1 to i32
      %cond3A_163 = arith.constant 0 : i32
      %cond3A_164 = arith.cmpi ne, %convert_element_type3A_162, %cond3A_163 : i32
      scf.if %cond3A_164 {
        %add3A_223 = arith.constant 2 : i32
        %add3A_224 = arith.addi %add3A_150, %add3A_223 : i32
        %add3A_225 = arith.addi %mul3A_2, %add3A_224 : i32
        %dma_start3A_226 = arith.constant 0 : i32
        %dma_start3A_227 = arith.constant 0 : i32
        %dma_start3A_228 = tpu.memref_slice %arg3[%add3A_225, %dma_start3A_226, %dma_start3A_227] : memref<6400x2x50xi32, #tpu.memory_space<hbm>> -> memref<1x2x50xi32, #tpu.memory_space<hbm>>
        %dma_start3A_229 = tpu.memref_squeeze %dma_start3A_228 : memref<1x2x50xi32, #tpu.memory_space<hbm>> -> memref<2x50xi32, #tpu.memory_space<hbm>>
        %dma_start3A_230 = arith.constant 0 : i32
        %dma_start3A_231 = arith.constant 0 : i32
        %dma_start3A_232 = tpu.memref_slice %arg3[%add3A_225, %dma_start3A_230, %dma_start3A_231] : memref<6400x2x50xi32, #tpu.memory_space<hbm>> -> memref<1x2x50xi32, #tpu.memory_space<hbm>>
        %dma_start3A_233 = tpu.memref_squeeze %dma_start3A_232 : memref<1x2x50xi32, #tpu.memory_space<hbm>> -> memref<2x50xi32, #tpu.memory_space<hbm>>
        tpu.enqueue_dma source(%dma_start3A_233 : memref<2x50xi32, #tpu.memory_space<hbm>>) target(%arg6 : memref<2x50xi32, #tpu.memory_space<vmem>>) target_semaphore(%arg15 : memref<!tpu.dma_semaphore, #tpu.memory_space<semaphore_mem>>)
      } else {
      }
      %dma_wait3A_165 = arith.constant 0 : i32
      %dma_wait3A_166 = arith.constant 0 : i32
      %dma_wait3A_167 = tpu.memref_slice %arg8[%dma_wait3A_165, %dma_wait3A_166] : memref<2x50xi32, #tpu.memory_space<vmem>> -> memref<1x50xi32, #tpu.memory_space<vmem>>
      %dma_wait3A_168 = tpu.memref_squeeze %dma_wait3A_167 : memref<1x50xi32, #tpu.memory_space<vmem>> -> memref<50xi32, #tpu.memory_space<vmem>>
      %dma_wait3A_169 = arith.constant 0 : i32
      %dma_wait3A_170 = arith.constant 0 : i32
      %dma_wait3A_171 = tpu.memref_slice %arg2[%dma_wait3A_169, %dma_wait3A_170] : memref<10000x128xf32, #tpu.memory_space<hbm>> -> memref<10000x128xf32, #tpu.memory_space<hbm>>
      tpu.wait_indirect_dma semaphore(%arg21 : memref<!tpu.dma_semaphore, #tpu.memory_space<semaphore_mem>>) src(%dma_wait3A_171 : memref<10000x128xf32, #tpu.memory_space<hbm>>) dst(%arg12 : memref<50x128xf32, #tpu.memory_space<vmem>>)
      %dma_start3A_172 = arith.constant 1 : i32
      %dma_start3A_173 = arith.constant 0 : i32
      %dma_start3A_174 = tpu.memref_slice %arg8[%dma_start3A_172, %dma_start3A_173] : memref<2x50xi32, #tpu.memory_space<vmem>> -> memref<1x50xi32, #tpu.memory_space<vmem>>
      %dma_start3A_175 = tpu.memref_squeeze %dma_start3A_174 : memref<1x50xi32, #tpu.memory_space<vmem>> -> memref<50xi32, #tpu.memory_space<vmem>>
      %dma_start3A_176 = arith.constant 0 : i32
      %dma_start3A_177 = arith.constant 0 : i32
      %dma_start3A_178 = tpu.memref_slice %arg14[%dma_start3A_176, %dma_start3A_177] : memref<10240x128xf32, #tpu.memory_space<vmem_shared>> -> memref<10240x128xf32, #tpu.memory_space<vmem_shared>>
      tpu.enqueue_indirect_dma source(%arg12 : memref<50x128xf32, #tpu.memory_space<vmem>>) target(%dma_start3A_178 : memref<10240x128xf32, #tpu.memory_space<vmem_shared>>) offsets(%dma_start3A_175 : memref<50xi32, #tpu.memory_space<vmem>>) semaphore(%arg25 : memref<!tpu.dma_semaphore, #tpu.memory_space<semaphore_mem>>) {add = true}
      %add3A_179 = arith.constant 2 : i32
      %add3A_180 = arith.addi %add3A_150, %add3A_179 : i32
      %lt3A_181 = arith.constant 200 : i32
      %lt3A_182 = arith.cmpi slt, %add3A_180, %lt3A_181 : i32
      %convert_element_type3A_183 = arith.extui %lt3A_182 : i1 to i32
      %cond3A_184 = arith.constant 0 : i32
      %cond3A_185 = arith.cmpi ne, %convert_element_type3A_183, %cond3A_184 : i32
      scf.if %cond3A_185 {
        %dma_wait3A_223 = arith.constant 0 : i32
        %dma_wait3A_224 = arith.constant 0 : i32
        %dma_wait3A_225 = tpu.memref_slice %arg3[%mul3A_2, %dma_wait3A_223, %dma_wait3A_224] : memref<6400x2x50xi32, #tpu.memory_space<hbm>> -> memref<1x2x50xi32, #tpu.memory_space<hbm>>
        %dma_wait3A_226 = tpu.memref_squeeze %dma_wait3A_225 : memref<1x2x50xi32, #tpu.memory_space<hbm>> -> memref<2x50xi32, #tpu.memory_space<hbm>>
        %dma_wait3A_227 = arith.constant 0 : i32
        %dma_wait3A_228 = arith.constant 0 : i32
        %dma_wait3A_229 = tpu.memref_slice %arg3[%mul3A_2, %dma_wait3A_227, %dma_wait3A_228] : memref<6400x2x50xi32, #tpu.memory_space<hbm>> -> memref<1x2x50xi32, #tpu.memory_space<hbm>>
        %dma_wait3A_230 = tpu.memref_squeeze %dma_wait3A_229 : memref<1x2x50xi32, #tpu.memory_space<hbm>> -> memref<2x50xi32, #tpu.memory_space<hbm>>
        tpu.wait_dma2 semaphore(%arg15 : memref<!tpu.dma_semaphore, #tpu.memory_space<semaphore_mem>>) src(%dma_wait3A_230 : memref<2x50xi32, #tpu.memory_space<hbm>>) dst(%arg6 : memref<2x50xi32, #tpu.memory_space<vmem>>)
        %add3A_231 = arith.constant 2 : i32
        %add3A_232 = arith.addi %add3A_150, %add3A_231 : i32
        %dma_start3A_233 = arith.constant 0 : i32
        %dma_start3A_234 = arith.constant 0 : i32
        %dma_start3A_235 = tpu.memref_slice %arg6[%dma_start3A_233, %dma_start3A_234] : memref<2x50xi32, #tpu.memory_space<vmem>> -> memref<1x50xi32, #tpu.memory_space<vmem>>
        %dma_start3A_236 = tpu.memref_squeeze %dma_start3A_235 : memref<1x50xi32, #tpu.memory_space<vmem>> -> memref<50xi32, #tpu.memory_space<vmem>>
        %dma_start3A_237 = arith.constant 0 : i32
        %dma_start3A_238 = arith.constant 0 : i32
        %dma_start3A_239 = tpu.memref_slice %arg2[%dma_start3A_237, %dma_start3A_238] : memref<10000x128xf32, #tpu.memory_space<hbm>> -> memref<10000x128xf32, #tpu.memory_space<hbm>>
        tpu.enqueue_indirect_dma source(%dma_start3A_239 : memref<10000x128xf32, #tpu.memory_space<hbm>>) target(%arg10 : memref<50x128xf32, #tpu.memory_space<vmem>>) offsets(%dma_start3A_236 : memref<50xi32, #tpu.memory_space<vmem>>) semaphore(%arg19 : memref<!tpu.dma_semaphore, #tpu.memory_space<semaphore_mem>>)
      } else {
      }
      %add3A_186 = arith.constant 3 : i32
      %add3A_187 = arith.addi %add3A_82, %add3A_186 : i32
      %dma_wait3A_188 = arith.constant 1 : i32
      %dma_wait3A_189 = arith.constant 0 : i32
      %dma_wait3A_190 = tpu.memref_slice %arg7[%dma_wait3A_188, %dma_wait3A_189] : memref<2x50xi32, #tpu.memory_space<vmem>> -> memref<1x50xi32, #tpu.memory_space<vmem>>
      %dma_wait3A_191 = tpu.memref_squeeze %dma_wait3A_190 : memref<1x50xi32, #tpu.memory_space<vmem>> -> memref<50xi32, #tpu.memory_space<vmem>>
      %dma_wait3A_192 = arith.constant 0 : i32
      %dma_wait3A_193 = arith.constant 0 : i32
      %dma_wait3A_194 = tpu.memref_slice %arg14[%dma_wait3A_192, %dma_wait3A_193] : memref<10240x128xf32, #tpu.memory_space<vmem_shared>> -> memref<10240x128xf32, #tpu.memory_space<vmem_shared>>
      tpu.wait_indirect_dma semaphore(%arg24 : memref<!tpu.dma_semaphore, #tpu.memory_space<semaphore_mem>>) src(%arg11 : memref<50x128xf32, #tpu.memory_space<vmem>>) dst(%dma_wait3A_194 : memref<10240x128xf32, #tpu.memory_space<vmem_shared>>)
      %add3A_195 = arith.constant 2 : i32
      %add3A_196 = arith.addi %add3A_187, %add3A_195 : i32
      %lt3A_197 = arith.constant 200 : i32
      %lt3A_198 = arith.cmpi slt, %add3A_196, %lt3A_197 : i32
      %convert_element_type3A_199 = arith.extui %lt3A_198 : i1 to i32
      %cond3A_200 = arith.constant 0 : i32
      %cond3A_201 = arith.cmpi ne, %convert_element_type3A_199, %cond3A_200 : i32
      scf.if %cond3A_201 {
        %add3A_223 = arith.constant 2 : i32
        %add3A_224 = arith.addi %add3A_187, %add3A_223 : i32
        %add3A_225 = arith.addi %mul3A_2, %add3A_224 : i32
        %dma_start3A_226 = arith.constant 0 : i32
        %dma_start3A_227 = arith.constant 0 : i32
        %dma_start3A_228 = tpu.memref_slice %arg3[%add3A_225, %dma_start3A_226, %dma_start3A_227] : memref<6400x2x50xi32, #tpu.memory_space<hbm>> -> memref<1x2x50xi32, #tpu.memory_space<hbm>>
        %dma_start3A_229 = tpu.memref_squeeze %dma_start3A_228 : memref<1x2x50xi32, #tpu.memory_space<hbm>> -> memref<2x50xi32, #tpu.memory_space<hbm>>
        %dma_start3A_230 = arith.constant 0 : i32
        %dma_start3A_231 = arith.constant 0 : i32
        %dma_start3A_232 = tpu.memref_slice %arg3[%add3A_225, %dma_start3A_230, %dma_start3A_231] : memref<6400x2x50xi32, #tpu.memory_space<hbm>> -> memref<1x2x50xi32, #tpu.memory_space<hbm>>
        %dma_start3A_233 = tpu.memref_squeeze %dma_start3A_232 : memref<1x2x50xi32, #tpu.memory_space<hbm>> -> memref<2x50xi32, #tpu.memory_space<hbm>>
        tpu.enqueue_dma source(%dma_start3A_233 : memref<2x50xi32, #tpu.memory_space<hbm>>) target(%arg7 : memref<2x50xi32, #tpu.memory_space<vmem>>) target_semaphore(%arg16 : memref<!tpu.dma_semaphore, #tpu.memory_space<semaphore_mem>>)
      } else {
      }
      %dma_wait3A_202 = arith.constant 0 : i32
      %dma_wait3A_203 = arith.constant 0 : i32
      %dma_wait3A_204 = tpu.memref_slice %arg9[%dma_wait3A_202, %dma_wait3A_203] : memref<2x50xi32, #tpu.memory_space<vmem>> -> memref<1x50xi32, #tpu.memory_space<vmem>>
      %dma_wait3A_205 = tpu.memref_squeeze %dma_wait3A_204 : memref<1x50xi32, #tpu.memory_space<vmem>> -> memref<50xi32, #tpu.memory_space<vmem>>
      %dma_wait3A_206 = arith.constant 0 : i32
      %dma_wait3A_207 = arith.constant 0 : i32
      %dma_wait3A_208 = tpu.memref_slice %arg2[%dma_wait3A_206, %dma_wait3A_207] : memref<10000x128xf32, #tpu.memory_space<hbm>> -> memref<10000x128xf32, #tpu.memory_space<hbm>>
      tpu.wait_indirect_dma semaphore(%arg22 : memref<!tpu.dma_semaphore, #tpu.memory_space<semaphore_mem>>) src(%dma_wait3A_208 : memref<10000x128xf32, #tpu.memory_space<hbm>>) dst(%arg13 : memref<50x128xf32, #tpu.memory_space<vmem>>)
      %dma_start3A_209 = arith.constant 1 : i32
      %dma_start3A_210 = arith.constant 0 : i32
      %dma_start3A_211 = tpu.memref_slice %arg9[%dma_start3A_209, %dma_start3A_210] : memref<2x50xi32, #tpu.memory_space<vmem>> -> memref<1x50xi32, #tpu.memory_space<vmem>>
      %dma_start3A_212 = tpu.memref_squeeze %dma_start3A_211 : memref<1x50xi32, #tpu.memory_space<vmem>> -> memref<50xi32, #tpu.memory_space<vmem>>
      %dma_start3A_213 = arith.constant 0 : i32
      %dma_start3A_214 = arith.constant 0 : i32
      %dma_start3A_215 = tpu.memref_slice %arg14[%dma_start3A_213, %dma_start3A_214] : memref<10240x128xf32, #tpu.memory_space<vmem_shared>> -> memref<10240x128xf32, #tpu.memory_space<vmem_shared>>
      tpu.enqueue_indirect_dma source(%arg13 : memref<50x128xf32, #tpu.memory_space<vmem>>) target(%dma_start3A_215 : memref<10240x128xf32, #tpu.memory_space<vmem_shared>>) offsets(%dma_start3A_212 : memref<50xi32, #tpu.memory_space<vmem>>) semaphore(%arg26 : memref<!tpu.dma_semaphore, #tpu.memory_space<semaphore_mem>>) {add = true}
      %add3A_216 = arith.constant 2 : i32
      %add3A_217 = arith.addi %add3A_187, %add3A_216 : i32
      %lt3A_218 = arith.constant 200 : i32
      %lt3A_219 = arith.cmpi slt, %add3A_217, %lt3A_218 : i32
      %convert_element_type3A_220 = arith.extui %lt3A_219 : i1 to i32
      %cond3A_221 = arith.constant 0 : i32
      %cond3A_222 = arith.cmpi ne, %convert_element_type3A_220, %cond3A_221 : i32
      scf.if %cond3A_222 {
        %dma_wait3A_223 = arith.constant 0 : i32
        %dma_wait3A_224 = arith.constant 0 : i32
        %dma_wait3A_225 = tpu.memref_slice %arg3[%mul3A_2, %dma_wait3A_223, %dma_wait3A_224] : memref<6400x2x50xi32, #tpu.memory_space<hbm>> -> memref<1x2x50xi32, #tpu.memory_space<hbm>>
        %dma_wait3A_226 = tpu.memref_squeeze %dma_wait3A_225 : memref<1x2x50xi32, #tpu.memory_space<hbm>> -> memref<2x50xi32, #tpu.memory_space<hbm>>
        %dma_wait3A_227 = arith.constant 0 : i32
        %dma_wait3A_228 = arith.constant 0 : i32
        %dma_wait3A_229 = tpu.memref_slice %arg3[%mul3A_2, %dma_wait3A_227, %dma_wait3A_228] : memref<6400x2x50xi32, #tpu.memory_space<hbm>> -> memref<1x2x50xi32, #tpu.memory_space<hbm>>
        %dma_wait3A_230 = tpu.memref_squeeze %dma_wait3A_229 : memref<1x2x50xi32, #tpu.memory_space<hbm>> -> memref<2x50xi32, #tpu.memory_space<hbm>>
        tpu.wait_dma2 semaphore(%arg16 : memref<!tpu.dma_semaphore, #tpu.memory_space<semaphore_mem>>) src(%dma_wait3A_230 : memref<2x50xi32, #tpu.memory_space<hbm>>) dst(%arg7 : memref<2x50xi32, #tpu.memory_space<vmem>>)
        %add3A_231 = arith.constant 2 : i32
        %add3A_232 = arith.addi %add3A_187, %add3A_231 : i32
        %dma_start3A_233 = arith.constant 0 : i32
        %dma_start3A_234 = arith.constant 0 : i32
        %dma_start3A_235 = tpu.memref_slice %arg7[%dma_start3A_233, %dma_start3A_234] : memref<2x50xi32, #tpu.memory_space<vmem>> -> memref<1x50xi32, #tpu.memory_space<vmem>>
        %dma_start3A_236 = tpu.memref_squeeze %dma_start3A_235 : memref<1x50xi32, #tpu.memory_space<vmem>> -> memref<50xi32, #tpu.memory_space<vmem>>
        %dma_start3A_237 = arith.constant 0 : i32
        %dma_start3A_238 = arith.constant 0 : i32
        %dma_start3A_239 = tpu.memref_slice %arg2[%dma_start3A_237, %dma_start3A_238] : memref<10000x128xf32, #tpu.memory_space<hbm>> -> memref<10000x128xf32, #tpu.memory_space<hbm>>
        tpu.enqueue_indirect_dma source(%dma_start3A_239 : memref<10000x128xf32, #tpu.memory_space<hbm>>) target(%arg11 : memref<50x128xf32, #tpu.memory_space<vmem>>) offsets(%dma_start3A_236 : memref<50xi32, #tpu.memory_space<vmem>>) semaphore(%arg20 : memref<!tpu.dma_semaphore, #tpu.memory_space<semaphore_mem>>)
      } else {
      }
    }
    %scan3A_58 = arith.constant 50 : i32
    %dma_wait3A_59 = arith.constant 1 : i32
    %dma_wait3A_60 = arith.constant 0 : i32
    %dma_wait3A_61 = tpu.memref_slice %arg8[%dma_wait3A_59, %dma_wait3A_60] : memref<2x50xi32, #tpu.memory_space<vmem>> -> memref<1x50xi32, #tpu.memory_space<vmem>>
    %dma_wait3A_62 = tpu.memref_squeeze %dma_wait3A_61 : memref<1x50xi32, #tpu.memory_space<vmem>> -> memref<50xi32, #tpu.memory_space<vmem>>
    %dma_wait3A_63 = arith.constant 0 : i32
    %dma_wait3A_64 = arith.constant 0 : i32
    %dma_wait3A_65 = tpu.memref_slice %arg14[%dma_wait3A_63, %dma_wait3A_64] : memref<10240x128xf32, #tpu.memory_space<vmem_shared>> -> memref<10240x128xf32, #tpu.memory_space<vmem_shared>>
    tpu.wait_indirect_dma semaphore(%arg25 : memref<!tpu.dma_semaphore, #tpu.memory_space<semaphore_mem>>) src(%arg12 : memref<50x128xf32, #tpu.memory_space<vmem>>) dst(%dma_wait3A_65 : memref<10240x128xf32, #tpu.memory_space<vmem_shared>>)
    %dma_wait3A_66 = arith.constant 1 : i32
    %dma_wait3A_67 = arith.constant 0 : i32
    %dma_wait3A_68 = tpu.memref_slice %arg9[%dma_wait3A_66, %dma_wait3A_67] : memref<2x50xi32, #tpu.memory_space<vmem>> -> memref<1x50xi32, #tpu.memory_space<vmem>>
    %dma_wait3A_69 = tpu.memref_squeeze %dma_wait3A_68 : memref<1x50xi32, #tpu.memory_space<vmem>> -> memref<50xi32, #tpu.memory_space<vmem>>
    %dma_wait3A_70 = arith.constant 0 : i32
    %dma_wait3A_71 = arith.constant 0 : i32
    %dma_wait3A_72 = tpu.memref_slice %arg14[%dma_wait3A_70, %dma_wait3A_71] : memref<10240x128xf32, #tpu.memory_space<vmem_shared>> -> memref<10240x128xf32, #tpu.memory_space<vmem_shared>>
    tpu.wait_indirect_dma semaphore(%arg26 : memref<!tpu.dma_semaphore, #tpu.memory_space<semaphore_mem>>) src(%arg13 : memref<50x128xf32, #tpu.memory_space<vmem>>) dst(%dma_wait3A_72 : memref<10240x128xf32, #tpu.memory_space<vmem_shared>>)
    %barrier3A_73 = arith.constant 0 : index
    tpu.barrier barrier_id(%barrier3A_73)
    %mul3A_74 = arith.constant 640 : i32
    %mul3A_75 = arith.muli %arg1, %mul3A_74 : i32
    %mul3A_76 = arith.constant 640 : i32
    %mul3A_77 = arith.muli %arg1, %mul3A_76 : i32
    "tpu.region"() ({
      %run_scoped3A = tpu.sem_alloc : memref<!tpu.dma_semaphore, #tpu.memory_space<semaphore_mem>>
      %dma_start3A_78 = arith.constant 0 : i32
      %dma_start3A_79 = tpu.memref_slice %arg5[%arg0, %mul3A_77, %dma_start3A_78] : memref<2x10240x128xf32, #tpu.memory_space<hbm>> -> memref<1x640x128xf32, #tpu.memory_space<hbm>>
      %dma_start3A_80 = tpu.memref_squeeze %dma_start3A_79 : memref<1x640x128xf32, #tpu.memory_space<hbm>> -> memref<640x128xf32, #tpu.memory_space<hbm>>
      %dma_start3A_81 = arith.constant 0 : i32
      %dma_start3A_82 = tpu.memref_slice %arg14[%mul3A_75, %dma_start3A_81] : memref<10240x128xf32, #tpu.memory_space<vmem_shared>> -> memref<640x128xf32, #tpu.memory_space<vmem_shared>>
      tpu.enqueue_dma source(%dma_start3A_82 : memref<640x128xf32, #tpu.memory_space<vmem_shared>>) target(%dma_start3A_80 : memref<640x128xf32, #tpu.memory_space<hbm>>) target_semaphore(%run_scoped3A : memref<!tpu.dma_semaphore, #tpu.memory_space<semaphore_mem>>)
      %dma_wait3A_83 = arith.constant 0 : i32
      %dma_wait3A_84 = tpu.memref_slice %arg5[%arg0, %mul3A_77, %dma_wait3A_83] : memref<2x10240x128xf32, #tpu.memory_space<hbm>> -> memref<1x640x128xf32, #tpu.memory_space<hbm>>
      %dma_wait3A_85 = tpu.memref_squeeze %dma_wait3A_84 : memref<1x640x128xf32, #tpu.memory_space<hbm>> -> memref<640x128xf32, #tpu.memory_space<hbm>>
      %dma_wait3A_86 = arith.constant 0 : i32
      %dma_wait3A_87 = tpu.memref_slice %arg14[%mul3A_75, %dma_wait3A_86] : memref<10240x128xf32, #tpu.memory_space<vmem_shared>> -> memref<640x128xf32, #tpu.memory_space<vmem_shared>>
      tpu.wait_dma2 semaphore(%run_scoped3A : memref<!tpu.dma_semaphore, #tpu.memory_space<semaphore_mem>>) src(%dma_wait3A_87 : memref<640x128xf32, #tpu.memory_space<vmem_shared>>) dst(%dma_wait3A_85 : memref<640x128xf32, #tpu.memory_space<hbm>>)
      tpu.yield
    }) : () -> ()
    return
  }
}

#map = affine_map<(d0, d1) -> (0)>
#map1 = affine_map<(d0, d1) -> (0, 0)>
module attributes {stable_mosaic.version = 14 : i64} {
  func.func @_embed_body(%arg0: i32, %arg1: i32, %arg2: memref<10000xi32, #tpu.memory_space<hbm>>, %arg3: memref<1000x128xf32, #tpu.memory_space<hbm>>, %arg4: memref<10000x128xf32, #tpu.memory_space<hbm>>, %arg5: memref<80xi32, #tpu.memory_space<vmem>>, %arg6: memref<80x128xf32, #tpu.memory_space<vmem>>, %arg7: memref<!tpu.dma_semaphore, #tpu.memory_space<semaphore_mem>>) attributes {dimension_semantics = [#tpu.dimension_semantics<core_parallel>, #tpu.dimension_semantics<subcore_parallel>], iteration_bounds = array<i64: 2, 16>, scalar_prefetch = 0 : i64, scratch_operands = 3 : i64, tpu.core_type = #tpu.core_type<sc_vector_subcore>, window_params = [{transform_indices = #map}, {transform_indices = #map1}, {transform_indices = #map1}]} {
    %mul3A = arith.constant 2 : i32
    %mul3A_0 = arith.muli %arg1, %mul3A : i32
    %add3A = arith.addi %mul3A_0, %arg0 : i32
    %mul3A_1 = arith.constant 4 : i32
    %mul3A_2 = arith.muli %add3A, %mul3A_1 : i32
    %add3A_3 = arith.constant 0 : i32
    %add3A_4 = arith.addi %mul3A_2, %add3A_3 : i32
    %lt3A = arith.constant 125 : i32
    %lt3A_5 = arith.cmpi slt, %add3A_4, %lt3A : i32
    %convert_element_type3A = arith.extui %lt3A_5 : i1 to i32
    %cond3A = arith.constant 0 : i32
    %cond3A_6 = arith.cmpi ne, %convert_element_type3A, %cond3A : i32
    scf.if %cond3A_6 {
      %mul3A_34 = arith.constant 80 : i32
      %mul3A_35 = arith.muli %add3A_4, %mul3A_34 : i32
      %multiple_of3A = tpu.assume_multiple %mul3A_35, 80 : i32
      "tpu.region"() ({
        %run_scoped3A = tpu.sem_alloc : memref<!tpu.dma_semaphore, #tpu.memory_space<semaphore_mem>>
        %dma_start3A_40 = tpu.memref_slice %arg2[%multiple_of3A] : memref<10000xi32, #tpu.memory_space<hbm>> -> memref<80xi32, #tpu.memory_space<hbm>>
        %dma_start3A_41 = tpu.memref_slice %arg2[%multiple_of3A] : memref<10000xi32, #tpu.memory_space<hbm>> -> memref<80xi32, #tpu.memory_space<hbm>>
        tpu.enqueue_dma source(%dma_start3A_41 : memref<80xi32, #tpu.memory_space<hbm>>) target(%arg5 : memref<80xi32, #tpu.memory_space<vmem>>) target_semaphore(%run_scoped3A : memref<!tpu.dma_semaphore, #tpu.memory_space<semaphore_mem>>)
        %dma_wait3A_42 = tpu.memref_slice %arg2[%multiple_of3A] : memref<10000xi32, #tpu.memory_space<hbm>> -> memref<80xi32, #tpu.memory_space<hbm>>
        %dma_wait3A_43 = tpu.memref_slice %arg2[%multiple_of3A] : memref<10000xi32, #tpu.memory_space<hbm>> -> memref<80xi32, #tpu.memory_space<hbm>>
        tpu.wait_dma2 semaphore(%run_scoped3A : memref<!tpu.dma_semaphore, #tpu.memory_space<semaphore_mem>>) src(%dma_wait3A_43 : memref<80xi32, #tpu.memory_space<hbm>>) dst(%arg5 : memref<80xi32, #tpu.memory_space<vmem>>)
        tpu.yield
      }) : () -> ()
      %dma_start3A = arith.constant 0 : i32
      %dma_start3A_36 = arith.constant 0 : i32
      %dma_start3A_37 = tpu.memref_slice %arg3[%dma_start3A, %dma_start3A_36] : memref<1000x128xf32, #tpu.memory_space<hbm>> -> memref<1000x128xf32, #tpu.memory_space<hbm>>
      tpu.enqueue_indirect_dma source(%dma_start3A_37 : memref<1000x128xf32, #tpu.memory_space<hbm>>) target(%arg6 : memref<80x128xf32, #tpu.memory_space<vmem>>) offsets(%arg5 : memref<80xi32, #tpu.memory_space<vmem>>) semaphore(%arg7 : memref<!tpu.dma_semaphore, #tpu.memory_space<semaphore_mem>>)
      %dma_wait3A = arith.constant 0 : i32
      %dma_wait3A_38 = arith.constant 0 : i32
      %dma_wait3A_39 = tpu.memref_slice %arg3[%dma_wait3A, %dma_wait3A_38] : memref<1000x128xf32, #tpu.memory_space<hbm>> -> memref<1000x128xf32, #tpu.memory_space<hbm>>
      tpu.wait_indirect_dma semaphore(%arg7 : memref<!tpu.dma_semaphore, #tpu.memory_space<semaphore_mem>>) src(%dma_wait3A_39 : memref<1000x128xf32, #tpu.memory_space<hbm>>) dst(%arg6 : memref<80x128xf32, #tpu.memory_space<vmem>>)
      "tpu.region"() ({
        %run_scoped3A = tpu.sem_alloc : memref<!tpu.dma_semaphore, #tpu.memory_space<semaphore_mem>>
        %dma_start3A_40 = arith.constant 0 : i32
        %dma_start3A_41 = tpu.memref_slice %arg4[%multiple_of3A, %dma_start3A_40] : memref<10000x128xf32, #tpu.memory_space<hbm>> -> memref<80x128xf32, #tpu.memory_space<hbm>>
        %dma_start3A_42 = arith.constant 0 : i32
        %dma_start3A_43 = tpu.memref_slice %arg4[%multiple_of3A, %dma_start3A_42] : memref<10000x128xf32, #tpu.memory_space<hbm>> -> memref<80x128xf32, #tpu.memory_space<hbm>>
        tpu.enqueue_dma source(%arg6 : memref<80x128xf32, #tpu.memory_space<vmem>>) target(%dma_start3A_43 : memref<80x128xf32, #tpu.memory_space<hbm>>) target_semaphore(%run_scoped3A : memref<!tpu.dma_semaphore, #tpu.memory_space<semaphore_mem>>)
        %dma_wait3A_44 = arith.constant 0 : i32
        %dma_wait3A_45 = tpu.memref_slice %arg4[%multiple_of3A, %dma_wait3A_44] : memref<10000x128xf32, #tpu.memory_space<hbm>> -> memref<80x128xf32, #tpu.memory_space<hbm>>
        %dma_wait3A_46 = arith.constant 0 : i32
        %dma_wait3A_47 = tpu.memref_slice %arg4[%multiple_of3A, %dma_wait3A_46] : memref<10000x128xf32, #tpu.memory_space<hbm>> -> memref<80x128xf32, #tpu.memory_space<hbm>>
        tpu.wait_dma2 semaphore(%run_scoped3A : memref<!tpu.dma_semaphore, #tpu.memory_space<semaphore_mem>>) src(%arg6 : memref<80x128xf32, #tpu.memory_space<vmem>>) dst(%dma_wait3A_47 : memref<80x128xf32, #tpu.memory_space<hbm>>)
        tpu.yield
      }) : () -> ()
    } else {
    }
    %mul3A_7 = arith.constant 4 : i32
    %mul3A_8 = arith.muli %add3A, %mul3A_7 : i32
    %add3A_9 = arith.constant 1 : i32
    %add3A_10 = arith.addi %mul3A_8, %add3A_9 : i32
    %lt3A_11 = arith.constant 125 : i32
    %lt3A_12 = arith.cmpi slt, %add3A_10, %lt3A_11 : i32
    %convert_element_type3A_13 = arith.extui %lt3A_12 : i1 to i32
    %cond3A_14 = arith.constant 0 : i32
    %cond3A_15 = arith.cmpi ne, %convert_element_type3A_13, %cond3A_14 : i32
    scf.if %cond3A_15 {
      %mul3A_34 = arith.constant 80 : i32
      %mul3A_35 = arith.muli %add3A_10, %mul3A_34 : i32
      %multiple_of3A = tpu.assume_multiple %mul3A_35, 80 : i32
      "tpu.region"() ({
        %run_scoped3A = tpu.sem_alloc : memref<!tpu.dma_semaphore, #tpu.memory_space<semaphore_mem>>
        %dma_start3A_40 = tpu.memref_slice %arg2[%multiple_of3A] : memref<10000xi32, #tpu.memory_space<hbm>> -> memref<80xi32, #tpu.memory_space<hbm>>
        %dma_start3A_41 = tpu.memref_slice %arg2[%multiple_of3A] : memref<10000xi32, #tpu.memory_space<hbm>> -> memref<80xi32, #tpu.memory_space<hbm>>
        tpu.enqueue_dma source(%dma_start3A_41 : memref<80xi32, #tpu.memory_space<hbm>>) target(%arg5 : memref<80xi32, #tpu.memory_space<vmem>>) target_semaphore(%run_scoped3A : memref<!tpu.dma_semaphore, #tpu.memory_space<semaphore_mem>>)
        %dma_wait3A_42 = tpu.memref_slice %arg2[%multiple_of3A] : memref<10000xi32, #tpu.memory_space<hbm>> -> memref<80xi32, #tpu.memory_space<hbm>>
        %dma_wait3A_43 = tpu.memref_slice %arg2[%multiple_of3A] : memref<10000xi32, #tpu.memory_space<hbm>> -> memref<80xi32, #tpu.memory_space<hbm>>
        tpu.wait_dma2 semaphore(%run_scoped3A : memref<!tpu.dma_semaphore, #tpu.memory_space<semaphore_mem>>) src(%dma_wait3A_43 : memref<80xi32, #tpu.memory_space<hbm>>) dst(%arg5 : memref<80xi32, #tpu.memory_space<vmem>>)
        tpu.yield
      }) : () -> ()
      %dma_start3A = arith.constant 0 : i32
      %dma_start3A_36 = arith.constant 0 : i32
      %dma_start3A_37 = tpu.memref_slice %arg3[%dma_start3A, %dma_start3A_36] : memref<1000x128xf32, #tpu.memory_space<hbm>> -> memref<1000x128xf32, #tpu.memory_space<hbm>>
      tpu.enqueue_indirect_dma source(%dma_start3A_37 : memref<1000x128xf32, #tpu.memory_space<hbm>>) target(%arg6 : memref<80x128xf32, #tpu.memory_space<vmem>>) offsets(%arg5 : memref<80xi32, #tpu.memory_space<vmem>>) semaphore(%arg7 : memref<!tpu.dma_semaphore, #tpu.memory_space<semaphore_mem>>)
      %dma_wait3A = arith.constant 0 : i32
      %dma_wait3A_38 = arith.constant 0 : i32
      %dma_wait3A_39 = tpu.memref_slice %arg3[%dma_wait3A, %dma_wait3A_38] : memref<1000x128xf32, #tpu.memory_space<hbm>> -> memref<1000x128xf32, #tpu.memory_space<hbm>>
      tpu.wait_indirect_dma semaphore(%arg7 : memref<!tpu.dma_semaphore, #tpu.memory_space<semaphore_mem>>) src(%dma_wait3A_39 : memref<1000x128xf32, #tpu.memory_space<hbm>>) dst(%arg6 : memref<80x128xf32, #tpu.memory_space<vmem>>)
      "tpu.region"() ({
        %run_scoped3A = tpu.sem_alloc : memref<!tpu.dma_semaphore, #tpu.memory_space<semaphore_mem>>
        %dma_start3A_40 = arith.constant 0 : i32
        %dma_start3A_41 = tpu.memref_slice %arg4[%multiple_of3A, %dma_start3A_40] : memref<10000x128xf32, #tpu.memory_space<hbm>> -> memref<80x128xf32, #tpu.memory_space<hbm>>
        %dma_start3A_42 = arith.constant 0 : i32
        %dma_start3A_43 = tpu.memref_slice %arg4[%multiple_of3A, %dma_start3A_42] : memref<10000x128xf32, #tpu.memory_space<hbm>> -> memref<80x128xf32, #tpu.memory_space<hbm>>
        tpu.enqueue_dma source(%arg6 : memref<80x128xf32, #tpu.memory_space<vmem>>) target(%dma_start3A_43 : memref<80x128xf32, #tpu.memory_space<hbm>>) target_semaphore(%run_scoped3A : memref<!tpu.dma_semaphore, #tpu.memory_space<semaphore_mem>>)
        %dma_wait3A_44 = arith.constant 0 : i32
        %dma_wait3A_45 = tpu.memref_slice %arg4[%multiple_of3A, %dma_wait3A_44] : memref<10000x128xf32, #tpu.memory_space<hbm>> -> memref<80x128xf32, #tpu.memory_space<hbm>>
        %dma_wait3A_46 = arith.constant 0 : i32
        %dma_wait3A_47 = tpu.memref_slice %arg4[%multiple_of3A, %dma_wait3A_46] : memref<10000x128xf32, #tpu.memory_space<hbm>> -> memref<80x128xf32, #tpu.memory_space<hbm>>
        tpu.wait_dma2 semaphore(%run_scoped3A : memref<!tpu.dma_semaphore, #tpu.memory_space<semaphore_mem>>) src(%arg6 : memref<80x128xf32, #tpu.memory_space<vmem>>) dst(%dma_wait3A_47 : memref<80x128xf32, #tpu.memory_space<hbm>>)
        tpu.yield
      }) : () -> ()
    } else {
    }
    %mul3A_16 = arith.constant 4 : i32
    %mul3A_17 = arith.muli %add3A, %mul3A_16 : i32
    %add3A_18 = arith.constant 2 : i32
    %add3A_19 = arith.addi %mul3A_17, %add3A_18 : i32
    %lt3A_20 = arith.constant 125 : i32
    %lt3A_21 = arith.cmpi slt, %add3A_19, %lt3A_20 : i32
    %convert_element_type3A_22 = arith.extui %lt3A_21 : i1 to i32
    %cond3A_23 = arith.constant 0 : i32
    %cond3A_24 = arith.cmpi ne, %convert_element_type3A_22, %cond3A_23 : i32
    scf.if %cond3A_24 {
      %mul3A_34 = arith.constant 80 : i32
      %mul3A_35 = arith.muli %add3A_19, %mul3A_34 : i32
      %multiple_of3A = tpu.assume_multiple %mul3A_35, 80 : i32
      "tpu.region"() ({
        %run_scoped3A = tpu.sem_alloc : memref<!tpu.dma_semaphore, #tpu.memory_space<semaphore_mem>>
        %dma_start3A_40 = tpu.memref_slice %arg2[%multiple_of3A] : memref<10000xi32, #tpu.memory_space<hbm>> -> memref<80xi32, #tpu.memory_space<hbm>>
        %dma_start3A_41 = tpu.memref_slice %arg2[%multiple_of3A] : memref<10000xi32, #tpu.memory_space<hbm>> -> memref<80xi32, #tpu.memory_space<hbm>>
        tpu.enqueue_dma source(%dma_start3A_41 : memref<80xi32, #tpu.memory_space<hbm>>) target(%arg5 : memref<80xi32, #tpu.memory_space<vmem>>) target_semaphore(%run_scoped3A : memref<!tpu.dma_semaphore, #tpu.memory_space<semaphore_mem>>)
        %dma_wait3A_42 = tpu.memref_slice %arg2[%multiple_of3A] : memref<10000xi32, #tpu.memory_space<hbm>> -> memref<80xi32, #tpu.memory_space<hbm>>
        %dma_wait3A_43 = tpu.memref_slice %arg2[%multiple_of3A] : memref<10000xi32, #tpu.memory_space<hbm>> -> memref<80xi32, #tpu.memory_space<hbm>>
        tpu.wait_dma2 semaphore(%run_scoped3A : memref<!tpu.dma_semaphore, #tpu.memory_space<semaphore_mem>>) src(%dma_wait3A_43 : memref<80xi32, #tpu.memory_space<hbm>>) dst(%arg5 : memref<80xi32, #tpu.memory_space<vmem>>)
        tpu.yield
      }) : () -> ()
      %dma_start3A = arith.constant 0 : i32
      %dma_start3A_36 = arith.constant 0 : i32
      %dma_start3A_37 = tpu.memref_slice %arg3[%dma_start3A, %dma_start3A_36] : memref<1000x128xf32, #tpu.memory_space<hbm>> -> memref<1000x128xf32, #tpu.memory_space<hbm>>
      tpu.enqueue_indirect_dma source(%dma_start3A_37 : memref<1000x128xf32, #tpu.memory_space<hbm>>) target(%arg6 : memref<80x128xf32, #tpu.memory_space<vmem>>) offsets(%arg5 : memref<80xi32, #tpu.memory_space<vmem>>) semaphore(%arg7 : memref<!tpu.dma_semaphore, #tpu.memory_space<semaphore_mem>>)
      %dma_wait3A = arith.constant 0 : i32
      %dma_wait3A_38 = arith.constant 0 : i32
      %dma_wait3A_39 = tpu.memref_slice %arg3[%dma_wait3A, %dma_wait3A_38] : memref<1000x128xf32, #tpu.memory_space<hbm>> -> memref<1000x128xf32, #tpu.memory_space<hbm>>
      tpu.wait_indirect_dma semaphore(%arg7 : memref<!tpu.dma_semaphore, #tpu.memory_space<semaphore_mem>>) src(%dma_wait3A_39 : memref<1000x128xf32, #tpu.memory_space<hbm>>) dst(%arg6 : memref<80x128xf32, #tpu.memory_space<vmem>>)
      "tpu.region"() ({
        %run_scoped3A = tpu.sem_alloc : memref<!tpu.dma_semaphore, #tpu.memory_space<semaphore_mem>>
        %dma_start3A_40 = arith.constant 0 : i32
        %dma_start3A_41 = tpu.memref_slice %arg4[%multiple_of3A, %dma_start3A_40] : memref<10000x128xf32, #tpu.memory_space<hbm>> -> memref<80x128xf32, #tpu.memory_space<hbm>>
        %dma_start3A_42 = arith.constant 0 : i32
        %dma_start3A_43 = tpu.memref_slice %arg4[%multiple_of3A, %dma_start3A_42] : memref<10000x128xf32, #tpu.memory_space<hbm>> -> memref<80x128xf32, #tpu.memory_space<hbm>>
        tpu.enqueue_dma source(%arg6 : memref<80x128xf32, #tpu.memory_space<vmem>>) target(%dma_start3A_43 : memref<80x128xf32, #tpu.memory_space<hbm>>) target_semaphore(%run_scoped3A : memref<!tpu.dma_semaphore, #tpu.memory_space<semaphore_mem>>)
        %dma_wait3A_44 = arith.constant 0 : i32
        %dma_wait3A_45 = tpu.memref_slice %arg4[%multiple_of3A, %dma_wait3A_44] : memref<10000x128xf32, #tpu.memory_space<hbm>> -> memref<80x128xf32, #tpu.memory_space<hbm>>
        %dma_wait3A_46 = arith.constant 0 : i32
        %dma_wait3A_47 = tpu.memref_slice %arg4[%multiple_of3A, %dma_wait3A_46] : memref<10000x128xf32, #tpu.memory_space<hbm>> -> memref<80x128xf32, #tpu.memory_space<hbm>>
        tpu.wait_dma2 semaphore(%run_scoped3A : memref<!tpu.dma_semaphore, #tpu.memory_space<semaphore_mem>>) src(%arg6 : memref<80x128xf32, #tpu.memory_space<vmem>>) dst(%dma_wait3A_47 : memref<80x128xf32, #tpu.memory_space<hbm>>)
        tpu.yield
      }) : () -> ()
    } else {
    }
    %mul3A_25 = arith.constant 4 : i32
    %mul3A_26 = arith.muli %add3A, %mul3A_25 : i32
    %add3A_27 = arith.constant 3 : i32
    %add3A_28 = arith.addi %mul3A_26, %add3A_27 : i32
    %lt3A_29 = arith.constant 125 : i32
    %lt3A_30 = arith.cmpi slt, %add3A_28, %lt3A_29 : i32
    %convert_element_type3A_31 = arith.extui %lt3A_30 : i1 to i32
    %cond3A_32 = arith.constant 0 : i32
    %cond3A_33 = arith.cmpi ne, %convert_element_type3A_31, %cond3A_32 : i32
    scf.if %cond3A_33 {
      %mul3A_34 = arith.constant 80 : i32
      %mul3A_35 = arith.muli %add3A_28, %mul3A_34 : i32
      %multiple_of3A = tpu.assume_multiple %mul3A_35, 80 : i32
      "tpu.region"() ({
        %run_scoped3A = tpu.sem_alloc : memref<!tpu.dma_semaphore, #tpu.memory_space<semaphore_mem>>
        %dma_start3A_40 = tpu.memref_slice %arg2[%multiple_of3A] : memref<10000xi32, #tpu.memory_space<hbm>> -> memref<80xi32, #tpu.memory_space<hbm>>
        %dma_start3A_41 = tpu.memref_slice %arg2[%multiple_of3A] : memref<10000xi32, #tpu.memory_space<hbm>> -> memref<80xi32, #tpu.memory_space<hbm>>
        tpu.enqueue_dma source(%dma_start3A_41 : memref<80xi32, #tpu.memory_space<hbm>>) target(%arg5 : memref<80xi32, #tpu.memory_space<vmem>>) target_semaphore(%run_scoped3A : memref<!tpu.dma_semaphore, #tpu.memory_space<semaphore_mem>>)
        %dma_wait3A_42 = tpu.memref_slice %arg2[%multiple_of3A] : memref<10000xi32, #tpu.memory_space<hbm>> -> memref<80xi32, #tpu.memory_space<hbm>>
        %dma_wait3A_43 = tpu.memref_slice %arg2[%multiple_of3A] : memref<10000xi32, #tpu.memory_space<hbm>> -> memref<80xi32, #tpu.memory_space<hbm>>
        tpu.wait_dma2 semaphore(%run_scoped3A : memref<!tpu.dma_semaphore, #tpu.memory_space<semaphore_mem>>) src(%dma_wait3A_43 : memref<80xi32, #tpu.memory_space<hbm>>) dst(%arg5 : memref<80xi32, #tpu.memory_space<vmem>>)
        tpu.yield
      }) : () -> ()
      %dma_start3A = arith.constant 0 : i32
      %dma_start3A_36 = arith.constant 0 : i32
      %dma_start3A_37 = tpu.memref_slice %arg3[%dma_start3A, %dma_start3A_36] : memref<1000x128xf32, #tpu.memory_space<hbm>> -> memref<1000x128xf32, #tpu.memory_space<hbm>>
      tpu.enqueue_indirect_dma source(%dma_start3A_37 : memref<1000x128xf32, #tpu.memory_space<hbm>>) target(%arg6 : memref<80x128xf32, #tpu.memory_space<vmem>>) offsets(%arg5 : memref<80xi32, #tpu.memory_space<vmem>>) semaphore(%arg7 : memref<!tpu.dma_semaphore, #tpu.memory_space<semaphore_mem>>)
      %dma_wait3A = arith.constant 0 : i32
      %dma_wait3A_38 = arith.constant 0 : i32
      %dma_wait3A_39 = tpu.memref_slice %arg3[%dma_wait3A, %dma_wait3A_38] : memref<1000x128xf32, #tpu.memory_space<hbm>> -> memref<1000x128xf32, #tpu.memory_space<hbm>>
      tpu.wait_indirect_dma semaphore(%arg7 : memref<!tpu.dma_semaphore, #tpu.memory_space<semaphore_mem>>) src(%dma_wait3A_39 : memref<1000x128xf32, #tpu.memory_space<hbm>>) dst(%arg6 : memref<80x128xf32, #tpu.memory_space<vmem>>)
      "tpu.region"() ({
        %run_scoped3A = tpu.sem_alloc : memref<!tpu.dma_semaphore, #tpu.memory_space<semaphore_mem>>
        %dma_start3A_40 = arith.constant 0 : i32
        %dma_start3A_41 = tpu.memref_slice %arg4[%multiple_of3A, %dma_start3A_40] : memref<10000x128xf32, #tpu.memory_space<hbm>> -> memref<80x128xf32, #tpu.memory_space<hbm>>
        %dma_start3A_42 = arith.constant 0 : i32
        %dma_start3A_43 = tpu.memref_slice %arg4[%multiple_of3A, %dma_start3A_42] : memref<10000x128xf32, #tpu.memory_space<hbm>> -> memref<80x128xf32, #tpu.memory_space<hbm>>
        tpu.enqueue_dma source(%arg6 : memref<80x128xf32, #tpu.memory_space<vmem>>) target(%dma_start3A_43 : memref<80x128xf32, #tpu.memory_space<hbm>>) target_semaphore(%run_scoped3A : memref<!tpu.dma_semaphore, #tpu.memory_space<semaphore_mem>>)
        %dma_wait3A_44 = arith.constant 0 : i32
        %dma_wait3A_45 = tpu.memref_slice %arg4[%multiple_of3A, %dma_wait3A_44] : memref<10000x128xf32, #tpu.memory_space<hbm>> -> memref<80x128xf32, #tpu.memory_space<hbm>>
        %dma_wait3A_46 = arith.constant 0 : i32
        %dma_wait3A_47 = tpu.memref_slice %arg4[%multiple_of3A, %dma_wait3A_46] : memref<10000x128xf32, #tpu.memory_space<hbm>> -> memref<80x128xf32, #tpu.memory_space<hbm>>
        tpu.wait_dma2 semaphore(%run_scoped3A : memref<!tpu.dma_semaphore, #tpu.memory_space<semaphore_mem>>) src(%arg6 : memref<80x128xf32, #tpu.memory_space<vmem>>) dst(%dma_wait3A_47 : memref<80x128xf32, #tpu.memory_space<hbm>>)
        tpu.yield
      }) : () -> ()
    } else {
    }
    return
  }
}

#map = affine_map<(d0, d1) -> (0, 0)>
#map1 = affine_map<(d0, d1) -> (0, 0, 0)>
module attributes {stable_mosaic.version = 14 : i64} {
  func.func @_agg_body(%arg0: i32, %arg1: i32, %arg2: memref<10000x128xf32, #tpu.memory_space<hbm>>, %arg3: memref<6400x2x50xi32, #tpu.memory_space<hbm>>, %arg4: memref<10240x128xf32, #tpu.memory_space<hbm>>, %arg5: memref<2x10240x128xf32, #tpu.memory_space<hbm>>, %arg6: memref<2x50xi32, #tpu.memory_space<vmem>>, %arg7: memref<2x50xi32, #tpu.memory_space<vmem>>, %arg8: memref<2x50xi32, #tpu.memory_space<vmem>>, %arg9: memref<2x50xi32, #tpu.memory_space<vmem>>, %arg10: memref<50x128xf32, #tpu.memory_space<vmem>>, %arg11: memref<50x128xf32, #tpu.memory_space<vmem>>, %arg12: memref<50x128xf32, #tpu.memory_space<vmem>>, %arg13: memref<50x128xf32, #tpu.memory_space<vmem>>, %arg14: memref<10240x128xf32, #tpu.memory_space<vmem_shared>>, %arg15: memref<!tpu.dma_semaphore, #tpu.memory_space<semaphore_mem>>, %arg16: memref<!tpu.dma_semaphore, #tpu.memory_space<semaphore_mem>>, %arg17: memref<!tpu.dma_semaphore, #tpu.memory_space<semaphore_mem>>, %arg18: memref<!tpu.dma_semaphore, #tpu.memory_space<semaphore_mem>>, %arg19: memref<!tpu.dma_semaphore, #tpu.memory_space<semaphore_mem>>, %arg20: memref<!tpu.dma_semaphore, #tpu.memory_space<semaphore_mem>>, %arg21: memref<!tpu.dma_semaphore, #tpu.memory_space<semaphore_mem>>, %arg22: memref<!tpu.dma_semaphore, #tpu.memory_space<semaphore_mem>>, %arg23: memref<!tpu.dma_semaphore, #tpu.memory_space<semaphore_mem>>, %arg24: memref<!tpu.dma_semaphore, #tpu.memory_space<semaphore_mem>>, %arg25: memref<!tpu.dma_semaphore, #tpu.memory_space<semaphore_mem>>, %arg26: memref<!tpu.dma_semaphore, #tpu.memory_space<semaphore_mem>>) attributes {dimension_semantics = [#tpu.dimension_semantics<core_parallel>, #tpu.dimension_semantics<subcore_parallel>], iteration_bounds = array<i64: 2, 16>, scalar_prefetch = 0 : i64, scratch_operands = 21 : i64, tpu.core_type = #tpu.core_type<sc_vector_subcore>, window_params = [{transform_indices = #map}, {transform_indices = #map1}, {transform_indices = #map}, {transform_indices = #map1}]} {
    %mul3A = arith.constant 16 : i32
    %mul3A_0 = arith.muli %arg0, %mul3A : i32
    %add3A = arith.addi %mul3A_0, %arg1 : i32
    %mul3A_1 = arith.constant 200 : i32
    %mul3A_2 = arith.muli %add3A, %mul3A_1 : i32
    %add3A_3 = arith.constant 0 : i32
    %add3A_4 = arith.addi %mul3A_2, %add3A_3 : i32
    %dma_start3A = arith.constant 0 : i32
    %dma_start3A_5 = arith.constant 0 : i32
    %dma_start3A_6 = tpu.memref_slice %arg3[%add3A_4, %dma_start3A, %dma_start3A_5] : memref<6400x2x50xi32, #tpu.memory_space<hbm>> -> memref<1x2x50xi32, #tpu.memory_space<hbm>>
    %dma_start3A_7 = tpu.memref_squeeze %dma_start3A_6 : memref<1x2x50xi32, #tpu.memory_space<hbm>> -> memref<2x50xi32, #tpu.memory_space<hbm>>
    %dma_start3A_8 = arith.constant 0 : i32
    %dma_start3A_9 = arith.constant 0 : i32
    %dma_start3A_10 = tpu.memref_slice %arg3[%add3A_4, %dma_start3A_8, %dma_start3A_9] : memref<6400x2x50xi32, #tpu.memory_space<hbm>> -> memref<1x2x50xi32, #tpu.memory_space<hbm>>
    %dma_start3A_11 = tpu.memref_squeeze %dma_start3A_10 : memref<1x2x50xi32, #tpu.memory_space<hbm>> -> memref<2x50xi32, #tpu.memory_space<hbm>>
    tpu.enqueue_dma source(%dma_start3A_11 : memref<2x50xi32, #tpu.memory_space<hbm>>) target(%arg6 : memref<2x50xi32, #tpu.memory_space<vmem>>) target_semaphore(%arg15 : memref<!tpu.dma_semaphore, #tpu.memory_space<semaphore_mem>>)
    %add3A_12 = arith.constant 1 : i32
    %add3A_13 = arith.addi %mul3A_2, %add3A_12 : i32
    %dma_start3A_14 = arith.constant 0 : i32
    %dma_start3A_15 = arith.constant 0 : i32
    %dma_start3A_16 = tpu.memref_slice %arg3[%add3A_13, %dma_start3A_14, %dma_start3A_15] : memref<6400x2x50xi32, #tpu.memory_space<hbm>> -> memref<1x2x50xi32, #tpu.memory_space<hbm>>
    %dma_start3A_17 = tpu.memref_squeeze %dma_start3A_16 : memref<1x2x50xi32, #tpu.memory_space<hbm>> -> memref<2x50xi32, #tpu.memory_space<hbm>>
    %dma_start3A_18 = arith.constant 0 : i32
    %dma_start3A_19 = arith.constant 0 : i32
    %dma_start3A_20 = tpu.memref_slice %arg3[%add3A_13, %dma_start3A_18, %dma_start3A_19] : memref<6400x2x50xi32, #tpu.memory_space<hbm>> -> memref<1x2x50xi32, #tpu.memory_space<hbm>>
    %dma_start3A_21 = tpu.memref_squeeze %dma_start3A_20 : memref<1x2x50xi32, #tpu.memory_space<hbm>> -> memref<2x50xi32, #tpu.memory_space<hbm>>
    tpu.enqueue_dma source(%dma_start3A_21 : memref<2x50xi32, #tpu.memory_space<hbm>>) target(%arg7 : memref<2x50xi32, #tpu.memory_space<vmem>>) target_semaphore(%arg16 : memref<!tpu.dma_semaphore, #tpu.memory_space<semaphore_mem>>)
    %dma_wait3A = arith.constant 0 : i32
    %dma_wait3A_22 = arith.constant 0 : i32
    %dma_wait3A_23 = tpu.memref_slice %arg3[%mul3A_2, %dma_wait3A, %dma_wait3A_22] : memref<6400x2x50xi32, #tpu.memory_space<hbm>> -> memref<1x2x50xi32, #tpu.memory_space<hbm>>
    %dma_wait3A_24 = tpu.memref_squeeze %dma_wait3A_23 : memref<1x2x50xi32, #tpu.memory_space<hbm>> -> memref<2x50xi32, #tpu.memory_space<hbm>>
    %dma_wait3A_25 = arith.constant 0 : i32
    %dma_wait3A_26 = arith.constant 0 : i32
    %dma_wait3A_27 = tpu.memref_slice %arg3[%mul3A_2, %dma_wait3A_25, %dma_wait3A_26] : memref<6400x2x50xi32, #tpu.memory_space<hbm>> -> memref<1x2x50xi32, #tpu.memory_space<hbm>>
    %dma_wait3A_28 = tpu.memref_squeeze %dma_wait3A_27 : memref<1x2x50xi32, #tpu.memory_space<hbm>> -> memref<2x50xi32, #tpu.memory_space<hbm>>
    tpu.wait_dma2 semaphore(%arg15 : memref<!tpu.dma_semaphore, #tpu.memory_space<semaphore_mem>>) src(%dma_wait3A_28 : memref<2x50xi32, #tpu.memory_space<hbm>>) dst(%arg6 : memref<2x50xi32, #tpu.memory_space<vmem>>)
    %dma_start3A_29 = arith.constant 0 : i32
    %dma_start3A_30 = arith.constant 0 : i32
    %dma_start3A_31 = tpu.memref_slice %arg6[%dma_start3A_29, %dma_start3A_30] : memref<2x50xi32, #tpu.memory_space<vmem>> -> memref<1x50xi32, #tpu.memory_space<vmem>>
    %dma_start3A_32 = tpu.memref_squeeze %dma_start3A_31 : memref<1x50xi32, #tpu.memory_space<vmem>> -> memref<50xi32, #tpu.memory_space<vmem>>
    %dma_start3A_33 = arith.constant 0 : i32
    %dma_start3A_34 = arith.constant 0 : i32
    %dma_start3A_35 = tpu.memref_slice %arg2[%dma_start3A_33, %dma_start3A_34] : memref<10000x128xf32, #tpu.memory_space<hbm>> -> memref<10000x128xf32, #tpu.memory_space<hbm>>
    tpu.enqueue_indirect_dma source(%dma_start3A_35 : memref<10000x128xf32, #tpu.memory_space<hbm>>) target(%arg10 : memref<50x128xf32, #tpu.memory_space<vmem>>) offsets(%dma_start3A_32 : memref<50xi32, #tpu.memory_space<vmem>>) semaphore(%arg19 : memref<!tpu.dma_semaphore, #tpu.memory_space<semaphore_mem>>)
    %dma_wait3A_36 = arith.constant 0 : i32
    %dma_wait3A_37 = arith.constant 0 : i32
    %dma_wait3A_38 = tpu.memref_slice %arg3[%mul3A_2, %dma_wait3A_36, %dma_wait3A_37] : memref<6400x2x50xi32, #tpu.memory_space<hbm>> -> memref<1x2x50xi32, #tpu.memory_space<hbm>>
    %dma_wait3A_39 = tpu.memref_squeeze %dma_wait3A_38 : memref<1x2x50xi32, #tpu.memory_space<hbm>> -> memref<2x50xi32, #tpu.memory_space<hbm>>
    %dma_wait3A_40 = arith.constant 0 : i32
    %dma_wait3A_41 = arith.constant 0 : i32
    %dma_wait3A_42 = tpu.memref_slice %arg3[%mul3A_2, %dma_wait3A_40, %dma_wait3A_41] : memref<6400x2x50xi32, #tpu.memory_space<hbm>> -> memref<1x2x50xi32, #tpu.memory_space<hbm>>
    %dma_wait3A_43 = tpu.memref_squeeze %dma_wait3A_42 : memref<1x2x50xi32, #tpu.memory_space<hbm>> -> memref<2x50xi32, #tpu.memory_space<hbm>>
    tpu.wait_dma2 semaphore(%arg16 : memref<!tpu.dma_semaphore, #tpu.memory_space<semaphore_mem>>) src(%dma_wait3A_43 : memref<2x50xi32, #tpu.memory_space<hbm>>) dst(%arg7 : memref<2x50xi32, #tpu.memory_space<vmem>>)
    %dma_start3A_44 = arith.constant 0 : i32
    %dma_start3A_45 = arith.constant 0 : i32
    %dma_start3A_46 = tpu.memref_slice %arg7[%dma_start3A_44, %dma_start3A_45] : memref<2x50xi32, #tpu.memory_space<vmem>> -> memref<1x50xi32, #tpu.memory_space<vmem>>
    %dma_start3A_47 = tpu.memref_squeeze %dma_start3A_46 : memref<1x50xi32, #tpu.memory_space<vmem>> -> memref<50xi32, #tpu.memory_space<vmem>>
    %dma_start3A_48 = arith.constant 0 : i32
    %dma_start3A_49 = arith.constant 0 : i32
    %dma_start3A_50 = tpu.memref_slice %arg2[%dma_start3A_48, %dma_start3A_49] : memref<10000x128xf32, #tpu.memory_space<hbm>> -> memref<10000x128xf32, #tpu.memory_space<hbm>>
    tpu.enqueue_indirect_dma source(%dma_start3A_50 : memref<10000x128xf32, #tpu.memory_space<hbm>>) target(%arg11 : memref<50x128xf32, #tpu.memory_space<vmem>>) offsets(%dma_start3A_47 : memref<50xi32, #tpu.memory_space<vmem>>) semaphore(%arg20 : memref<!tpu.dma_semaphore, #tpu.memory_space<semaphore_mem>>)
    %mul3A_51 = arith.constant 640 : i32
    %mul3A_52 = arith.muli %arg1, %mul3A_51 : i32
    %mul3A_53 = arith.constant 640 : i32
    %mul3A_54 = arith.muli %arg1, %mul3A_53 : i32
    "tpu.region"() ({
      %run_scoped3A = tpu.sem_alloc : memref<!tpu.dma_semaphore, #tpu.memory_space<semaphore_mem>>
      %dma_start3A_78 = arith.constant 0 : i32
      %dma_start3A_79 = tpu.memref_slice %arg14[%mul3A_54, %dma_start3A_78] : memref<10240x128xf32, #tpu.memory_space<vmem_shared>> -> memref<640x128xf32, #tpu.memory_space<vmem_shared>>
      %dma_start3A_80 = arith.constant 0 : i32
      %dma_start3A_81 = tpu.memref_slice %arg4[%mul3A_52, %dma_start3A_80] : memref<10240x128xf32, #tpu.memory_space<hbm>> -> memref<640x128xf32, #tpu.memory_space<hbm>>
      tpu.enqueue_dma source(%dma_start3A_81 : memref<640x128xf32, #tpu.memory_space<hbm>>) target(%dma_start3A_79 : memref<640x128xf32, #tpu.memory_space<vmem_shared>>) target_semaphore(%run_scoped3A : memref<!tpu.dma_semaphore, #tpu.memory_space<semaphore_mem>>)
      %dma_wait3A_82 = arith.constant 0 : i32
      %dma_wait3A_83 = tpu.memref_slice %arg14[%mul3A_54, %dma_wait3A_82] : memref<10240x128xf32, #tpu.memory_space<vmem_shared>> -> memref<640x128xf32, #tpu.memory_space<vmem_shared>>
      %dma_wait3A_84 = arith.constant 0 : i32
      %dma_wait3A_85 = tpu.memref_slice %arg4[%mul3A_52, %dma_wait3A_84] : memref<10240x128xf32, #tpu.memory_space<hbm>> -> memref<640x128xf32, #tpu.memory_space<hbm>>
      tpu.wait_dma2 semaphore(%run_scoped3A : memref<!tpu.dma_semaphore, #tpu.memory_space<semaphore_mem>>) src(%dma_wait3A_85 : memref<640x128xf32, #tpu.memory_space<hbm>>) dst(%dma_wait3A_83 : memref<640x128xf32, #tpu.memory_space<vmem_shared>>)
      tpu.yield
    }) : () -> ()
    %barrier3A = arith.constant 0 : index
    tpu.barrier barrier_id(%barrier3A)
    %scan3A = arith.constant 0 : i32
    %scan3A_55 = arith.constant 50 : i32
    %scan3A_56 = arith.addi %scan3A, %scan3A_55 : i32
    %scan3A_57 = arith.constant 1 : i32
    scf.for %scan3A_78 = %scan3A to %scan3A_56 step %scan3A_57  : i32 {
      %mul3A_79 = arith.constant 4 : i32
      %mul3A_80 = arith.muli %scan3A_78, %mul3A_79 : i32
      %add3A_81 = arith.constant 0 : i32
      %add3A_82 = arith.addi %add3A_81, %mul3A_80 : i32
      %add3A_83 = arith.constant 0 : i32
      %add3A_84 = arith.addi %add3A_82, %add3A_83 : i32
      %ge3A = arith.constant 2 : i32
      %ge3A_85 = arith.cmpi sge, %add3A_84, %ge3A : i32
      %convert_element_type3A = arith.extui %ge3A_85 : i1 to i32
      %cond3A = arith.constant 0 : i32
      %cond3A_86 = arith.cmpi ne, %convert_element_type3A, %cond3A : i32
      scf.if %cond3A_86 {
        %dma_wait3A_223 = arith.constant 1 : i32
        %dma_wait3A_224 = arith.constant 0 : i32
        %dma_wait3A_225 = tpu.memref_slice %arg8[%dma_wait3A_223, %dma_wait3A_224] : memref<2x50xi32, #tpu.memory_space<vmem>> -> memref<1x50xi32, #tpu.memory_space<vmem>>
        %dma_wait3A_226 = tpu.memref_squeeze %dma_wait3A_225 : memref<1x50xi32, #tpu.memory_space<vmem>> -> memref<50xi32, #tpu.memory_space<vmem>>
        %dma_wait3A_227 = arith.constant 0 : i32
        %dma_wait3A_228 = arith.constant 0 : i32
        %dma_wait3A_229 = tpu.memref_slice %arg14[%dma_wait3A_227, %dma_wait3A_228] : memref<10240x128xf32, #tpu.memory_space<vmem_shared>> -> memref<10240x128xf32, #tpu.memory_space<vmem_shared>>
        tpu.wait_indirect_dma semaphore(%arg25 : memref<!tpu.dma_semaphore, #tpu.memory_space<semaphore_mem>>) src(%arg12 : memref<50x128xf32, #tpu.memory_space<vmem>>) dst(%dma_wait3A_229 : memref<10240x128xf32, #tpu.memory_space<vmem_shared>>)
      } else {
      }
      %add3A_87 = arith.constant 2 : i32
      %add3A_88 = arith.addi %add3A_84, %add3A_87 : i32
      %lt3A = arith.constant 200 : i32
      %lt3A_89 = arith.cmpi slt, %add3A_88, %lt3A : i32
      %convert_element_type3A_90 = arith.extui %lt3A_89 : i1 to i32
      %cond3A_91 = arith.constant 0 : i32
      %cond3A_92 = arith.cmpi ne, %convert_element_type3A_90, %cond3A_91 : i32
      scf.if %cond3A_92 {
        %add3A_223 = arith.constant 2 : i32
        %add3A_224 = arith.addi %add3A_84, %add3A_223 : i32
        %add3A_225 = arith.addi %mul3A_2, %add3A_224 : i32
        %dma_start3A_226 = arith.constant 0 : i32
        %dma_start3A_227 = arith.constant 0 : i32
        %dma_start3A_228 = tpu.memref_slice %arg3[%add3A_225, %dma_start3A_226, %dma_start3A_227] : memref<6400x2x50xi32, #tpu.memory_space<hbm>> -> memref<1x2x50xi32, #tpu.memory_space<hbm>>
        %dma_start3A_229 = tpu.memref_squeeze %dma_start3A_228 : memref<1x2x50xi32, #tpu.memory_space<hbm>> -> memref<2x50xi32, #tpu.memory_space<hbm>>
        %dma_start3A_230 = arith.constant 0 : i32
        %dma_start3A_231 = arith.constant 0 : i32
        %dma_start3A_232 = tpu.memref_slice %arg3[%add3A_225, %dma_start3A_230, %dma_start3A_231] : memref<6400x2x50xi32, #tpu.memory_space<hbm>> -> memref<1x2x50xi32, #tpu.memory_space<hbm>>
        %dma_start3A_233 = tpu.memref_squeeze %dma_start3A_232 : memref<1x2x50xi32, #tpu.memory_space<hbm>> -> memref<2x50xi32, #tpu.memory_space<hbm>>
        tpu.enqueue_dma source(%dma_start3A_233 : memref<2x50xi32, #tpu.memory_space<hbm>>) target(%arg8 : memref<2x50xi32, #tpu.memory_space<vmem>>) target_semaphore(%arg17 : memref<!tpu.dma_semaphore, #tpu.memory_space<semaphore_mem>>)
      } else {
      }
      %dma_wait3A_93 = arith.constant 0 : i32
      %dma_wait3A_94 = arith.constant 0 : i32
      %dma_wait3A_95 = tpu.memref_slice %arg6[%dma_wait3A_93, %dma_wait3A_94] : memref<2x50xi32, #tpu.memory_space<vmem>> -> memref<1x50xi32, #tpu.memory_space<vmem>>
      %dma_wait3A_96 = tpu.memref_squeeze %dma_wait3A_95 : memref<1x50xi32, #tpu.memory_space<vmem>> -> memref<50xi32, #tpu.memory_space<vmem>>
      %dma_wait3A_97 = arith.constant 0 : i32
      %dma_wait3A_98 = arith.constant 0 : i32
      %dma_wait3A_99 = tpu.memref_slice %arg2[%dma_wait3A_97, %dma_wait3A_98] : memref<10000x128xf32, #tpu.memory_space<hbm>> -> memref<10000x128xf32, #tpu.memory_space<hbm>>
      tpu.wait_indirect_dma semaphore(%arg19 : memref<!tpu.dma_semaphore, #tpu.memory_space<semaphore_mem>>) src(%dma_wait3A_99 : memref<10000x128xf32, #tpu.memory_space<hbm>>) dst(%arg10 : memref<50x128xf32, #tpu.memory_space<vmem>>)
      %dma_start3A_100 = arith.constant 1 : i32
      %dma_start3A_101 = arith.constant 0 : i32
      %dma_start3A_102 = tpu.memref_slice %arg6[%dma_start3A_100, %dma_start3A_101] : memref<2x50xi32, #tpu.memory_space<vmem>> -> memref<1x50xi32, #tpu.memory_space<vmem>>
      %dma_start3A_103 = tpu.memref_squeeze %dma_start3A_102 : memref<1x50xi32, #tpu.memory_space<vmem>> -> memref<50xi32, #tpu.memory_space<vmem>>
      %dma_start3A_104 = arith.constant 0 : i32
      %dma_start3A_105 = arith.constant 0 : i32
      %dma_start3A_106 = tpu.memref_slice %arg14[%dma_start3A_104, %dma_start3A_105] : memref<10240x128xf32, #tpu.memory_space<vmem_shared>> -> memref<10240x128xf32, #tpu.memory_space<vmem_shared>>
      tpu.enqueue_indirect_dma source(%arg10 : memref<50x128xf32, #tpu.memory_space<vmem>>) target(%dma_start3A_106 : memref<10240x128xf32, #tpu.memory_space<vmem_shared>>) offsets(%dma_start3A_103 : memref<50xi32, #tpu.memory_space<vmem>>) semaphore(%arg23 : memref<!tpu.dma_semaphore, #tpu.memory_space<semaphore_mem>>) {add = true}
      %add3A_107 = arith.constant 2 : i32
      %add3A_108 = arith.addi %add3A_84, %add3A_107 : i32
      %lt3A_109 = arith.constant 200 : i32
      %lt3A_110 = arith.cmpi slt, %add3A_108, %lt3A_109 : i32
      %convert_element_type3A_111 = arith.extui %lt3A_110 : i1 to i32
      %cond3A_112 = arith.constant 0 : i32
      %cond3A_113 = arith.cmpi ne, %convert_element_type3A_111, %cond3A_112 : i32
      scf.if %cond3A_113 {
        %dma_wait3A_223 = arith.constant 0 : i32
        %dma_wait3A_224 = arith.constant 0 : i32
        %dma_wait3A_225 = tpu.memref_slice %arg3[%mul3A_2, %dma_wait3A_223, %dma_wait3A_224] : memref<6400x2x50xi32, #tpu.memory_space<hbm>> -> memref<1x2x50xi32, #tpu.memory_space<hbm>>
        %dma_wait3A_226 = tpu.memref_squeeze %dma_wait3A_225 : memref<1x2x50xi32, #tpu.memory_space<hbm>> -> memref<2x50xi32, #tpu.memory_space<hbm>>
        %dma_wait3A_227 = arith.constant 0 : i32
        %dma_wait3A_228 = arith.constant 0 : i32
        %dma_wait3A_229 = tpu.memref_slice %arg3[%mul3A_2, %dma_wait3A_227, %dma_wait3A_228] : memref<6400x2x50xi32, #tpu.memory_space<hbm>> -> memref<1x2x50xi32, #tpu.memory_space<hbm>>
        %dma_wait3A_230 = tpu.memref_squeeze %dma_wait3A_229 : memref<1x2x50xi32, #tpu.memory_space<hbm>> -> memref<2x50xi32, #tpu.memory_space<hbm>>
        tpu.wait_dma2 semaphore(%arg17 : memref<!tpu.dma_semaphore, #tpu.memory_space<semaphore_mem>>) src(%dma_wait3A_230 : memref<2x50xi32, #tpu.memory_space<hbm>>) dst(%arg8 : memref<2x50xi32, #tpu.memory_space<vmem>>)
        %add3A_231 = arith.constant 2 : i32
        %add3A_232 = arith.addi %add3A_84, %add3A_231 : i32
        %dma_start3A_233 = arith.constant 0 : i32
        %dma_start3A_234 = arith.constant 0 : i32
        %dma_start3A_235 = tpu.memref_slice %arg8[%dma_start3A_233, %dma_start3A_234] : memref<2x50xi32, #tpu.memory_space<vmem>> -> memref<1x50xi32, #tpu.memory_space<vmem>>
        %dma_start3A_236 = tpu.memref_squeeze %dma_start3A_235 : memref<1x50xi32, #tpu.memory_space<vmem>> -> memref<50xi32, #tpu.memory_space<vmem>>
        %dma_start3A_237 = arith.constant 0 : i32
        %dma_start3A_238 = arith.constant 0 : i32
        %dma_start3A_239 = tpu.memref_slice %arg2[%dma_start3A_237, %dma_start3A_238] : memref<10000x128xf32, #tpu.memory_space<hbm>> -> memref<10000x128xf32, #tpu.memory_space<hbm>>
        tpu.enqueue_indirect_dma source(%dma_start3A_239 : memref<10000x128xf32, #tpu.memory_space<hbm>>) target(%arg12 : memref<50x128xf32, #tpu.memory_space<vmem>>) offsets(%dma_start3A_236 : memref<50xi32, #tpu.memory_space<vmem>>) semaphore(%arg21 : memref<!tpu.dma_semaphore, #tpu.memory_space<semaphore_mem>>)
      } else {
      }
      %add3A_114 = arith.constant 1 : i32
      %add3A_115 = arith.addi %add3A_82, %add3A_114 : i32
      %ge3A_116 = arith.constant 2 : i32
      %ge3A_117 = arith.cmpi sge, %add3A_115, %ge3A_116 : i32
      %convert_element_type3A_118 = arith.extui %ge3A_117 : i1 to i32
      %cond3A_119 = arith.constant 0 : i32
      %cond3A_120 = arith.cmpi ne, %convert_element_type3A_118, %cond3A_119 : i32
      scf.if %cond3A_120 {
        %dma_wait3A_223 = arith.constant 1 : i32
        %dma_wait3A_224 = arith.constant 0 : i32
        %dma_wait3A_225 = tpu.memref_slice %arg9[%dma_wait3A_223, %dma_wait3A_224] : memref<2x50xi32, #tpu.memory_space<vmem>> -> memref<1x50xi32, #tpu.memory_space<vmem>>
        %dma_wait3A_226 = tpu.memref_squeeze %dma_wait3A_225 : memref<1x50xi32, #tpu.memory_space<vmem>> -> memref<50xi32, #tpu.memory_space<vmem>>
        %dma_wait3A_227 = arith.constant 0 : i32
        %dma_wait3A_228 = arith.constant 0 : i32
        %dma_wait3A_229 = tpu.memref_slice %arg14[%dma_wait3A_227, %dma_wait3A_228] : memref<10240x128xf32, #tpu.memory_space<vmem_shared>> -> memref<10240x128xf32, #tpu.memory_space<vmem_shared>>
        tpu.wait_indirect_dma semaphore(%arg26 : memref<!tpu.dma_semaphore, #tpu.memory_space<semaphore_mem>>) src(%arg13 : memref<50x128xf32, #tpu.memory_space<vmem>>) dst(%dma_wait3A_229 : memref<10240x128xf32, #tpu.memory_space<vmem_shared>>)
      } else {
      }
      %add3A_121 = arith.constant 2 : i32
      %add3A_122 = arith.addi %add3A_115, %add3A_121 : i32
      %lt3A_123 = arith.constant 200 : i32
      %lt3A_124 = arith.cmpi slt, %add3A_122, %lt3A_123 : i32
      %convert_element_type3A_125 = arith.extui %lt3A_124 : i1 to i32
      %cond3A_126 = arith.constant 0 : i32
      %cond3A_127 = arith.cmpi ne, %convert_element_type3A_125, %cond3A_126 : i32
      scf.if %cond3A_127 {
        %add3A_223 = arith.constant 2 : i32
        %add3A_224 = arith.addi %add3A_115, %add3A_223 : i32
        %add3A_225 = arith.addi %mul3A_2, %add3A_224 : i32
        %dma_start3A_226 = arith.constant 0 : i32
        %dma_start3A_227 = arith.constant 0 : i32
        %dma_start3A_228 = tpu.memref_slice %arg3[%add3A_225, %dma_start3A_226, %dma_start3A_227] : memref<6400x2x50xi32, #tpu.memory_space<hbm>> -> memref<1x2x50xi32, #tpu.memory_space<hbm>>
        %dma_start3A_229 = tpu.memref_squeeze %dma_start3A_228 : memref<1x2x50xi32, #tpu.memory_space<hbm>> -> memref<2x50xi32, #tpu.memory_space<hbm>>
        %dma_start3A_230 = arith.constant 0 : i32
        %dma_start3A_231 = arith.constant 0 : i32
        %dma_start3A_232 = tpu.memref_slice %arg3[%add3A_225, %dma_start3A_230, %dma_start3A_231] : memref<6400x2x50xi32, #tpu.memory_space<hbm>> -> memref<1x2x50xi32, #tpu.memory_space<hbm>>
        %dma_start3A_233 = tpu.memref_squeeze %dma_start3A_232 : memref<1x2x50xi32, #tpu.memory_space<hbm>> -> memref<2x50xi32, #tpu.memory_space<hbm>>
        tpu.enqueue_dma source(%dma_start3A_233 : memref<2x50xi32, #tpu.memory_space<hbm>>) target(%arg9 : memref<2x50xi32, #tpu.memory_space<vmem>>) target_semaphore(%arg18 : memref<!tpu.dma_semaphore, #tpu.memory_space<semaphore_mem>>)
      } else {
      }
      %dma_wait3A_128 = arith.constant 0 : i32
      %dma_wait3A_129 = arith.constant 0 : i32
      %dma_wait3A_130 = tpu.memref_slice %arg7[%dma_wait3A_128, %dma_wait3A_129] : memref<2x50xi32, #tpu.memory_space<vmem>> -> memref<1x50xi32, #tpu.memory_space<vmem>>
      %dma_wait3A_131 = tpu.memref_squeeze %dma_wait3A_130 : memref<1x50xi32, #tpu.memory_space<vmem>> -> memref<50xi32, #tpu.memory_space<vmem>>
      %dma_wait3A_132 = arith.constant 0 : i32
      %dma_wait3A_133 = arith.constant 0 : i32
      %dma_wait3A_134 = tpu.memref_slice %arg2[%dma_wait3A_132, %dma_wait3A_133] : memref<10000x128xf32, #tpu.memory_space<hbm>> -> memref<10000x128xf32, #tpu.memory_space<hbm>>
      tpu.wait_indirect_dma semaphore(%arg20 : memref<!tpu.dma_semaphore, #tpu.memory_space<semaphore_mem>>) src(%dma_wait3A_134 : memref<10000x128xf32, #tpu.memory_space<hbm>>) dst(%arg11 : memref<50x128xf32, #tpu.memory_space<vmem>>)
      %dma_start3A_135 = arith.constant 1 : i32
      %dma_start3A_136 = arith.constant 0 : i32
      %dma_start3A_137 = tpu.memref_slice %arg7[%dma_start3A_135, %dma_start3A_136] : memref<2x50xi32, #tpu.memory_space<vmem>> -> memref<1x50xi32, #tpu.memory_space<vmem>>
      %dma_start3A_138 = tpu.memref_squeeze %dma_start3A_137 : memref<1x50xi32, #tpu.memory_space<vmem>> -> memref<50xi32, #tpu.memory_space<vmem>>
      %dma_start3A_139 = arith.constant 0 : i32
      %dma_start3A_140 = arith.constant 0 : i32
      %dma_start3A_141 = tpu.memref_slice %arg14[%dma_start3A_139, %dma_start3A_140] : memref<10240x128xf32, #tpu.memory_space<vmem_shared>> -> memref<10240x128xf32, #tpu.memory_space<vmem_shared>>
      tpu.enqueue_indirect_dma source(%arg11 : memref<50x128xf32, #tpu.memory_space<vmem>>) target(%dma_start3A_141 : memref<10240x128xf32, #tpu.memory_space<vmem_shared>>) offsets(%dma_start3A_138 : memref<50xi32, #tpu.memory_space<vmem>>) semaphore(%arg24 : memref<!tpu.dma_semaphore, #tpu.memory_space<semaphore_mem>>) {add = true}
      %add3A_142 = arith.constant 2 : i32
      %add3A_143 = arith.addi %add3A_115, %add3A_142 : i32
      %lt3A_144 = arith.constant 200 : i32
      %lt3A_145 = arith.cmpi slt, %add3A_143, %lt3A_144 : i32
      %convert_element_type3A_146 = arith.extui %lt3A_145 : i1 to i32
      %cond3A_147 = arith.constant 0 : i32
      %cond3A_148 = arith.cmpi ne, %convert_element_type3A_146, %cond3A_147 : i32
      scf.if %cond3A_148 {
        %dma_wait3A_223 = arith.constant 0 : i32
        %dma_wait3A_224 = arith.constant 0 : i32
        %dma_wait3A_225 = tpu.memref_slice %arg3[%mul3A_2, %dma_wait3A_223, %dma_wait3A_224] : memref<6400x2x50xi32, #tpu.memory_space<hbm>> -> memref<1x2x50xi32, #tpu.memory_space<hbm>>
        %dma_wait3A_226 = tpu.memref_squeeze %dma_wait3A_225 : memref<1x2x50xi32, #tpu.memory_space<hbm>> -> memref<2x50xi32, #tpu.memory_space<hbm>>
        %dma_wait3A_227 = arith.constant 0 : i32
        %dma_wait3A_228 = arith.constant 0 : i32
        %dma_wait3A_229 = tpu.memref_slice %arg3[%mul3A_2, %dma_wait3A_227, %dma_wait3A_228] : memref<6400x2x50xi32, #tpu.memory_space<hbm>> -> memref<1x2x50xi32, #tpu.memory_space<hbm>>
        %dma_wait3A_230 = tpu.memref_squeeze %dma_wait3A_229 : memref<1x2x50xi32, #tpu.memory_space<hbm>> -> memref<2x50xi32, #tpu.memory_space<hbm>>
        tpu.wait_dma2 semaphore(%arg18 : memref<!tpu.dma_semaphore, #tpu.memory_space<semaphore_mem>>) src(%dma_wait3A_230 : memref<2x50xi32, #tpu.memory_space<hbm>>) dst(%arg9 : memref<2x50xi32, #tpu.memory_space<vmem>>)
        %add3A_231 = arith.constant 2 : i32
        %add3A_232 = arith.addi %add3A_115, %add3A_231 : i32
        %dma_start3A_233 = arith.constant 0 : i32
        %dma_start3A_234 = arith.constant 0 : i32
        %dma_start3A_235 = tpu.memref_slice %arg9[%dma_start3A_233, %dma_start3A_234] : memref<2x50xi32, #tpu.memory_space<vmem>> -> memref<1x50xi32, #tpu.memory_space<vmem>>
        %dma_start3A_236 = tpu.memref_squeeze %dma_start3A_235 : memref<1x50xi32, #tpu.memory_space<vmem>> -> memref<50xi32, #tpu.memory_space<vmem>>
        %dma_start3A_237 = arith.constant 0 : i32
        %dma_start3A_238 = arith.constant 0 : i32
        %dma_start3A_239 = tpu.memref_slice %arg2[%dma_start3A_237, %dma_start3A_238] : memref<10000x128xf32, #tpu.memory_space<hbm>> -> memref<10000x128xf32, #tpu.memory_space<hbm>>
        tpu.enqueue_indirect_dma source(%dma_start3A_239 : memref<10000x128xf32, #tpu.memory_space<hbm>>) target(%arg13 : memref<50x128xf32, #tpu.memory_space<vmem>>) offsets(%dma_start3A_236 : memref<50xi32, #tpu.memory_space<vmem>>) semaphore(%arg22 : memref<!tpu.dma_semaphore, #tpu.memory_space<semaphore_mem>>)
      } else {
      }
      %add3A_149 = arith.constant 2 : i32
      %add3A_150 = arith.addi %add3A_82, %add3A_149 : i32
      %dma_wait3A_151 = arith.constant 1 : i32
      %dma_wait3A_152 = arith.constant 0 : i32
      %dma_wait3A_153 = tpu.memref_slice %arg6[%dma_wait3A_151, %dma_wait3A_152] : memref<2x50xi32, #tpu.memory_space<vmem>> -> memref<1x50xi32, #tpu.memory_space<vmem>>
      %dma_wait3A_154 = tpu.memref_squeeze %dma_wait3A_153 : memref<1x50xi32, #tpu.memory_space<vmem>> -> memref<50xi32, #tpu.memory_space<vmem>>
      %dma_wait3A_155 = arith.constant 0 : i32
      %dma_wait3A_156 = arith.constant 0 : i32
      %dma_wait3A_157 = tpu.memref_slice %arg14[%dma_wait3A_155, %dma_wait3A_156] : memref<10240x128xf32, #tpu.memory_space<vmem_shared>> -> memref<10240x128xf32, #tpu.memory_space<vmem_shared>>
      tpu.wait_indirect_dma semaphore(%arg23 : memref<!tpu.dma_semaphore, #tpu.memory_space<semaphore_mem>>) src(%arg10 : memref<50x128xf32, #tpu.memory_space<vmem>>) dst(%dma_wait3A_157 : memref<10240x128xf32, #tpu.memory_space<vmem_shared>>)
      %add3A_158 = arith.constant 2 : i32
      %add3A_159 = arith.addi %add3A_150, %add3A_158 : i32
      %lt3A_160 = arith.constant 200 : i32
      %lt3A_161 = arith.cmpi slt, %add3A_159, %lt3A_160 : i32
      %convert_element_type3A_162 = arith.extui %lt3A_161 : i1 to i32
      %cond3A_163 = arith.constant 0 : i32
      %cond3A_164 = arith.cmpi ne, %convert_element_type3A_162, %cond3A_163 : i32
      scf.if %cond3A_164 {
        %add3A_223 = arith.constant 2 : i32
        %add3A_224 = arith.addi %add3A_150, %add3A_223 : i32
        %add3A_225 = arith.addi %mul3A_2, %add3A_224 : i32
        %dma_start3A_226 = arith.constant 0 : i32
        %dma_start3A_227 = arith.constant 0 : i32
        %dma_start3A_228 = tpu.memref_slice %arg3[%add3A_225, %dma_start3A_226, %dma_start3A_227] : memref<6400x2x50xi32, #tpu.memory_space<hbm>> -> memref<1x2x50xi32, #tpu.memory_space<hbm>>
        %dma_start3A_229 = tpu.memref_squeeze %dma_start3A_228 : memref<1x2x50xi32, #tpu.memory_space<hbm>> -> memref<2x50xi32, #tpu.memory_space<hbm>>
        %dma_start3A_230 = arith.constant 0 : i32
        %dma_start3A_231 = arith.constant 0 : i32
        %dma_start3A_232 = tpu.memref_slice %arg3[%add3A_225, %dma_start3A_230, %dma_start3A_231] : memref<6400x2x50xi32, #tpu.memory_space<hbm>> -> memref<1x2x50xi32, #tpu.memory_space<hbm>>
        %dma_start3A_233 = tpu.memref_squeeze %dma_start3A_232 : memref<1x2x50xi32, #tpu.memory_space<hbm>> -> memref<2x50xi32, #tpu.memory_space<hbm>>
        tpu.enqueue_dma source(%dma_start3A_233 : memref<2x50xi32, #tpu.memory_space<hbm>>) target(%arg6 : memref<2x50xi32, #tpu.memory_space<vmem>>) target_semaphore(%arg15 : memref<!tpu.dma_semaphore, #tpu.memory_space<semaphore_mem>>)
      } else {
      }
      %dma_wait3A_165 = arith.constant 0 : i32
      %dma_wait3A_166 = arith.constant 0 : i32
      %dma_wait3A_167 = tpu.memref_slice %arg8[%dma_wait3A_165, %dma_wait3A_166] : memref<2x50xi32, #tpu.memory_space<vmem>> -> memref<1x50xi32, #tpu.memory_space<vmem>>
      %dma_wait3A_168 = tpu.memref_squeeze %dma_wait3A_167 : memref<1x50xi32, #tpu.memory_space<vmem>> -> memref<50xi32, #tpu.memory_space<vmem>>
      %dma_wait3A_169 = arith.constant 0 : i32
      %dma_wait3A_170 = arith.constant 0 : i32
      %dma_wait3A_171 = tpu.memref_slice %arg2[%dma_wait3A_169, %dma_wait3A_170] : memref<10000x128xf32, #tpu.memory_space<hbm>> -> memref<10000x128xf32, #tpu.memory_space<hbm>>
      tpu.wait_indirect_dma semaphore(%arg21 : memref<!tpu.dma_semaphore, #tpu.memory_space<semaphore_mem>>) src(%dma_wait3A_171 : memref<10000x128xf32, #tpu.memory_space<hbm>>) dst(%arg12 : memref<50x128xf32, #tpu.memory_space<vmem>>)
      %dma_start3A_172 = arith.constant 1 : i32
      %dma_start3A_173 = arith.constant 0 : i32
      %dma_start3A_174 = tpu.memref_slice %arg8[%dma_start3A_172, %dma_start3A_173] : memref<2x50xi32, #tpu.memory_space<vmem>> -> memref<1x50xi32, #tpu.memory_space<vmem>>
      %dma_start3A_175 = tpu.memref_squeeze %dma_start3A_174 : memref<1x50xi32, #tpu.memory_space<vmem>> -> memref<50xi32, #tpu.memory_space<vmem>>
      %dma_start3A_176 = arith.constant 0 : i32
      %dma_start3A_177 = arith.constant 0 : i32
      %dma_start3A_178 = tpu.memref_slice %arg14[%dma_start3A_176, %dma_start3A_177] : memref<10240x128xf32, #tpu.memory_space<vmem_shared>> -> memref<10240x128xf32, #tpu.memory_space<vmem_shared>>
      tpu.enqueue_indirect_dma source(%arg12 : memref<50x128xf32, #tpu.memory_space<vmem>>) target(%dma_start3A_178 : memref<10240x128xf32, #tpu.memory_space<vmem_shared>>) offsets(%dma_start3A_175 : memref<50xi32, #tpu.memory_space<vmem>>) semaphore(%arg25 : memref<!tpu.dma_semaphore, #tpu.memory_space<semaphore_mem>>) {add = true}
      %add3A_179 = arith.constant 2 : i32
      %add3A_180 = arith.addi %add3A_150, %add3A_179 : i32
      %lt3A_181 = arith.constant 200 : i32
      %lt3A_182 = arith.cmpi slt, %add3A_180, %lt3A_181 : i32
      %convert_element_type3A_183 = arith.extui %lt3A_182 : i1 to i32
      %cond3A_184 = arith.constant 0 : i32
      %cond3A_185 = arith.cmpi ne, %convert_element_type3A_183, %cond3A_184 : i32
      scf.if %cond3A_185 {
        %dma_wait3A_223 = arith.constant 0 : i32
        %dma_wait3A_224 = arith.constant 0 : i32
        %dma_wait3A_225 = tpu.memref_slice %arg3[%mul3A_2, %dma_wait3A_223, %dma_wait3A_224] : memref<6400x2x50xi32, #tpu.memory_space<hbm>> -> memref<1x2x50xi32, #tpu.memory_space<hbm>>
        %dma_wait3A_226 = tpu.memref_squeeze %dma_wait3A_225 : memref<1x2x50xi32, #tpu.memory_space<hbm>> -> memref<2x50xi32, #tpu.memory_space<hbm>>
        %dma_wait3A_227 = arith.constant 0 : i32
        %dma_wait3A_228 = arith.constant 0 : i32
        %dma_wait3A_229 = tpu.memref_slice %arg3[%mul3A_2, %dma_wait3A_227, %dma_wait3A_228] : memref<6400x2x50xi32, #tpu.memory_space<hbm>> -> memref<1x2x50xi32, #tpu.memory_space<hbm>>
        %dma_wait3A_230 = tpu.memref_squeeze %dma_wait3A_229 : memref<1x2x50xi32, #tpu.memory_space<hbm>> -> memref<2x50xi32, #tpu.memory_space<hbm>>
        tpu.wait_dma2 semaphore(%arg15 : memref<!tpu.dma_semaphore, #tpu.memory_space<semaphore_mem>>) src(%dma_wait3A_230 : memref<2x50xi32, #tpu.memory_space<hbm>>) dst(%arg6 : memref<2x50xi32, #tpu.memory_space<vmem>>)
        %add3A_231 = arith.constant 2 : i32
        %add3A_232 = arith.addi %add3A_150, %add3A_231 : i32
        %dma_start3A_233 = arith.constant 0 : i32
        %dma_start3A_234 = arith.constant 0 : i32
        %dma_start3A_235 = tpu.memref_slice %arg6[%dma_start3A_233, %dma_start3A_234] : memref<2x50xi32, #tpu.memory_space<vmem>> -> memref<1x50xi32, #tpu.memory_space<vmem>>
        %dma_start3A_236 = tpu.memref_squeeze %dma_start3A_235 : memref<1x50xi32, #tpu.memory_space<vmem>> -> memref<50xi32, #tpu.memory_space<vmem>>
        %dma_start3A_237 = arith.constant 0 : i32
        %dma_start3A_238 = arith.constant 0 : i32
        %dma_start3A_239 = tpu.memref_slice %arg2[%dma_start3A_237, %dma_start3A_238] : memref<10000x128xf32, #tpu.memory_space<hbm>> -> memref<10000x128xf32, #tpu.memory_space<hbm>>
        tpu.enqueue_indirect_dma source(%dma_start3A_239 : memref<10000x128xf32, #tpu.memory_space<hbm>>) target(%arg10 : memref<50x128xf32, #tpu.memory_space<vmem>>) offsets(%dma_start3A_236 : memref<50xi32, #tpu.memory_space<vmem>>) semaphore(%arg19 : memref<!tpu.dma_semaphore, #tpu.memory_space<semaphore_mem>>)
      } else {
      }
      %add3A_186 = arith.constant 3 : i32
      %add3A_187 = arith.addi %add3A_82, %add3A_186 : i32
      %dma_wait3A_188 = arith.constant 1 : i32
      %dma_wait3A_189 = arith.constant 0 : i32
      %dma_wait3A_190 = tpu.memref_slice %arg7[%dma_wait3A_188, %dma_wait3A_189] : memref<2x50xi32, #tpu.memory_space<vmem>> -> memref<1x50xi32, #tpu.memory_space<vmem>>
      %dma_wait3A_191 = tpu.memref_squeeze %dma_wait3A_190 : memref<1x50xi32, #tpu.memory_space<vmem>> -> memref<50xi32, #tpu.memory_space<vmem>>
      %dma_wait3A_192 = arith.constant 0 : i32
      %dma_wait3A_193 = arith.constant 0 : i32
      %dma_wait3A_194 = tpu.memref_slice %arg14[%dma_wait3A_192, %dma_wait3A_193] : memref<10240x128xf32, #tpu.memory_space<vmem_shared>> -> memref<10240x128xf32, #tpu.memory_space<vmem_shared>>
      tpu.wait_indirect_dma semaphore(%arg24 : memref<!tpu.dma_semaphore, #tpu.memory_space<semaphore_mem>>) src(%arg11 : memref<50x128xf32, #tpu.memory_space<vmem>>) dst(%dma_wait3A_194 : memref<10240x128xf32, #tpu.memory_space<vmem_shared>>)
      %add3A_195 = arith.constant 2 : i32
      %add3A_196 = arith.addi %add3A_187, %add3A_195 : i32
      %lt3A_197 = arith.constant 200 : i32
      %lt3A_198 = arith.cmpi slt, %add3A_196, %lt3A_197 : i32
      %convert_element_type3A_199 = arith.extui %lt3A_198 : i1 to i32
      %cond3A_200 = arith.constant 0 : i32
      %cond3A_201 = arith.cmpi ne, %convert_element_type3A_199, %cond3A_200 : i32
      scf.if %cond3A_201 {
        %add3A_223 = arith.constant 2 : i32
        %add3A_224 = arith.addi %add3A_187, %add3A_223 : i32
        %add3A_225 = arith.addi %mul3A_2, %add3A_224 : i32
        %dma_start3A_226 = arith.constant 0 : i32
        %dma_start3A_227 = arith.constant 0 : i32
        %dma_start3A_228 = tpu.memref_slice %arg3[%add3A_225, %dma_start3A_226, %dma_start3A_227] : memref<6400x2x50xi32, #tpu.memory_space<hbm>> -> memref<1x2x50xi32, #tpu.memory_space<hbm>>
        %dma_start3A_229 = tpu.memref_squeeze %dma_start3A_228 : memref<1x2x50xi32, #tpu.memory_space<hbm>> -> memref<2x50xi32, #tpu.memory_space<hbm>>
        %dma_start3A_230 = arith.constant 0 : i32
        %dma_start3A_231 = arith.constant 0 : i32
        %dma_start3A_232 = tpu.memref_slice %arg3[%add3A_225, %dma_start3A_230, %dma_start3A_231] : memref<6400x2x50xi32, #tpu.memory_space<hbm>> -> memref<1x2x50xi32, #tpu.memory_space<hbm>>
        %dma_start3A_233 = tpu.memref_squeeze %dma_start3A_232 : memref<1x2x50xi32, #tpu.memory_space<hbm>> -> memref<2x50xi32, #tpu.memory_space<hbm>>
        tpu.enqueue_dma source(%dma_start3A_233 : memref<2x50xi32, #tpu.memory_space<hbm>>) target(%arg7 : memref<2x50xi32, #tpu.memory_space<vmem>>) target_semaphore(%arg16 : memref<!tpu.dma_semaphore, #tpu.memory_space<semaphore_mem>>)
      } else {
      }
      %dma_wait3A_202 = arith.constant 0 : i32
      %dma_wait3A_203 = arith.constant 0 : i32
      %dma_wait3A_204 = tpu.memref_slice %arg9[%dma_wait3A_202, %dma_wait3A_203] : memref<2x50xi32, #tpu.memory_space<vmem>> -> memref<1x50xi32, #tpu.memory_space<vmem>>
      %dma_wait3A_205 = tpu.memref_squeeze %dma_wait3A_204 : memref<1x50xi32, #tpu.memory_space<vmem>> -> memref<50xi32, #tpu.memory_space<vmem>>
      %dma_wait3A_206 = arith.constant 0 : i32
      %dma_wait3A_207 = arith.constant 0 : i32
      %dma_wait3A_208 = tpu.memref_slice %arg2[%dma_wait3A_206, %dma_wait3A_207] : memref<10000x128xf32, #tpu.memory_space<hbm>> -> memref<10000x128xf32, #tpu.memory_space<hbm>>
      tpu.wait_indirect_dma semaphore(%arg22 : memref<!tpu.dma_semaphore, #tpu.memory_space<semaphore_mem>>) src(%dma_wait3A_208 : memref<10000x128xf32, #tpu.memory_space<hbm>>) dst(%arg13 : memref<50x128xf32, #tpu.memory_space<vmem>>)
      %dma_start3A_209 = arith.constant 1 : i32
      %dma_start3A_210 = arith.constant 0 : i32
      %dma_start3A_211 = tpu.memref_slice %arg9[%dma_start3A_209, %dma_start3A_210] : memref<2x50xi32, #tpu.memory_space<vmem>> -> memref<1x50xi32, #tpu.memory_space<vmem>>
      %dma_start3A_212 = tpu.memref_squeeze %dma_start3A_211 : memref<1x50xi32, #tpu.memory_space<vmem>> -> memref<50xi32, #tpu.memory_space<vmem>>
      %dma_start3A_213 = arith.constant 0 : i32
      %dma_start3A_214 = arith.constant 0 : i32
      %dma_start3A_215 = tpu.memref_slice %arg14[%dma_start3A_213, %dma_start3A_214] : memref<10240x128xf32, #tpu.memory_space<vmem_shared>> -> memref<10240x128xf32, #tpu.memory_space<vmem_shared>>
      tpu.enqueue_indirect_dma source(%arg13 : memref<50x128xf32, #tpu.memory_space<vmem>>) target(%dma_start3A_215 : memref<10240x128xf32, #tpu.memory_space<vmem_shared>>) offsets(%dma_start3A_212 : memref<50xi32, #tpu.memory_space<vmem>>) semaphore(%arg26 : memref<!tpu.dma_semaphore, #tpu.memory_space<semaphore_mem>>) {add = true}
      %add3A_216 = arith.constant 2 : i32
      %add3A_217 = arith.addi %add3A_187, %add3A_216 : i32
      %lt3A_218 = arith.constant 200 : i32
      %lt3A_219 = arith.cmpi slt, %add3A_217, %lt3A_218 : i32
      %convert_element_type3A_220 = arith.extui %lt3A_219 : i1 to i32
      %cond3A_221 = arith.constant 0 : i32
      %cond3A_222 = arith.cmpi ne, %convert_element_type3A_220, %cond3A_221 : i32
      scf.if %cond3A_222 {
        %dma_wait3A_223 = arith.constant 0 : i32
        %dma_wait3A_224 = arith.constant 0 : i32
        %dma_wait3A_225 = tpu.memref_slice %arg3[%mul3A_2, %dma_wait3A_223, %dma_wait3A_224] : memref<6400x2x50xi32, #tpu.memory_space<hbm>> -> memref<1x2x50xi32, #tpu.memory_space<hbm>>
        %dma_wait3A_226 = tpu.memref_squeeze %dma_wait3A_225 : memref<1x2x50xi32, #tpu.memory_space<hbm>> -> memref<2x50xi32, #tpu.memory_space<hbm>>
        %dma_wait3A_227 = arith.constant 0 : i32
        %dma_wait3A_228 = arith.constant 0 : i32
        %dma_wait3A_229 = tpu.memref_slice %arg3[%mul3A_2, %dma_wait3A_227, %dma_wait3A_228] : memref<6400x2x50xi32, #tpu.memory_space<hbm>> -> memref<1x2x50xi32, #tpu.memory_space<hbm>>
        %dma_wait3A_230 = tpu.memref_squeeze %dma_wait3A_229 : memref<1x2x50xi32, #tpu.memory_space<hbm>> -> memref<2x50xi32, #tpu.memory_space<hbm>>
        tpu.wait_dma2 semaphore(%arg16 : memref<!tpu.dma_semaphore, #tpu.memory_space<semaphore_mem>>) src(%dma_wait3A_230 : memref<2x50xi32, #tpu.memory_space<hbm>>) dst(%arg7 : memref<2x50xi32, #tpu.memory_space<vmem>>)
        %add3A_231 = arith.constant 2 : i32
        %add3A_232 = arith.addi %add3A_187, %add3A_231 : i32
        %dma_start3A_233 = arith.constant 0 : i32
        %dma_start3A_234 = arith.constant 0 : i32
        %dma_start3A_235 = tpu.memref_slice %arg7[%dma_start3A_233, %dma_start3A_234] : memref<2x50xi32, #tpu.memory_space<vmem>> -> memref<1x50xi32, #tpu.memory_space<vmem>>
        %dma_start3A_236 = tpu.memref_squeeze %dma_start3A_235 : memref<1x50xi32, #tpu.memory_space<vmem>> -> memref<50xi32, #tpu.memory_space<vmem>>
        %dma_start3A_237 = arith.constant 0 : i32
        %dma_start3A_238 = arith.constant 0 : i32
        %dma_start3A_239 = tpu.memref_slice %arg2[%dma_start3A_237, %dma_start3A_238] : memref<10000x128xf32, #tpu.memory_space<hbm>> -> memref<10000x128xf32, #tpu.memory_space<hbm>>
        tpu.enqueue_indirect_dma source(%dma_start3A_239 : memref<10000x128xf32, #tpu.memory_space<hbm>>) target(%arg11 : memref<50x128xf32, #tpu.memory_space<vmem>>) offsets(%dma_start3A_236 : memref<50xi32, #tpu.memory_space<vmem>>) semaphore(%arg20 : memref<!tpu.dma_semaphore, #tpu.memory_space<semaphore_mem>>)
      } else {
      }
    }
    %scan3A_58 = arith.constant 50 : i32
    %dma_wait3A_59 = arith.constant 1 : i32
    %dma_wait3A_60 = arith.constant 0 : i32
    %dma_wait3A_61 = tpu.memref_slice %arg8[%dma_wait3A_59, %dma_wait3A_60] : memref<2x50xi32, #tpu.memory_space<vmem>> -> memref<1x50xi32, #tpu.memory_space<vmem>>
    %dma_wait3A_62 = tpu.memref_squeeze %dma_wait3A_61 : memref<1x50xi32, #tpu.memory_space<vmem>> -> memref<50xi32, #tpu.memory_space<vmem>>
    %dma_wait3A_63 = arith.constant 0 : i32
    %dma_wait3A_64 = arith.constant 0 : i32
    %dma_wait3A_65 = tpu.memref_slice %arg14[%dma_wait3A_63, %dma_wait3A_64] : memref<10240x128xf32, #tpu.memory_space<vmem_shared>> -> memref<10240x128xf32, #tpu.memory_space<vmem_shared>>
    tpu.wait_indirect_dma semaphore(%arg25 : memref<!tpu.dma_semaphore, #tpu.memory_space<semaphore_mem>>) src(%arg12 : memref<50x128xf32, #tpu.memory_space<vmem>>) dst(%dma_wait3A_65 : memref<10240x128xf32, #tpu.memory_space<vmem_shared>>)
    %dma_wait3A_66 = arith.constant 1 : i32
    %dma_wait3A_67 = arith.constant 0 : i32
    %dma_wait3A_68 = tpu.memref_slice %arg9[%dma_wait3A_66, %dma_wait3A_67] : memref<2x50xi32, #tpu.memory_space<vmem>> -> memref<1x50xi32, #tpu.memory_space<vmem>>
    %dma_wait3A_69 = tpu.memref_squeeze %dma_wait3A_68 : memref<1x50xi32, #tpu.memory_space<vmem>> -> memref<50xi32, #tpu.memory_space<vmem>>
    %dma_wait3A_70 = arith.constant 0 : i32
    %dma_wait3A_71 = arith.constant 0 : i32
    %dma_wait3A_72 = tpu.memref_slice %arg14[%dma_wait3A_70, %dma_wait3A_71] : memref<10240x128xf32, #tpu.memory_space<vmem_shared>> -> memref<10240x128xf32, #tpu.memory_space<vmem_shared>>
    tpu.wait_indirect_dma semaphore(%arg26 : memref<!tpu.dma_semaphore, #tpu.memory_space<semaphore_mem>>) src(%arg13 : memref<50x128xf32, #tpu.memory_space<vmem>>) dst(%dma_wait3A_72 : memref<10240x128xf32, #tpu.memory_space<vmem_shared>>)
    %barrier3A_73 = arith.constant 0 : index
    tpu.barrier barrier_id(%barrier3A_73)
    %mul3A_74 = arith.constant 640 : i32
    %mul3A_75 = arith.muli %arg1, %mul3A_74 : i32
    %mul3A_76 = arith.constant 640 : i32
    %mul3A_77 = arith.muli %arg1, %mul3A_76 : i32
    "tpu.region"() ({
      %run_scoped3A = tpu.sem_alloc : memref<!tpu.dma_semaphore, #tpu.memory_space<semaphore_mem>>
      %dma_start3A_78 = arith.constant 0 : i32
      %dma_start3A_79 = tpu.memref_slice %arg5[%arg0, %mul3A_77, %dma_start3A_78] : memref<2x10240x128xf32, #tpu.memory_space<hbm>> -> memref<1x640x128xf32, #tpu.memory_space<hbm>>
      %dma_start3A_80 = tpu.memref_squeeze %dma_start3A_79 : memref<1x640x128xf32, #tpu.memory_space<hbm>> -> memref<640x128xf32, #tpu.memory_space<hbm>>
      %dma_start3A_81 = arith.constant 0 : i32
      %dma_start3A_82 = tpu.memref_slice %arg14[%mul3A_75, %dma_start3A_81] : memref<10240x128xf32, #tpu.memory_space<vmem_shared>> -> memref<640x128xf32, #tpu.memory_space<vmem_shared>>
      tpu.enqueue_dma source(%dma_start3A_82 : memref<640x128xf32, #tpu.memory_space<vmem_shared>>) target(%dma_start3A_80 : memref<640x128xf32, #tpu.memory_space<hbm>>) target_semaphore(%run_scoped3A : memref<!tpu.dma_semaphore, #tpu.memory_space<semaphore_mem>>)
      %dma_wait3A_83 = arith.constant 0 : i32
      %dma_wait3A_84 = tpu.memref_slice %arg5[%arg0, %mul3A_77, %dma_wait3A_83] : memref<2x10240x128xf32, #tpu.memory_space<hbm>> -> memref<1x640x128xf32, #tpu.memory_space<hbm>>
      %dma_wait3A_85 = tpu.memref_squeeze %dma_wait3A_84 : memref<1x640x128xf32, #tpu.memory_space<hbm>> -> memref<640x128xf32, #tpu.memory_space<hbm>>
      %dma_wait3A_86 = arith.constant 0 : i32
      %dma_wait3A_87 = tpu.memref_slice %arg14[%mul3A_75, %dma_wait3A_86] : memref<10240x128xf32, #tpu.memory_space<vmem_shared>> -> memref<640x128xf32, #tpu.memory_space<vmem_shared>>
      tpu.wait_dma2 semaphore(%run_scoped3A : memref<!tpu.dma_semaphore, #tpu.memory_space<semaphore_mem>>) src(%dma_wait3A_87 : memref<640x128xf32, #tpu.memory_space<vmem_shared>>) dst(%dma_wait3A_85 : memref<640x128xf32, #tpu.memory_space<hbm>>)
      tpu.yield
    }) : () -> ()
    return
  }
}

#map = affine_map<(d0, d1) -> (0, 0)>
#map1 = affine_map<(d0, d1) -> (0, 0, 0)>
module attributes {stable_mosaic.version = 14 : i64} {
  func.func @_agg_body(%arg0: i32, %arg1: i32, %arg2: memref<10000x128xf32, #tpu.memory_space<hbm>>, %arg3: memref<6400x2x50xi32, #tpu.memory_space<hbm>>, %arg4: memref<10240x128xf32, #tpu.memory_space<hbm>>, %arg5: memref<2x10240x128xf32, #tpu.memory_space<hbm>>, %arg6: memref<2x50xi32, #tpu.memory_space<vmem>>, %arg7: memref<2x50xi32, #tpu.memory_space<vmem>>, %arg8: memref<2x50xi32, #tpu.memory_space<vmem>>, %arg9: memref<2x50xi32, #tpu.memory_space<vmem>>, %arg10: memref<50x128xf32, #tpu.memory_space<vmem>>, %arg11: memref<50x128xf32, #tpu.memory_space<vmem>>, %arg12: memref<50x128xf32, #tpu.memory_space<vmem>>, %arg13: memref<50x128xf32, #tpu.memory_space<vmem>>, %arg14: memref<10240x128xf32, #tpu.memory_space<vmem_shared>>, %arg15: memref<!tpu.dma_semaphore, #tpu.memory_space<semaphore_mem>>, %arg16: memref<!tpu.dma_semaphore, #tpu.memory_space<semaphore_mem>>, %arg17: memref<!tpu.dma_semaphore, #tpu.memory_space<semaphore_mem>>, %arg18: memref<!tpu.dma_semaphore, #tpu.memory_space<semaphore_mem>>, %arg19: memref<!tpu.dma_semaphore, #tpu.memory_space<semaphore_mem>>, %arg20: memref<!tpu.dma_semaphore, #tpu.memory_space<semaphore_mem>>, %arg21: memref<!tpu.dma_semaphore, #tpu.memory_space<semaphore_mem>>, %arg22: memref<!tpu.dma_semaphore, #tpu.memory_space<semaphore_mem>>, %arg23: memref<!tpu.dma_semaphore, #tpu.memory_space<semaphore_mem>>, %arg24: memref<!tpu.dma_semaphore, #tpu.memory_space<semaphore_mem>>, %arg25: memref<!tpu.dma_semaphore, #tpu.memory_space<semaphore_mem>>, %arg26: memref<!tpu.dma_semaphore, #tpu.memory_space<semaphore_mem>>) attributes {dimension_semantics = [#tpu.dimension_semantics<core_parallel>, #tpu.dimension_semantics<subcore_parallel>], iteration_bounds = array<i64: 2, 16>, scalar_prefetch = 0 : i64, scratch_operands = 21 : i64, tpu.core_type = #tpu.core_type<sc_vector_subcore>, window_params = [{transform_indices = #map}, {transform_indices = #map1}, {transform_indices = #map}, {transform_indices = #map1}]} {
    %mul3A = arith.constant 16 : i32
    %mul3A_0 = arith.muli %arg0, %mul3A : i32
    %add3A = arith.addi %mul3A_0, %arg1 : i32
    %mul3A_1 = arith.constant 200 : i32
    %mul3A_2 = arith.muli %add3A, %mul3A_1 : i32
    %add3A_3 = arith.constant 0 : i32
    %add3A_4 = arith.addi %mul3A_2, %add3A_3 : i32
    %dma_start3A = arith.constant 0 : i32
    %dma_start3A_5 = arith.constant 0 : i32
    %dma_start3A_6 = tpu.memref_slice %arg3[%add3A_4, %dma_start3A, %dma_start3A_5] : memref<6400x2x50xi32, #tpu.memory_space<hbm>> -> memref<1x2x50xi32, #tpu.memory_space<hbm>>
    %dma_start3A_7 = tpu.memref_squeeze %dma_start3A_6 : memref<1x2x50xi32, #tpu.memory_space<hbm>> -> memref<2x50xi32, #tpu.memory_space<hbm>>
    %dma_start3A_8 = arith.constant 0 : i32
    %dma_start3A_9 = arith.constant 0 : i32
    %dma_start3A_10 = tpu.memref_slice %arg3[%add3A_4, %dma_start3A_8, %dma_start3A_9] : memref<6400x2x50xi32, #tpu.memory_space<hbm>> -> memref<1x2x50xi32, #tpu.memory_space<hbm>>
    %dma_start3A_11 = tpu.memref_squeeze %dma_start3A_10 : memref<1x2x50xi32, #tpu.memory_space<hbm>> -> memref<2x50xi32, #tpu.memory_space<hbm>>
    tpu.enqueue_dma source(%dma_start3A_11 : memref<2x50xi32, #tpu.memory_space<hbm>>) target(%arg6 : memref<2x50xi32, #tpu.memory_space<vmem>>) target_semaphore(%arg15 : memref<!tpu.dma_semaphore, #tpu.memory_space<semaphore_mem>>)
    %add3A_12 = arith.constant 1 : i32
    %add3A_13 = arith.addi %mul3A_2, %add3A_12 : i32
    %dma_start3A_14 = arith.constant 0 : i32
    %dma_start3A_15 = arith.constant 0 : i32
    %dma_start3A_16 = tpu.memref_slice %arg3[%add3A_13, %dma_start3A_14, %dma_start3A_15] : memref<6400x2x50xi32, #tpu.memory_space<hbm>> -> memref<1x2x50xi32, #tpu.memory_space<hbm>>
    %dma_start3A_17 = tpu.memref_squeeze %dma_start3A_16 : memref<1x2x50xi32, #tpu.memory_space<hbm>> -> memref<2x50xi32, #tpu.memory_space<hbm>>
    %dma_start3A_18 = arith.constant 0 : i32
    %dma_start3A_19 = arith.constant 0 : i32
    %dma_start3A_20 = tpu.memref_slice %arg3[%add3A_13, %dma_start3A_18, %dma_start3A_19] : memref<6400x2x50xi32, #tpu.memory_space<hbm>> -> memref<1x2x50xi32, #tpu.memory_space<hbm>>
    %dma_start3A_21 = tpu.memref_squeeze %dma_start3A_20 : memref<1x2x50xi32, #tpu.memory_space<hbm>> -> memref<2x50xi32, #tpu.memory_space<hbm>>
    tpu.enqueue_dma source(%dma_start3A_21 : memref<2x50xi32, #tpu.memory_space<hbm>>) target(%arg7 : memref<2x50xi32, #tpu.memory_space<vmem>>) target_semaphore(%arg16 : memref<!tpu.dma_semaphore, #tpu.memory_space<semaphore_mem>>)
    %dma_wait3A = arith.constant 0 : i32
    %dma_wait3A_22 = arith.constant 0 : i32
    %dma_wait3A_23 = tpu.memref_slice %arg3[%mul3A_2, %dma_wait3A, %dma_wait3A_22] : memref<6400x2x50xi32, #tpu.memory_space<hbm>> -> memref<1x2x50xi32, #tpu.memory_space<hbm>>
    %dma_wait3A_24 = tpu.memref_squeeze %dma_wait3A_23 : memref<1x2x50xi32, #tpu.memory_space<hbm>> -> memref<2x50xi32, #tpu.memory_space<hbm>>
    %dma_wait3A_25 = arith.constant 0 : i32
    %dma_wait3A_26 = arith.constant 0 : i32
    %dma_wait3A_27 = tpu.memref_slice %arg3[%mul3A_2, %dma_wait3A_25, %dma_wait3A_26] : memref<6400x2x50xi32, #tpu.memory_space<hbm>> -> memref<1x2x50xi32, #tpu.memory_space<hbm>>
    %dma_wait3A_28 = tpu.memref_squeeze %dma_wait3A_27 : memref<1x2x50xi32, #tpu.memory_space<hbm>> -> memref<2x50xi32, #tpu.memory_space<hbm>>
    tpu.wait_dma2 semaphore(%arg15 : memref<!tpu.dma_semaphore, #tpu.memory_space<semaphore_mem>>) src(%dma_wait3A_28 : memref<2x50xi32, #tpu.memory_space<hbm>>) dst(%arg6 : memref<2x50xi32, #tpu.memory_space<vmem>>)
    %dma_start3A_29 = arith.constant 0 : i32
    %dma_start3A_30 = arith.constant 0 : i32
    %dma_start3A_31 = tpu.memref_slice %arg6[%dma_start3A_29, %dma_start3A_30] : memref<2x50xi32, #tpu.memory_space<vmem>> -> memref<1x50xi32, #tpu.memory_space<vmem>>
    %dma_start3A_32 = tpu.memref_squeeze %dma_start3A_31 : memref<1x50xi32, #tpu.memory_space<vmem>> -> memref<50xi32, #tpu.memory_space<vmem>>
    %dma_start3A_33 = arith.constant 0 : i32
    %dma_start3A_34 = arith.constant 0 : i32
    %dma_start3A_35 = tpu.memref_slice %arg2[%dma_start3A_33, %dma_start3A_34] : memref<10000x128xf32, #tpu.memory_space<hbm>> -> memref<10000x128xf32, #tpu.memory_space<hbm>>
    tpu.enqueue_indirect_dma source(%dma_start3A_35 : memref<10000x128xf32, #tpu.memory_space<hbm>>) target(%arg10 : memref<50x128xf32, #tpu.memory_space<vmem>>) offsets(%dma_start3A_32 : memref<50xi32, #tpu.memory_space<vmem>>) semaphore(%arg19 : memref<!tpu.dma_semaphore, #tpu.memory_space<semaphore_mem>>)
    %dma_wait3A_36 = arith.constant 0 : i32
    %dma_wait3A_37 = arith.constant 0 : i32
    %dma_wait3A_38 = tpu.memref_slice %arg3[%mul3A_2, %dma_wait3A_36, %dma_wait3A_37] : memref<6400x2x50xi32, #tpu.memory_space<hbm>> -> memref<1x2x50xi32, #tpu.memory_space<hbm>>
    %dma_wait3A_39 = tpu.memref_squeeze %dma_wait3A_38 : memref<1x2x50xi32, #tpu.memory_space<hbm>> -> memref<2x50xi32, #tpu.memory_space<hbm>>
    %dma_wait3A_40 = arith.constant 0 : i32
    %dma_wait3A_41 = arith.constant 0 : i32
    %dma_wait3A_42 = tpu.memref_slice %arg3[%mul3A_2, %dma_wait3A_40, %dma_wait3A_41] : memref<6400x2x50xi32, #tpu.memory_space<hbm>> -> memref<1x2x50xi32, #tpu.memory_space<hbm>>
    %dma_wait3A_43 = tpu.memref_squeeze %dma_wait3A_42 : memref<1x2x50xi32, #tpu.memory_space<hbm>> -> memref<2x50xi32, #tpu.memory_space<hbm>>
    tpu.wait_dma2 semaphore(%arg16 : memref<!tpu.dma_semaphore, #tpu.memory_space<semaphore_mem>>) src(%dma_wait3A_43 : memref<2x50xi32, #tpu.memory_space<hbm>>) dst(%arg7 : memref<2x50xi32, #tpu.memory_space<vmem>>)
    %dma_start3A_44 = arith.constant 0 : i32
    %dma_start3A_45 = arith.constant 0 : i32
    %dma_start3A_46 = tpu.memref_slice %arg7[%dma_start3A_44, %dma_start3A_45] : memref<2x50xi32, #tpu.memory_space<vmem>> -> memref<1x50xi32, #tpu.memory_space<vmem>>
    %dma_start3A_47 = tpu.memref_squeeze %dma_start3A_46 : memref<1x50xi32, #tpu.memory_space<vmem>> -> memref<50xi32, #tpu.memory_space<vmem>>
    %dma_start3A_48 = arith.constant 0 : i32
    %dma_start3A_49 = arith.constant 0 : i32
    %dma_start3A_50 = tpu.memref_slice %arg2[%dma_start3A_48, %dma_start3A_49] : memref<10000x128xf32, #tpu.memory_space<hbm>> -> memref<10000x128xf32, #tpu.memory_space<hbm>>
    tpu.enqueue_indirect_dma source(%dma_start3A_50 : memref<10000x128xf32, #tpu.memory_space<hbm>>) target(%arg11 : memref<50x128xf32, #tpu.memory_space<vmem>>) offsets(%dma_start3A_47 : memref<50xi32, #tpu.memory_space<vmem>>) semaphore(%arg20 : memref<!tpu.dma_semaphore, #tpu.memory_space<semaphore_mem>>)
    %mul3A_51 = arith.constant 640 : i32
    %mul3A_52 = arith.muli %arg1, %mul3A_51 : i32
    %mul3A_53 = arith.constant 640 : i32
    %mul3A_54 = arith.muli %arg1, %mul3A_53 : i32
    "tpu.region"() ({
      %run_scoped3A = tpu.sem_alloc : memref<!tpu.dma_semaphore, #tpu.memory_space<semaphore_mem>>
      %dma_start3A_78 = arith.constant 0 : i32
      %dma_start3A_79 = tpu.memref_slice %arg14[%mul3A_54, %dma_start3A_78] : memref<10240x128xf32, #tpu.memory_space<vmem_shared>> -> memref<640x128xf32, #tpu.memory_space<vmem_shared>>
      %dma_start3A_80 = arith.constant 0 : i32
      %dma_start3A_81 = tpu.memref_slice %arg4[%mul3A_52, %dma_start3A_80] : memref<10240x128xf32, #tpu.memory_space<hbm>> -> memref<640x128xf32, #tpu.memory_space<hbm>>
      tpu.enqueue_dma source(%dma_start3A_81 : memref<640x128xf32, #tpu.memory_space<hbm>>) target(%dma_start3A_79 : memref<640x128xf32, #tpu.memory_space<vmem_shared>>) target_semaphore(%run_scoped3A : memref<!tpu.dma_semaphore, #tpu.memory_space<semaphore_mem>>)
      %dma_wait3A_82 = arith.constant 0 : i32
      %dma_wait3A_83 = tpu.memref_slice %arg14[%mul3A_54, %dma_wait3A_82] : memref<10240x128xf32, #tpu.memory_space<vmem_shared>> -> memref<640x128xf32, #tpu.memory_space<vmem_shared>>
      %dma_wait3A_84 = arith.constant 0 : i32
      %dma_wait3A_85 = tpu.memref_slice %arg4[%mul3A_52, %dma_wait3A_84] : memref<10240x128xf32, #tpu.memory_space<hbm>> -> memref<640x128xf32, #tpu.memory_space<hbm>>
      tpu.wait_dma2 semaphore(%run_scoped3A : memref<!tpu.dma_semaphore, #tpu.memory_space<semaphore_mem>>) src(%dma_wait3A_85 : memref<640x128xf32, #tpu.memory_space<hbm>>) dst(%dma_wait3A_83 : memref<640x128xf32, #tpu.memory_space<vmem_shared>>)
      tpu.yield
    }) : () -> ()
    %barrier3A = arith.constant 0 : index
    tpu.barrier barrier_id(%barrier3A)
    %scan3A = arith.constant 0 : i32
    %scan3A_55 = arith.constant 50 : i32
    %scan3A_56 = arith.addi %scan3A, %scan3A_55 : i32
    %scan3A_57 = arith.constant 1 : i32
    scf.for %scan3A_78 = %scan3A to %scan3A_56 step %scan3A_57  : i32 {
      %mul3A_79 = arith.constant 4 : i32
      %mul3A_80 = arith.muli %scan3A_78, %mul3A_79 : i32
      %add3A_81 = arith.constant 0 : i32
      %add3A_82 = arith.addi %add3A_81, %mul3A_80 : i32
      %add3A_83 = arith.constant 0 : i32
      %add3A_84 = arith.addi %add3A_82, %add3A_83 : i32
      %ge3A = arith.constant 2 : i32
      %ge3A_85 = arith.cmpi sge, %add3A_84, %ge3A : i32
      %convert_element_type3A = arith.extui %ge3A_85 : i1 to i32
      %cond3A = arith.constant 0 : i32
      %cond3A_86 = arith.cmpi ne, %convert_element_type3A, %cond3A : i32
      scf.if %cond3A_86 {
        %dma_wait3A_223 = arith.constant 1 : i32
        %dma_wait3A_224 = arith.constant 0 : i32
        %dma_wait3A_225 = tpu.memref_slice %arg8[%dma_wait3A_223, %dma_wait3A_224] : memref<2x50xi32, #tpu.memory_space<vmem>> -> memref<1x50xi32, #tpu.memory_space<vmem>>
        %dma_wait3A_226 = tpu.memref_squeeze %dma_wait3A_225 : memref<1x50xi32, #tpu.memory_space<vmem>> -> memref<50xi32, #tpu.memory_space<vmem>>
        %dma_wait3A_227 = arith.constant 0 : i32
        %dma_wait3A_228 = arith.constant 0 : i32
        %dma_wait3A_229 = tpu.memref_slice %arg14[%dma_wait3A_227, %dma_wait3A_228] : memref<10240x128xf32, #tpu.memory_space<vmem_shared>> -> memref<10240x128xf32, #tpu.memory_space<vmem_shared>>
        tpu.wait_indirect_dma semaphore(%arg25 : memref<!tpu.dma_semaphore, #tpu.memory_space<semaphore_mem>>) src(%arg12 : memref<50x128xf32, #tpu.memory_space<vmem>>) dst(%dma_wait3A_229 : memref<10240x128xf32, #tpu.memory_space<vmem_shared>>)
      } else {
      }
      %add3A_87 = arith.constant 2 : i32
      %add3A_88 = arith.addi %add3A_84, %add3A_87 : i32
      %lt3A = arith.constant 200 : i32
      %lt3A_89 = arith.cmpi slt, %add3A_88, %lt3A : i32
      %convert_element_type3A_90 = arith.extui %lt3A_89 : i1 to i32
      %cond3A_91 = arith.constant 0 : i32
      %cond3A_92 = arith.cmpi ne, %convert_element_type3A_90, %cond3A_91 : i32
      scf.if %cond3A_92 {
        %add3A_223 = arith.constant 2 : i32
        %add3A_224 = arith.addi %add3A_84, %add3A_223 : i32
        %add3A_225 = arith.addi %mul3A_2, %add3A_224 : i32
        %dma_start3A_226 = arith.constant 0 : i32
        %dma_start3A_227 = arith.constant 0 : i32
        %dma_start3A_228 = tpu.memref_slice %arg3[%add3A_225, %dma_start3A_226, %dma_start3A_227] : memref<6400x2x50xi32, #tpu.memory_space<hbm>> -> memref<1x2x50xi32, #tpu.memory_space<hbm>>
        %dma_start3A_229 = tpu.memref_squeeze %dma_start3A_228 : memref<1x2x50xi32, #tpu.memory_space<hbm>> -> memref<2x50xi32, #tpu.memory_space<hbm>>
        %dma_start3A_230 = arith.constant 0 : i32
        %dma_start3A_231 = arith.constant 0 : i32
        %dma_start3A_232 = tpu.memref_slice %arg3[%add3A_225, %dma_start3A_230, %dma_start3A_231] : memref<6400x2x50xi32, #tpu.memory_space<hbm>> -> memref<1x2x50xi32, #tpu.memory_space<hbm>>
        %dma_start3A_233 = tpu.memref_squeeze %dma_start3A_232 : memref<1x2x50xi32, #tpu.memory_space<hbm>> -> memref<2x50xi32, #tpu.memory_space<hbm>>
        tpu.enqueue_dma source(%dma_start3A_233 : memref<2x50xi32, #tpu.memory_space<hbm>>) target(%arg8 : memref<2x50xi32, #tpu.memory_space<vmem>>) target_semaphore(%arg17 : memref<!tpu.dma_semaphore, #tpu.memory_space<semaphore_mem>>)
      } else {
      }
      %dma_wait3A_93 = arith.constant 0 : i32
      %dma_wait3A_94 = arith.constant 0 : i32
      %dma_wait3A_95 = tpu.memref_slice %arg6[%dma_wait3A_93, %dma_wait3A_94] : memref<2x50xi32, #tpu.memory_space<vmem>> -> memref<1x50xi32, #tpu.memory_space<vmem>>
      %dma_wait3A_96 = tpu.memref_squeeze %dma_wait3A_95 : memref<1x50xi32, #tpu.memory_space<vmem>> -> memref<50xi32, #tpu.memory_space<vmem>>
      %dma_wait3A_97 = arith.constant 0 : i32
      %dma_wait3A_98 = arith.constant 0 : i32
      %dma_wait3A_99 = tpu.memref_slice %arg2[%dma_wait3A_97, %dma_wait3A_98] : memref<10000x128xf32, #tpu.memory_space<hbm>> -> memref<10000x128xf32, #tpu.memory_space<hbm>>
      tpu.wait_indirect_dma semaphore(%arg19 : memref<!tpu.dma_semaphore, #tpu.memory_space<semaphore_mem>>) src(%dma_wait3A_99 : memref<10000x128xf32, #tpu.memory_space<hbm>>) dst(%arg10 : memref<50x128xf32, #tpu.memory_space<vmem>>)
      %dma_start3A_100 = arith.constant 1 : i32
      %dma_start3A_101 = arith.constant 0 : i32
      %dma_start3A_102 = tpu.memref_slice %arg6[%dma_start3A_100, %dma_start3A_101] : memref<2x50xi32, #tpu.memory_space<vmem>> -> memref<1x50xi32, #tpu.memory_space<vmem>>
      %dma_start3A_103 = tpu.memref_squeeze %dma_start3A_102 : memref<1x50xi32, #tpu.memory_space<vmem>> -> memref<50xi32, #tpu.memory_space<vmem>>
      %dma_start3A_104 = arith.constant 0 : i32
      %dma_start3A_105 = arith.constant 0 : i32
      %dma_start3A_106 = tpu.memref_slice %arg14[%dma_start3A_104, %dma_start3A_105] : memref<10240x128xf32, #tpu.memory_space<vmem_shared>> -> memref<10240x128xf32, #tpu.memory_space<vmem_shared>>
      tpu.enqueue_indirect_dma source(%arg10 : memref<50x128xf32, #tpu.memory_space<vmem>>) target(%dma_start3A_106 : memref<10240x128xf32, #tpu.memory_space<vmem_shared>>) offsets(%dma_start3A_103 : memref<50xi32, #tpu.memory_space<vmem>>) semaphore(%arg23 : memref<!tpu.dma_semaphore, #tpu.memory_space<semaphore_mem>>) {add = true}
      %add3A_107 = arith.constant 2 : i32
      %add3A_108 = arith.addi %add3A_84, %add3A_107 : i32
      %lt3A_109 = arith.constant 200 : i32
      %lt3A_110 = arith.cmpi slt, %add3A_108, %lt3A_109 : i32
      %convert_element_type3A_111 = arith.extui %lt3A_110 : i1 to i32
      %cond3A_112 = arith.constant 0 : i32
      %cond3A_113 = arith.cmpi ne, %convert_element_type3A_111, %cond3A_112 : i32
      scf.if %cond3A_113 {
        %dma_wait3A_223 = arith.constant 0 : i32
        %dma_wait3A_224 = arith.constant 0 : i32
        %dma_wait3A_225 = tpu.memref_slice %arg3[%mul3A_2, %dma_wait3A_223, %dma_wait3A_224] : memref<6400x2x50xi32, #tpu.memory_space<hbm>> -> memref<1x2x50xi32, #tpu.memory_space<hbm>>
        %dma_wait3A_226 = tpu.memref_squeeze %dma_wait3A_225 : memref<1x2x50xi32, #tpu.memory_space<hbm>> -> memref<2x50xi32, #tpu.memory_space<hbm>>
        %dma_wait3A_227 = arith.constant 0 : i32
        %dma_wait3A_228 = arith.constant 0 : i32
        %dma_wait3A_229 = tpu.memref_slice %arg3[%mul3A_2, %dma_wait3A_227, %dma_wait3A_228] : memref<6400x2x50xi32, #tpu.memory_space<hbm>> -> memref<1x2x50xi32, #tpu.memory_space<hbm>>
        %dma_wait3A_230 = tpu.memref_squeeze %dma_wait3A_229 : memref<1x2x50xi32, #tpu.memory_space<hbm>> -> memref<2x50xi32, #tpu.memory_space<hbm>>
        tpu.wait_dma2 semaphore(%arg17 : memref<!tpu.dma_semaphore, #tpu.memory_space<semaphore_mem>>) src(%dma_wait3A_230 : memref<2x50xi32, #tpu.memory_space<hbm>>) dst(%arg8 : memref<2x50xi32, #tpu.memory_space<vmem>>)
        %add3A_231 = arith.constant 2 : i32
        %add3A_232 = arith.addi %add3A_84, %add3A_231 : i32
        %dma_start3A_233 = arith.constant 0 : i32
        %dma_start3A_234 = arith.constant 0 : i32
        %dma_start3A_235 = tpu.memref_slice %arg8[%dma_start3A_233, %dma_start3A_234] : memref<2x50xi32, #tpu.memory_space<vmem>> -> memref<1x50xi32, #tpu.memory_space<vmem>>
        %dma_start3A_236 = tpu.memref_squeeze %dma_start3A_235 : memref<1x50xi32, #tpu.memory_space<vmem>> -> memref<50xi32, #tpu.memory_space<vmem>>
        %dma_start3A_237 = arith.constant 0 : i32
        %dma_start3A_238 = arith.constant 0 : i32
        %dma_start3A_239 = tpu.memref_slice %arg2[%dma_start3A_237, %dma_start3A_238] : memref<10000x128xf32, #tpu.memory_space<hbm>> -> memref<10000x128xf32, #tpu.memory_space<hbm>>
        tpu.enqueue_indirect_dma source(%dma_start3A_239 : memref<10000x128xf32, #tpu.memory_space<hbm>>) target(%arg12 : memref<50x128xf32, #tpu.memory_space<vmem>>) offsets(%dma_start3A_236 : memref<50xi32, #tpu.memory_space<vmem>>) semaphore(%arg21 : memref<!tpu.dma_semaphore, #tpu.memory_space<semaphore_mem>>)
      } else {
      }
      %add3A_114 = arith.constant 1 : i32
      %add3A_115 = arith.addi %add3A_82, %add3A_114 : i32
      %ge3A_116 = arith.constant 2 : i32
      %ge3A_117 = arith.cmpi sge, %add3A_115, %ge3A_116 : i32
      %convert_element_type3A_118 = arith.extui %ge3A_117 : i1 to i32
      %cond3A_119 = arith.constant 0 : i32
      %cond3A_120 = arith.cmpi ne, %convert_element_type3A_118, %cond3A_119 : i32
      scf.if %cond3A_120 {
        %dma_wait3A_223 = arith.constant 1 : i32
        %dma_wait3A_224 = arith.constant 0 : i32
        %dma_wait3A_225 = tpu.memref_slice %arg9[%dma_wait3A_223, %dma_wait3A_224] : memref<2x50xi32, #tpu.memory_space<vmem>> -> memref<1x50xi32, #tpu.memory_space<vmem>>
        %dma_wait3A_226 = tpu.memref_squeeze %dma_wait3A_225 : memref<1x50xi32, #tpu.memory_space<vmem>> -> memref<50xi32, #tpu.memory_space<vmem>>
        %dma_wait3A_227 = arith.constant 0 : i32
        %dma_wait3A_228 = arith.constant 0 : i32
        %dma_wait3A_229 = tpu.memref_slice %arg14[%dma_wait3A_227, %dma_wait3A_228] : memref<10240x128xf32, #tpu.memory_space<vmem_shared>> -> memref<10240x128xf32, #tpu.memory_space<vmem_shared>>
        tpu.wait_indirect_dma semaphore(%arg26 : memref<!tpu.dma_semaphore, #tpu.memory_space<semaphore_mem>>) src(%arg13 : memref<50x128xf32, #tpu.memory_space<vmem>>) dst(%dma_wait3A_229 : memref<10240x128xf32, #tpu.memory_space<vmem_shared>>)
      } else {
      }
      %add3A_121 = arith.constant 2 : i32
      %add3A_122 = arith.addi %add3A_115, %add3A_121 : i32
      %lt3A_123 = arith.constant 200 : i32
      %lt3A_124 = arith.cmpi slt, %add3A_122, %lt3A_123 : i32
      %convert_element_type3A_125 = arith.extui %lt3A_124 : i1 to i32
      %cond3A_126 = arith.constant 0 : i32
      %cond3A_127 = arith.cmpi ne, %convert_element_type3A_125, %cond3A_126 : i32
      scf.if %cond3A_127 {
        %add3A_223 = arith.constant 2 : i32
        %add3A_224 = arith.addi %add3A_115, %add3A_223 : i32
        %add3A_225 = arith.addi %mul3A_2, %add3A_224 : i32
        %dma_start3A_226 = arith.constant 0 : i32
        %dma_start3A_227 = arith.constant 0 : i32
        %dma_start3A_228 = tpu.memref_slice %arg3[%add3A_225, %dma_start3A_226, %dma_start3A_227] : memref<6400x2x50xi32, #tpu.memory_space<hbm>> -> memref<1x2x50xi32, #tpu.memory_space<hbm>>
        %dma_start3A_229 = tpu.memref_squeeze %dma_start3A_228 : memref<1x2x50xi32, #tpu.memory_space<hbm>> -> memref<2x50xi32, #tpu.memory_space<hbm>>
        %dma_start3A_230 = arith.constant 0 : i32
        %dma_start3A_231 = arith.constant 0 : i32
        %dma_start3A_232 = tpu.memref_slice %arg3[%add3A_225, %dma_start3A_230, %dma_start3A_231] : memref<6400x2x50xi32, #tpu.memory_space<hbm>> -> memref<1x2x50xi32, #tpu.memory_space<hbm>>
        %dma_start3A_233 = tpu.memref_squeeze %dma_start3A_232 : memref<1x2x50xi32, #tpu.memory_space<hbm>> -> memref<2x50xi32, #tpu.memory_space<hbm>>
        tpu.enqueue_dma source(%dma_start3A_233 : memref<2x50xi32, #tpu.memory_space<hbm>>) target(%arg9 : memref<2x50xi32, #tpu.memory_space<vmem>>) target_semaphore(%arg18 : memref<!tpu.dma_semaphore, #tpu.memory_space<semaphore_mem>>)
      } else {
      }
      %dma_wait3A_128 = arith.constant 0 : i32
      %dma_wait3A_129 = arith.constant 0 : i32
      %dma_wait3A_130 = tpu.memref_slice %arg7[%dma_wait3A_128, %dma_wait3A_129] : memref<2x50xi32, #tpu.memory_space<vmem>> -> memref<1x50xi32, #tpu.memory_space<vmem>>
      %dma_wait3A_131 = tpu.memref_squeeze %dma_wait3A_130 : memref<1x50xi32, #tpu.memory_space<vmem>> -> memref<50xi32, #tpu.memory_space<vmem>>
      %dma_wait3A_132 = arith.constant 0 : i32
      %dma_wait3A_133 = arith.constant 0 : i32
      %dma_wait3A_134 = tpu.memref_slice %arg2[%dma_wait3A_132, %dma_wait3A_133] : memref<10000x128xf32, #tpu.memory_space<hbm>> -> memref<10000x128xf32, #tpu.memory_space<hbm>>
      tpu.wait_indirect_dma semaphore(%arg20 : memref<!tpu.dma_semaphore, #tpu.memory_space<semaphore_mem>>) src(%dma_wait3A_134 : memref<10000x128xf32, #tpu.memory_space<hbm>>) dst(%arg11 : memref<50x128xf32, #tpu.memory_space<vmem>>)
      %dma_start3A_135 = arith.constant 1 : i32
      %dma_start3A_136 = arith.constant 0 : i32
      %dma_start3A_137 = tpu.memref_slice %arg7[%dma_start3A_135, %dma_start3A_136] : memref<2x50xi32, #tpu.memory_space<vmem>> -> memref<1x50xi32, #tpu.memory_space<vmem>>
      %dma_start3A_138 = tpu.memref_squeeze %dma_start3A_137 : memref<1x50xi32, #tpu.memory_space<vmem>> -> memref<50xi32, #tpu.memory_space<vmem>>
      %dma_start3A_139 = arith.constant 0 : i32
      %dma_start3A_140 = arith.constant 0 : i32
      %dma_start3A_141 = tpu.memref_slice %arg14[%dma_start3A_139, %dma_start3A_140] : memref<10240x128xf32, #tpu.memory_space<vmem_shared>> -> memref<10240x128xf32, #tpu.memory_space<vmem_shared>>
      tpu.enqueue_indirect_dma source(%arg11 : memref<50x128xf32, #tpu.memory_space<vmem>>) target(%dma_start3A_141 : memref<10240x128xf32, #tpu.memory_space<vmem_shared>>) offsets(%dma_start3A_138 : memref<50xi32, #tpu.memory_space<vmem>>) semaphore(%arg24 : memref<!tpu.dma_semaphore, #tpu.memory_space<semaphore_mem>>) {add = true}
      %add3A_142 = arith.constant 2 : i32
      %add3A_143 = arith.addi %add3A_115, %add3A_142 : i32
      %lt3A_144 = arith.constant 200 : i32
      %lt3A_145 = arith.cmpi slt, %add3A_143, %lt3A_144 : i32
      %convert_element_type3A_146 = arith.extui %lt3A_145 : i1 to i32
      %cond3A_147 = arith.constant 0 : i32
      %cond3A_148 = arith.cmpi ne, %convert_element_type3A_146, %cond3A_147 : i32
      scf.if %cond3A_148 {
        %dma_wait3A_223 = arith.constant 0 : i32
        %dma_wait3A_224 = arith.constant 0 : i32
        %dma_wait3A_225 = tpu.memref_slice %arg3[%mul3A_2, %dma_wait3A_223, %dma_wait3A_224] : memref<6400x2x50xi32, #tpu.memory_space<hbm>> -> memref<1x2x50xi32, #tpu.memory_space<hbm>>
        %dma_wait3A_226 = tpu.memref_squeeze %dma_wait3A_225 : memref<1x2x50xi32, #tpu.memory_space<hbm>> -> memref<2x50xi32, #tpu.memory_space<hbm>>
        %dma_wait3A_227 = arith.constant 0 : i32
        %dma_wait3A_228 = arith.constant 0 : i32
        %dma_wait3A_229 = tpu.memref_slice %arg3[%mul3A_2, %dma_wait3A_227, %dma_wait3A_228] : memref<6400x2x50xi32, #tpu.memory_space<hbm>> -> memref<1x2x50xi32, #tpu.memory_space<hbm>>
        %dma_wait3A_230 = tpu.memref_squeeze %dma_wait3A_229 : memref<1x2x50xi32, #tpu.memory_space<hbm>> -> memref<2x50xi32, #tpu.memory_space<hbm>>
        tpu.wait_dma2 semaphore(%arg18 : memref<!tpu.dma_semaphore, #tpu.memory_space<semaphore_mem>>) src(%dma_wait3A_230 : memref<2x50xi32, #tpu.memory_space<hbm>>) dst(%arg9 : memref<2x50xi32, #tpu.memory_space<vmem>>)
        %add3A_231 = arith.constant 2 : i32
        %add3A_232 = arith.addi %add3A_115, %add3A_231 : i32
        %dma_start3A_233 = arith.constant 0 : i32
        %dma_start3A_234 = arith.constant 0 : i32
        %dma_start3A_235 = tpu.memref_slice %arg9[%dma_start3A_233, %dma_start3A_234] : memref<2x50xi32, #tpu.memory_space<vmem>> -> memref<1x50xi32, #tpu.memory_space<vmem>>
        %dma_start3A_236 = tpu.memref_squeeze %dma_start3A_235 : memref<1x50xi32, #tpu.memory_space<vmem>> -> memref<50xi32, #tpu.memory_space<vmem>>
        %dma_start3A_237 = arith.constant 0 : i32
        %dma_start3A_238 = arith.constant 0 : i32
        %dma_start3A_239 = tpu.memref_slice %arg2[%dma_start3A_237, %dma_start3A_238] : memref<10000x128xf32, #tpu.memory_space<hbm>> -> memref<10000x128xf32, #tpu.memory_space<hbm>>
        tpu.enqueue_indirect_dma source(%dma_start3A_239 : memref<10000x128xf32, #tpu.memory_space<hbm>>) target(%arg13 : memref<50x128xf32, #tpu.memory_space<vmem>>) offsets(%dma_start3A_236 : memref<50xi32, #tpu.memory_space<vmem>>) semaphore(%arg22 : memref<!tpu.dma_semaphore, #tpu.memory_space<semaphore_mem>>)
      } else {
      }
      %add3A_149 = arith.constant 2 : i32
      %add3A_150 = arith.addi %add3A_82, %add3A_149 : i32
      %dma_wait3A_151 = arith.constant 1 : i32
      %dma_wait3A_152 = arith.constant 0 : i32
      %dma_wait3A_153 = tpu.memref_slice %arg6[%dma_wait3A_151, %dma_wait3A_152] : memref<2x50xi32, #tpu.memory_space<vmem>> -> memref<1x50xi32, #tpu.memory_space<vmem>>
      %dma_wait3A_154 = tpu.memref_squeeze %dma_wait3A_153 : memref<1x50xi32, #tpu.memory_space<vmem>> -> memref<50xi32, #tpu.memory_space<vmem>>
      %dma_wait3A_155 = arith.constant 0 : i32
      %dma_wait3A_156 = arith.constant 0 : i32
      %dma_wait3A_157 = tpu.memref_slice %arg14[%dma_wait3A_155, %dma_wait3A_156] : memref<10240x128xf32, #tpu.memory_space<vmem_shared>> -> memref<10240x128xf32, #tpu.memory_space<vmem_shared>>
      tpu.wait_indirect_dma semaphore(%arg23 : memref<!tpu.dma_semaphore, #tpu.memory_space<semaphore_mem>>) src(%arg10 : memref<50x128xf32, #tpu.memory_space<vmem>>) dst(%dma_wait3A_157 : memref<10240x128xf32, #tpu.memory_space<vmem_shared>>)
      %add3A_158 = arith.constant 2 : i32
      %add3A_159 = arith.addi %add3A_150, %add3A_158 : i32
      %lt3A_160 = arith.constant 200 : i32
      %lt3A_161 = arith.cmpi slt, %add3A_159, %lt3A_160 : i32
      %convert_element_type3A_162 = arith.extui %lt3A_161 : i1 to i32
      %cond3A_163 = arith.constant 0 : i32
      %cond3A_164 = arith.cmpi ne, %convert_element_type3A_162, %cond3A_163 : i32
      scf.if %cond3A_164 {
        %add3A_223 = arith.constant 2 : i32
        %add3A_224 = arith.addi %add3A_150, %add3A_223 : i32
        %add3A_225 = arith.addi %mul3A_2, %add3A_224 : i32
        %dma_start3A_226 = arith.constant 0 : i32
        %dma_start3A_227 = arith.constant 0 : i32
        %dma_start3A_228 = tpu.memref_slice %arg3[%add3A_225, %dma_start3A_226, %dma_start3A_227] : memref<6400x2x50xi32, #tpu.memory_space<hbm>> -> memref<1x2x50xi32, #tpu.memory_space<hbm>>
        %dma_start3A_229 = tpu.memref_squeeze %dma_start3A_228 : memref<1x2x50xi32, #tpu.memory_space<hbm>> -> memref<2x50xi32, #tpu.memory_space<hbm>>
        %dma_start3A_230 = arith.constant 0 : i32
        %dma_start3A_231 = arith.constant 0 : i32
        %dma_start3A_232 = tpu.memref_slice %arg3[%add3A_225, %dma_start3A_230, %dma_start3A_231] : memref<6400x2x50xi32, #tpu.memory_space<hbm>> -> memref<1x2x50xi32, #tpu.memory_space<hbm>>
        %dma_start3A_233 = tpu.memref_squeeze %dma_start3A_232 : memref<1x2x50xi32, #tpu.memory_space<hbm>> -> memref<2x50xi32, #tpu.memory_space<hbm>>
        tpu.enqueue_dma source(%dma_start3A_233 : memref<2x50xi32, #tpu.memory_space<hbm>>) target(%arg6 : memref<2x50xi32, #tpu.memory_space<vmem>>) target_semaphore(%arg15 : memref<!tpu.dma_semaphore, #tpu.memory_space<semaphore_mem>>)
      } else {
      }
      %dma_wait3A_165 = arith.constant 0 : i32
      %dma_wait3A_166 = arith.constant 0 : i32
      %dma_wait3A_167 = tpu.memref_slice %arg8[%dma_wait3A_165, %dma_wait3A_166] : memref<2x50xi32, #tpu.memory_space<vmem>> -> memref<1x50xi32, #tpu.memory_space<vmem>>
      %dma_wait3A_168 = tpu.memref_squeeze %dma_wait3A_167 : memref<1x50xi32, #tpu.memory_space<vmem>> -> memref<50xi32, #tpu.memory_space<vmem>>
      %dma_wait3A_169 = arith.constant 0 : i32
      %dma_wait3A_170 = arith.constant 0 : i32
      %dma_wait3A_171 = tpu.memref_slice %arg2[%dma_wait3A_169, %dma_wait3A_170] : memref<10000x128xf32, #tpu.memory_space<hbm>> -> memref<10000x128xf32, #tpu.memory_space<hbm>>
      tpu.wait_indirect_dma semaphore(%arg21 : memref<!tpu.dma_semaphore, #tpu.memory_space<semaphore_mem>>) src(%dma_wait3A_171 : memref<10000x128xf32, #tpu.memory_space<hbm>>) dst(%arg12 : memref<50x128xf32, #tpu.memory_space<vmem>>)
      %dma_start3A_172 = arith.constant 1 : i32
      %dma_start3A_173 = arith.constant 0 : i32
      %dma_start3A_174 = tpu.memref_slice %arg8[%dma_start3A_172, %dma_start3A_173] : memref<2x50xi32, #tpu.memory_space<vmem>> -> memref<1x50xi32, #tpu.memory_space<vmem>>
      %dma_start3A_175 = tpu.memref_squeeze %dma_start3A_174 : memref<1x50xi32, #tpu.memory_space<vmem>> -> memref<50xi32, #tpu.memory_space<vmem>>
      %dma_start3A_176 = arith.constant 0 : i32
      %dma_start3A_177 = arith.constant 0 : i32
      %dma_start3A_178 = tpu.memref_slice %arg14[%dma_start3A_176, %dma_start3A_177] : memref<10240x128xf32, #tpu.memory_space<vmem_shared>> -> memref<10240x128xf32, #tpu.memory_space<vmem_shared>>
      tpu.enqueue_indirect_dma source(%arg12 : memref<50x128xf32, #tpu.memory_space<vmem>>) target(%dma_start3A_178 : memref<10240x128xf32, #tpu.memory_space<vmem_shared>>) offsets(%dma_start3A_175 : memref<50xi32, #tpu.memory_space<vmem>>) semaphore(%arg25 : memref<!tpu.dma_semaphore, #tpu.memory_space<semaphore_mem>>) {add = true}
      %add3A_179 = arith.constant 2 : i32
      %add3A_180 = arith.addi %add3A_150, %add3A_179 : i32
      %lt3A_181 = arith.constant 200 : i32
      %lt3A_182 = arith.cmpi slt, %add3A_180, %lt3A_181 : i32
      %convert_element_type3A_183 = arith.extui %lt3A_182 : i1 to i32
      %cond3A_184 = arith.constant 0 : i32
      %cond3A_185 = arith.cmpi ne, %convert_element_type3A_183, %cond3A_184 : i32
      scf.if %cond3A_185 {
        %dma_wait3A_223 = arith.constant 0 : i32
        %dma_wait3A_224 = arith.constant 0 : i32
        %dma_wait3A_225 = tpu.memref_slice %arg3[%mul3A_2, %dma_wait3A_223, %dma_wait3A_224] : memref<6400x2x50xi32, #tpu.memory_space<hbm>> -> memref<1x2x50xi32, #tpu.memory_space<hbm>>
        %dma_wait3A_226 = tpu.memref_squeeze %dma_wait3A_225 : memref<1x2x50xi32, #tpu.memory_space<hbm>> -> memref<2x50xi32, #tpu.memory_space<hbm>>
        %dma_wait3A_227 = arith.constant 0 : i32
        %dma_wait3A_228 = arith.constant 0 : i32
        %dma_wait3A_229 = tpu.memref_slice %arg3[%mul3A_2, %dma_wait3A_227, %dma_wait3A_228] : memref<6400x2x50xi32, #tpu.memory_space<hbm>> -> memref<1x2x50xi32, #tpu.memory_space<hbm>>
        %dma_wait3A_230 = tpu.memref_squeeze %dma_wait3A_229 : memref<1x2x50xi32, #tpu.memory_space<hbm>> -> memref<2x50xi32, #tpu.memory_space<hbm>>
        tpu.wait_dma2 semaphore(%arg15 : memref<!tpu.dma_semaphore, #tpu.memory_space<semaphore_mem>>) src(%dma_wait3A_230 : memref<2x50xi32, #tpu.memory_space<hbm>>) dst(%arg6 : memref<2x50xi32, #tpu.memory_space<vmem>>)
        %add3A_231 = arith.constant 2 : i32
        %add3A_232 = arith.addi %add3A_150, %add3A_231 : i32
        %dma_start3A_233 = arith.constant 0 : i32
        %dma_start3A_234 = arith.constant 0 : i32
        %dma_start3A_235 = tpu.memref_slice %arg6[%dma_start3A_233, %dma_start3A_234] : memref<2x50xi32, #tpu.memory_space<vmem>> -> memref<1x50xi32, #tpu.memory_space<vmem>>
        %dma_start3A_236 = tpu.memref_squeeze %dma_start3A_235 : memref<1x50xi32, #tpu.memory_space<vmem>> -> memref<50xi32, #tpu.memory_space<vmem>>
        %dma_start3A_237 = arith.constant 0 : i32
        %dma_start3A_238 = arith.constant 0 : i32
        %dma_start3A_239 = tpu.memref_slice %arg2[%dma_start3A_237, %dma_start3A_238] : memref<10000x128xf32, #tpu.memory_space<hbm>> -> memref<10000x128xf32, #tpu.memory_space<hbm>>
        tpu.enqueue_indirect_dma source(%dma_start3A_239 : memref<10000x128xf32, #tpu.memory_space<hbm>>) target(%arg10 : memref<50x128xf32, #tpu.memory_space<vmem>>) offsets(%dma_start3A_236 : memref<50xi32, #tpu.memory_space<vmem>>) semaphore(%arg19 : memref<!tpu.dma_semaphore, #tpu.memory_space<semaphore_mem>>)
      } else {
      }
      %add3A_186 = arith.constant 3 : i32
      %add3A_187 = arith.addi %add3A_82, %add3A_186 : i32
      %dma_wait3A_188 = arith.constant 1 : i32
      %dma_wait3A_189 = arith.constant 0 : i32
      %dma_wait3A_190 = tpu.memref_slice %arg7[%dma_wait3A_188, %dma_wait3A_189] : memref<2x50xi32, #tpu.memory_space<vmem>> -> memref<1x50xi32, #tpu.memory_space<vmem>>
      %dma_wait3A_191 = tpu.memref_squeeze %dma_wait3A_190 : memref<1x50xi32, #tpu.memory_space<vmem>> -> memref<50xi32, #tpu.memory_space<vmem>>
      %dma_wait3A_192 = arith.constant 0 : i32
      %dma_wait3A_193 = arith.constant 0 : i32
      %dma_wait3A_194 = tpu.memref_slice %arg14[%dma_wait3A_192, %dma_wait3A_193] : memref<10240x128xf32, #tpu.memory_space<vmem_shared>> -> memref<10240x128xf32, #tpu.memory_space<vmem_shared>>
      tpu.wait_indirect_dma semaphore(%arg24 : memref<!tpu.dma_semaphore, #tpu.memory_space<semaphore_mem>>) src(%arg11 : memref<50x128xf32, #tpu.memory_space<vmem>>) dst(%dma_wait3A_194 : memref<10240x128xf32, #tpu.memory_space<vmem_shared>>)
      %add3A_195 = arith.constant 2 : i32
      %add3A_196 = arith.addi %add3A_187, %add3A_195 : i32
      %lt3A_197 = arith.constant 200 : i32
      %lt3A_198 = arith.cmpi slt, %add3A_196, %lt3A_197 : i32
      %convert_element_type3A_199 = arith.extui %lt3A_198 : i1 to i32
      %cond3A_200 = arith.constant 0 : i32
      %cond3A_201 = arith.cmpi ne, %convert_element_type3A_199, %cond3A_200 : i32
      scf.if %cond3A_201 {
        %add3A_223 = arith.constant 2 : i32
        %add3A_224 = arith.addi %add3A_187, %add3A_223 : i32
        %add3A_225 = arith.addi %mul3A_2, %add3A_224 : i32
        %dma_start3A_226 = arith.constant 0 : i32
        %dma_start3A_227 = arith.constant 0 : i32
        %dma_start3A_228 = tpu.memref_slice %arg3[%add3A_225, %dma_start3A_226, %dma_start3A_227] : memref<6400x2x50xi32, #tpu.memory_space<hbm>> -> memref<1x2x50xi32, #tpu.memory_space<hbm>>
        %dma_start3A_229 = tpu.memref_squeeze %dma_start3A_228 : memref<1x2x50xi32, #tpu.memory_space<hbm>> -> memref<2x50xi32, #tpu.memory_space<hbm>>
        %dma_start3A_230 = arith.constant 0 : i32
        %dma_start3A_231 = arith.constant 0 : i32
        %dma_start3A_232 = tpu.memref_slice %arg3[%add3A_225, %dma_start3A_230, %dma_start3A_231] : memref<6400x2x50xi32, #tpu.memory_space<hbm>> -> memref<1x2x50xi32, #tpu.memory_space<hbm>>
        %dma_start3A_233 = tpu.memref_squeeze %dma_start3A_232 : memref<1x2x50xi32, #tpu.memory_space<hbm>> -> memref<2x50xi32, #tpu.memory_space<hbm>>
        tpu.enqueue_dma source(%dma_start3A_233 : memref<2x50xi32, #tpu.memory_space<hbm>>) target(%arg7 : memref<2x50xi32, #tpu.memory_space<vmem>>) target_semaphore(%arg16 : memref<!tpu.dma_semaphore, #tpu.memory_space<semaphore_mem>>)
      } else {
      }
      %dma_wait3A_202 = arith.constant 0 : i32
      %dma_wait3A_203 = arith.constant 0 : i32
      %dma_wait3A_204 = tpu.memref_slice %arg9[%dma_wait3A_202, %dma_wait3A_203] : memref<2x50xi32, #tpu.memory_space<vmem>> -> memref<1x50xi32, #tpu.memory_space<vmem>>
      %dma_wait3A_205 = tpu.memref_squeeze %dma_wait3A_204 : memref<1x50xi32, #tpu.memory_space<vmem>> -> memref<50xi32, #tpu.memory_space<vmem>>
      %dma_wait3A_206 = arith.constant 0 : i32
      %dma_wait3A_207 = arith.constant 0 : i32
      %dma_wait3A_208 = tpu.memref_slice %arg2[%dma_wait3A_206, %dma_wait3A_207] : memref<10000x128xf32, #tpu.memory_space<hbm>> -> memref<10000x128xf32, #tpu.memory_space<hbm>>
      tpu.wait_indirect_dma semaphore(%arg22 : memref<!tpu.dma_semaphore, #tpu.memory_space<semaphore_mem>>) src(%dma_wait3A_208 : memref<10000x128xf32, #tpu.memory_space<hbm>>) dst(%arg13 : memref<50x128xf32, #tpu.memory_space<vmem>>)
      %dma_start3A_209 = arith.constant 1 : i32
      %dma_start3A_210 = arith.constant 0 : i32
      %dma_start3A_211 = tpu.memref_slice %arg9[%dma_start3A_209, %dma_start3A_210] : memref<2x50xi32, #tpu.memory_space<vmem>> -> memref<1x50xi32, #tpu.memory_space<vmem>>
      %dma_start3A_212 = tpu.memref_squeeze %dma_start3A_211 : memref<1x50xi32, #tpu.memory_space<vmem>> -> memref<50xi32, #tpu.memory_space<vmem>>
      %dma_start3A_213 = arith.constant 0 : i32
      %dma_start3A_214 = arith.constant 0 : i32
      %dma_start3A_215 = tpu.memref_slice %arg14[%dma_start3A_213, %dma_start3A_214] : memref<10240x128xf32, #tpu.memory_space<vmem_shared>> -> memref<10240x128xf32, #tpu.memory_space<vmem_shared>>
      tpu.enqueue_indirect_dma source(%arg13 : memref<50x128xf32, #tpu.memory_space<vmem>>) target(%dma_start3A_215 : memref<10240x128xf32, #tpu.memory_space<vmem_shared>>) offsets(%dma_start3A_212 : memref<50xi32, #tpu.memory_space<vmem>>) semaphore(%arg26 : memref<!tpu.dma_semaphore, #tpu.memory_space<semaphore_mem>>) {add = true}
      %add3A_216 = arith.constant 2 : i32
      %add3A_217 = arith.addi %add3A_187, %add3A_216 : i32
      %lt3A_218 = arith.constant 200 : i32
      %lt3A_219 = arith.cmpi slt, %add3A_217, %lt3A_218 : i32
      %convert_element_type3A_220 = arith.extui %lt3A_219 : i1 to i32
      %cond3A_221 = arith.constant 0 : i32
      %cond3A_222 = arith.cmpi ne, %convert_element_type3A_220, %cond3A_221 : i32
      scf.if %cond3A_222 {
        %dma_wait3A_223 = arith.constant 0 : i32
        %dma_wait3A_224 = arith.constant 0 : i32
        %dma_wait3A_225 = tpu.memref_slice %arg3[%mul3A_2, %dma_wait3A_223, %dma_wait3A_224] : memref<6400x2x50xi32, #tpu.memory_space<hbm>> -> memref<1x2x50xi32, #tpu.memory_space<hbm>>
        %dma_wait3A_226 = tpu.memref_squeeze %dma_wait3A_225 : memref<1x2x50xi32, #tpu.memory_space<hbm>> -> memref<2x50xi32, #tpu.memory_space<hbm>>
        %dma_wait3A_227 = arith.constant 0 : i32
        %dma_wait3A_228 = arith.constant 0 : i32
        %dma_wait3A_229 = tpu.memref_slice %arg3[%mul3A_2, %dma_wait3A_227, %dma_wait3A_228] : memref<6400x2x50xi32, #tpu.memory_space<hbm>> -> memref<1x2x50xi32, #tpu.memory_space<hbm>>
        %dma_wait3A_230 = tpu.memref_squeeze %dma_wait3A_229 : memref<1x2x50xi32, #tpu.memory_space<hbm>> -> memref<2x50xi32, #tpu.memory_space<hbm>>
        tpu.wait_dma2 semaphore(%arg16 : memref<!tpu.dma_semaphore, #tpu.memory_space<semaphore_mem>>) src(%dma_wait3A_230 : memref<2x50xi32, #tpu.memory_space<hbm>>) dst(%arg7 : memref<2x50xi32, #tpu.memory_space<vmem>>)
        %add3A_231 = arith.constant 2 : i32
        %add3A_232 = arith.addi %add3A_187, %add3A_231 : i32
        %dma_start3A_233 = arith.constant 0 : i32
        %dma_start3A_234 = arith.constant 0 : i32
        %dma_start3A_235 = tpu.memref_slice %arg7[%dma_start3A_233, %dma_start3A_234] : memref<2x50xi32, #tpu.memory_space<vmem>> -> memref<1x50xi32, #tpu.memory_space<vmem>>
        %dma_start3A_236 = tpu.memref_squeeze %dma_start3A_235 : memref<1x50xi32, #tpu.memory_space<vmem>> -> memref<50xi32, #tpu.memory_space<vmem>>
        %dma_start3A_237 = arith.constant 0 : i32
        %dma_start3A_238 = arith.constant 0 : i32
        %dma_start3A_239 = tpu.memref_slice %arg2[%dma_start3A_237, %dma_start3A_238] : memref<10000x128xf32, #tpu.memory_space<hbm>> -> memref<10000x128xf32, #tpu.memory_space<hbm>>
        tpu.enqueue_indirect_dma source(%dma_start3A_239 : memref<10000x128xf32, #tpu.memory_space<hbm>>) target(%arg11 : memref<50x128xf32, #tpu.memory_space<vmem>>) offsets(%dma_start3A_236 : memref<50xi32, #tpu.memory_space<vmem>>) semaphore(%arg20 : memref<!tpu.dma_semaphore, #tpu.memory_space<semaphore_mem>>)
      } else {
      }
    }
    %scan3A_58 = arith.constant 50 : i32
    %dma_wait3A_59 = arith.constant 1 : i32
    %dma_wait3A_60 = arith.constant 0 : i32
    %dma_wait3A_61 = tpu.memref_slice %arg8[%dma_wait3A_59, %dma_wait3A_60] : memref<2x50xi32, #tpu.memory_space<vmem>> -> memref<1x50xi32, #tpu.memory_space<vmem>>
    %dma_wait3A_62 = tpu.memref_squeeze %dma_wait3A_61 : memref<1x50xi32, #tpu.memory_space<vmem>> -> memref<50xi32, #tpu.memory_space<vmem>>
    %dma_wait3A_63 = arith.constant 0 : i32
    %dma_wait3A_64 = arith.constant 0 : i32
    %dma_wait3A_65 = tpu.memref_slice %arg14[%dma_wait3A_63, %dma_wait3A_64] : memref<10240x128xf32, #tpu.memory_space<vmem_shared>> -> memref<10240x128xf32, #tpu.memory_space<vmem_shared>>
    tpu.wait_indirect_dma semaphore(%arg25 : memref<!tpu.dma_semaphore, #tpu.memory_space<semaphore_mem>>) src(%arg12 : memref<50x128xf32, #tpu.memory_space<vmem>>) dst(%dma_wait3A_65 : memref<10240x128xf32, #tpu.memory_space<vmem_shared>>)
    %dma_wait3A_66 = arith.constant 1 : i32
    %dma_wait3A_67 = arith.constant 0 : i32
    %dma_wait3A_68 = tpu.memref_slice %arg9[%dma_wait3A_66, %dma_wait3A_67] : memref<2x50xi32, #tpu.memory_space<vmem>> -> memref<1x50xi32, #tpu.memory_space<vmem>>
    %dma_wait3A_69 = tpu.memref_squeeze %dma_wait3A_68 : memref<1x50xi32, #tpu.memory_space<vmem>> -> memref<50xi32, #tpu.memory_space<vmem>>
    %dma_wait3A_70 = arith.constant 0 : i32
    %dma_wait3A_71 = arith.constant 0 : i32
    %dma_wait3A_72 = tpu.memref_slice %arg14[%dma_wait3A_70, %dma_wait3A_71] : memref<10240x128xf32, #tpu.memory_space<vmem_shared>> -> memref<10240x128xf32, #tpu.memory_space<vmem_shared>>
    tpu.wait_indirect_dma semaphore(%arg26 : memref<!tpu.dma_semaphore, #tpu.memory_space<semaphore_mem>>) src(%arg13 : memref<50x128xf32, #tpu.memory_space<vmem>>) dst(%dma_wait3A_72 : memref<10240x128xf32, #tpu.memory_space<vmem_shared>>)
    %barrier3A_73 = arith.constant 0 : index
    tpu.barrier barrier_id(%barrier3A_73)
    %mul3A_74 = arith.constant 640 : i32
    %mul3A_75 = arith.muli %arg1, %mul3A_74 : i32
    %mul3A_76 = arith.constant 640 : i32
    %mul3A_77 = arith.muli %arg1, %mul3A_76 : i32
    "tpu.region"() ({
      %run_scoped3A = tpu.sem_alloc : memref<!tpu.dma_semaphore, #tpu.memory_space<semaphore_mem>>
      %dma_start3A_78 = arith.constant 0 : i32
      %dma_start3A_79 = tpu.memref_slice %arg5[%arg0, %mul3A_77, %dma_start3A_78] : memref<2x10240x128xf32, #tpu.memory_space<hbm>> -> memref<1x640x128xf32, #tpu.memory_space<hbm>>
      %dma_start3A_80 = tpu.memref_squeeze %dma_start3A_79 : memref<1x640x128xf32, #tpu.memory_space<hbm>> -> memref<640x128xf32, #tpu.memory_space<hbm>>
      %dma_start3A_81 = arith.constant 0 : i32
      %dma_start3A_82 = tpu.memref_slice %arg14[%mul3A_75, %dma_start3A_81] : memref<10240x128xf32, #tpu.memory_space<vmem_shared>> -> memref<640x128xf32, #tpu.memory_space<vmem_shared>>
      tpu.enqueue_dma source(%dma_start3A_82 : memref<640x128xf32, #tpu.memory_space<vmem_shared>>) target(%dma_start3A_80 : memref<640x128xf32, #tpu.memory_space<hbm>>) target_semaphore(%run_scoped3A : memref<!tpu.dma_semaphore, #tpu.memory_space<semaphore_mem>>)
      %dma_wait3A_83 = arith.constant 0 : i32
      %dma_wait3A_84 = tpu.memref_slice %arg5[%arg0, %mul3A_77, %dma_wait3A_83] : memref<2x10240x128xf32, #tpu.memory_space<hbm>> -> memref<1x640x128xf32, #tpu.memory_space<hbm>>
      %dma_wait3A_85 = tpu.memref_squeeze %dma_wait3A_84 : memref<1x640x128xf32, #tpu.memory_space<hbm>> -> memref<640x128xf32, #tpu.memory_space<hbm>>
      %dma_wait3A_86 = arith.constant 0 : i32
      %dma_wait3A_87 = tpu.memref_slice %arg14[%mul3A_75, %dma_wait3A_86] : memref<10240x128xf32, #tpu.memory_space<vmem_shared>> -> memref<640x128xf32, #tpu.memory_space<vmem_shared>>
      tpu.wait_dma2 semaphore(%run_scoped3A : memref<!tpu.dma_semaphore, #tpu.memory_space<semaphore_mem>>) src(%dma_wait3A_87 : memref<640x128xf32, #tpu.memory_space<vmem_shared>>) dst(%dma_wait3A_85 : memref<640x128xf32, #tpu.memory_space<hbm>>)
      tpu.yield
    }) : () -> ()
    return
  }
}

module attributes {stable_mosaic.version = 14 : i64} {
  func.func @_mlp_body(%arg0: i32, %arg1: memref<1000x128xf32, #tpu.memory_space<vmem>>, %arg2: memref<2x1000x128xf32, #tpu.memory_space<vmem>>, %arg3: memref<1000x1xi32, #tpu.memory_space<vmem>>, %arg4: memref<128x128xf32, #tpu.memory_space<vmem>>, %arg5: memref<1x128xf32, #tpu.memory_space<vmem>>, %arg6: memref<128x128xf32, #tpu.memory_space<vmem>>, %arg7: memref<1x128xf32, #tpu.memory_space<vmem>>, %arg8: memref<1x128xf32, #tpu.memory_space<vmem>>, %arg9: memref<1x128xf32, #tpu.memory_space<vmem>>, %arg10: memref<1000x128xf32, #tpu.memory_space<vmem>>, %arg11: memref<128x128xf32, #tpu.memory_space<vmem>>, %arg12: memref<128x1xf32, #tpu.memory_space<vmem>>, %arg13: memref<128x128xf32, #tpu.memory_space<vmem>>, %arg14: memref<128x1xf32, #tpu.memory_space<vmem>>) attributes {dimension_semantics = [#tpu.dimension_semantics<arbitrary>], iteration_bounds = array<i64: 10>, scalar_prefetch = 0 : i64, scratch_operands = 2 : i64, tpu.core_type = #tpu.core_type<tc>, window_params = [{transform_indices = @transform_0, window_bounds = array<i64: 1000, 128>}, {transform_indices = @transform_1, window_bounds = array<i64: 2, 1000, 128>}, {transform_indices = @transform_2, window_bounds = array<i64: 1000, 1>}, {pipeline_mode = #tpu.pipeline_mode<synchronous>, transform_indices = @transform_3, window_bounds = array<i64: 128, 128>}, {pipeline_mode = #tpu.pipeline_mode<synchronous>, transform_indices = @transform_4, window_bounds = array<i64: 1, 128>}, {pipeline_mode = #tpu.pipeline_mode<synchronous>, transform_indices = @transform_5, window_bounds = array<i64: 128, 128>}, {pipeline_mode = #tpu.pipeline_mode<synchronous>, transform_indices = @transform_6, window_bounds = array<i64: 1, 128>}, {pipeline_mode = #tpu.pipeline_mode<synchronous>, transform_indices = @transform_7, window_bounds = array<i64: 1, 128>}, {pipeline_mode = #tpu.pipeline_mode<synchronous>, transform_indices = @transform_8, window_bounds = array<i64: 1, 128>}, {transform_indices = @transform_9, window_bounds = array<i64: 1000, 128>}, {pipeline_mode = #tpu.pipeline_mode<synchronous>, transform_indices = @transform_10, window_bounds = array<i64: 128, 128>}, {pipeline_mode = #tpu.pipeline_mode<synchronous>, transform_indices = @transform_11, window_bounds = array<i64: 128, 1>}]} {
    %get3A = arith.constant 0 : index
    %get3A_0 = arith.constant 0 : index
    %get3A_1 = vector.load %arg1[%get3A, %get3A_0] : memref<1000x128xf32, #tpu.memory_space<vmem>>, vector<1000x128xf32>
    %get3A_2 = arith.constant 0 : index
    %get3A_3 = arith.constant 0 : index
    %get3A_4 = arith.constant 0 : index
    %get3A_5 = vector.load %arg2[%get3A_2, %get3A_3, %get3A_4] : memref<2x1000x128xf32, #tpu.memory_space<vmem>>, vector<1x1000x128xf32>
    %get3A_6 = vector.shape_cast %get3A_5 : vector<1x1000x128xf32> to vector<1000x128xf32>
    %add3A = arith.addf %get3A_1, %get3A_6 : vector<1000x128xf32>
    %get3A_7 = arith.constant 1 : index
    %get3A_8 = arith.constant 0 : index
    %get3A_9 = arith.constant 0 : index
    %get3A_10 = vector.load %arg2[%get3A_7, %get3A_8, %get3A_9] : memref<2x1000x128xf32, #tpu.memory_space<vmem>>, vector<1x1000x128xf32>
    %get3A_11 = vector.shape_cast %get3A_10 : vector<1x1000x128xf32> to vector<1000x128xf32>
    %add3A_12 = arith.addf %add3A, %get3A_11 : vector<1000x128xf32>
    %get3A_13 = arith.constant 0 : index
    %get3A_14 = arith.constant 0 : index
    %get3A_15 = vector.load %arg4[%get3A_13, %get3A_14] : memref<128x128xf32, #tpu.memory_space<vmem>>, vector<128x128xf32>
    %dot_general3A = arith.constant dense<0.000000e+00> : vector<1000x128xf32>
    %dot_general3A_16 = tpu.matmul %add3A_12, %get3A_15, %dot_general3A {dimension_numbers = #tpu.dot_dimension_numbers<[1], [0], [0], [1], [0, 0, 1, 1], [], []>, transpose_lhs_hint = false} : vector<1000x128xf32>, vector<128x128xf32>, vector<1000x128xf32> -> vector<1000x128xf32>
    %get3A_17 = arith.constant 0 : index
    %get3A_18 = arith.constant 0 : index
    %get3A_19 = vector.load %arg5[%get3A_17, %get3A_18] : memref<1x128xf32, #tpu.memory_space<vmem>>, vector<1x128xf32>
    %add3A_20 = vector.broadcast %get3A_19 : vector<1x128xf32> to vector<1000x128xf32>
    %add3A_21 = arith.addf %dot_general3A_16, %add3A_20 : vector<1000x128xf32>
    %max3A = arith.constant 0.000000e+00 : f32
    %max3A_22 = vector.broadcast %max3A : f32 to vector<1000x128xf32>
    %max3A_23 = arith.maximumf %add3A_21, %max3A_22 : vector<1000x128xf32>
    %get3A_24 = arith.constant 0 : index
    %get3A_25 = arith.constant 0 : index
    %get3A_26 = vector.load %arg6[%get3A_24, %get3A_25] : memref<128x128xf32, #tpu.memory_space<vmem>>, vector<128x128xf32>
    %dot_general3A_27 = arith.constant dense<0.000000e+00> : vector<1000x128xf32>
    %dot_general3A_28 = tpu.matmul %max3A_23, %get3A_26, %dot_general3A_27 {dimension_numbers = #tpu.dot_dimension_numbers<[1], [0], [0], [1], [0, 0, 1, 1], [], []>, transpose_lhs_hint = false} : vector<1000x128xf32>, vector<128x128xf32>, vector<1000x128xf32> -> vector<1000x128xf32>
    %get3A_29 = arith.constant 0 : index
    %get3A_30 = arith.constant 0 : index
    %get3A_31 = vector.load %arg7[%get3A_29, %get3A_30] : memref<1x128xf32, #tpu.memory_space<vmem>>, vector<1x128xf32>
    %add3A_32 = vector.broadcast %get3A_31 : vector<1x128xf32> to vector<1000x128xf32>
    %add3A_33 = arith.addf %dot_general3A_28, %add3A_32 : vector<1000x128xf32>
    %max3A_34 = arith.constant 0.000000e+00 : f32
    %max3A_35 = vector.broadcast %max3A_34 : f32 to vector<1000x128xf32>
    %max3A_36 = arith.maximumf %add3A_33, %max3A_35 : vector<1000x128xf32>
    %get3A_37 = arith.constant 0 : index
    %get3A_38 = arith.constant 0 : index
    %get3A_39 = vector.load %arg8[%get3A_37, %get3A_38] : memref<1x128xf32, #tpu.memory_space<vmem>>, vector<1x128xf32>
    %mul3A = arith.constant 0.999994993 : f32
    %mul3A_40 = vector.broadcast %mul3A : f32 to vector<1x128xf32>
    %mul3A_41 = arith.mulf %get3A_39, %mul3A_40 : vector<1x128xf32>
    %mul3A_42 = vector.broadcast %mul3A_41 : vector<1x128xf32> to vector<1000x128xf32>
    %mul3A_43 = arith.mulf %max3A_36, %mul3A_42 : vector<1000x128xf32>
    %get3A_44 = arith.constant 0 : index
    %get3A_45 = arith.constant 0 : index
    %get3A_46 = vector.load %arg9[%get3A_44, %get3A_45] : memref<1x128xf32, #tpu.memory_space<vmem>>, vector<1x128xf32>
    %add3A_47 = vector.broadcast %get3A_46 : vector<1x128xf32> to vector<1000x128xf32>
    %add3A_48 = arith.addf %mul3A_43, %add3A_47 : vector<1000x128xf32>
    %swap3A = arith.constant 0 : index
    %swap3A_49 = arith.constant 0 : index
    %swap3A_50 = vector.load %arg10[%swap3A, %swap3A_49] : memref<1000x128xf32, #tpu.memory_space<vmem>>, vector<1000x128xf32>
    tpu.vector_store %arg10[%swap3A, %swap3A_49], %add3A_48 {strides = array<i32>} : memref<1000x128xf32, #tpu.memory_space<vmem>>, vector<1000x128xf32>,
    %get3A_51 = arith.constant 0 : index
    %get3A_52 = arith.constant 0 : index
    %get3A_53 = vector.load %arg3[%get3A_51, %get3A_52] : memref<1000x1xi32, #tpu.memory_space<vmem>>, vector<1000x1xi32>
    %iota3A = tpu.iota {dimensions = array<i32: 1>} : vector<1000x128xi32>
    %eq3A = vector.broadcast %get3A_53 : vector<1000x1xi32> to vector<1000x128xi32>
    %eq3A_54 = arith.cmpi eq, %eq3A, %iota3A : vector<1000x128xi32>
    %convert_element_type3A = arith.extui %eq3A_54 : vector<1000x128xi1> to vector<1000x128xi32>
    %convert_element_type3A_55 = arith.sitofp %convert_element_type3A : vector<1000x128xi32> to vector<1000x128xf32>
    %eq3A_56 = arith.constant 0 : i32
    %eq3A_57 = arith.cmpi eq, %arg0, %eq3A_56 : i32
    %convert_element_type3A_58 = arith.extui %eq3A_57 : i1 to i32
    %cond3A = arith.constant 0 : i32
    %cond3A_59 = arith.cmpi ne, %convert_element_type3A_58, %cond3A : i32
    scf.if %cond3A_59 {
      %broadcast_in_dim3A_84 = arith.constant 0.000000e+00 : f32
      %broadcast_in_dim3A_85 = vector.broadcast %broadcast_in_dim3A_84 : f32 to vector<128x128xf32>
      %swap3A_86 = arith.constant 0 : index
      %swap3A_87 = arith.constant 0 : index
      %swap3A_88 = vector.load %arg13[%swap3A_86, %swap3A_87] : memref<128x128xf32, #tpu.memory_space<vmem>>, vector<128x128xf32>
      tpu.vector_store %arg13[%swap3A_86, %swap3A_87], %broadcast_in_dim3A_85 {strides = array<i32>} : memref<128x128xf32, #tpu.memory_space<vmem>>, vector<128x128xf32>,
      %broadcast_in_dim3A_89 = arith.constant 0.000000e+00 : f32
      %broadcast_in_dim3A_90 = vector.broadcast %broadcast_in_dim3A_89 : f32 to vector<128x1xf32>
      %swap3A_91 = arith.constant 0 : index
      %swap3A_92 = arith.constant 0 : index
      %swap3A_93 = vector.load %arg14[%swap3A_91, %swap3A_92] : memref<128x1xf32, #tpu.memory_space<vmem>>, vector<128x1xf32>
      tpu.vector_store %arg14[%swap3A_91, %swap3A_92], %broadcast_in_dim3A_90 {strides = array<i32>} : memref<128x1xf32, #tpu.memory_space<vmem>>, vector<128x1xf32>,
    } else {
    }
    %get3A_60 = arith.constant 0 : index
    %get3A_61 = arith.constant 0 : index
    %get3A_62 = vector.load %arg13[%get3A_60, %get3A_61] : memref<128x128xf32, #tpu.memory_space<vmem>>, vector<128x128xf32>
    %dot_general3A_63 = arith.constant dense<0.000000e+00> : vector<128x128xf32>
    %dot_general3A_64 = tpu.matmul %convert_element_type3A_55, %add3A_48, %dot_general3A_63 {dimension_numbers = #tpu.dot_dimension_numbers<[0], [0], [1], [1], [0, 1, 1, 1], [], []>, precision = #tpu.contract_precision<fp32>, transpose_lhs_hint = false} : vector<1000x128xf32>, vector<1000x128xf32>, vector<128x128xf32> -> vector<128x128xf32>
    %add3A_65 = arith.addf %get3A_62, %dot_general3A_64 : vector<128x128xf32>
    %swap3A_66 = arith.constant 0 : index
    %swap3A_67 = arith.constant 0 : index
    %swap3A_68 = vector.load %arg13[%swap3A_66, %swap3A_67] : memref<128x128xf32, #tpu.memory_space<vmem>>, vector<128x128xf32>
    tpu.vector_store %arg13[%swap3A_66, %swap3A_67], %add3A_65 {strides = array<i32>} : memref<128x128xf32, #tpu.memory_space<vmem>>, vector<128x128xf32>,
    %get3A_69 = arith.constant 0 : index
    %get3A_70 = arith.constant 0 : index
    %get3A_71 = vector.load %arg14[%get3A_69, %get3A_70] : memref<128x1xf32, #tpu.memory_space<vmem>>, vector<128x1xf32>
    %broadcast_in_dim3A = arith.constant 1.000000e+00 : f32
    %broadcast_in_dim3A_72 = vector.broadcast %broadcast_in_dim3A : f32 to vector<1000x1xf32>
    %dot_general3A_73 = arith.constant dense<0.000000e+00> : vector<128x1xf32>
    %dot_general3A_74 = tpu.matmul %convert_element_type3A_55, %broadcast_in_dim3A_72, %dot_general3A_73 {dimension_numbers = #tpu.dot_dimension_numbers<[0], [0], [1], [1], [0, 1, 1, 1], [], []>, transpose_lhs_hint = false} : vector<1000x128xf32>, vector<1000x1xf32>, vector<128x1xf32> -> vector<128x1xf32>
    %add3A_75 = arith.addf %get3A_71, %dot_general3A_74 : vector<128x1xf32>
    %swap3A_76 = arith.constant 0 : index
    %swap3A_77 = arith.constant 0 : index
    %swap3A_78 = vector.load %arg14[%swap3A_76, %swap3A_77] : memref<128x1xf32, #tpu.memory_space<vmem>>, vector<128x1xf32>
    tpu.vector_store %arg14[%swap3A_76, %swap3A_77], %add3A_75 {strides = array<i32>} : memref<128x1xf32, #tpu.memory_space<vmem>>, vector<128x1xf32>,
    %eq3A_79 = arith.constant 9 : i32
    %eq3A_80 = arith.cmpi eq, %arg0, %eq3A_79 : i32
    %convert_element_type3A_81 = arith.extui %eq3A_80 : i1 to i32
    %cond3A_82 = arith.constant 0 : i32
    %cond3A_83 = arith.cmpi ne, %convert_element_type3A_81, %cond3A_82 : i32
    scf.if %cond3A_83 {
      %get3A_84 = arith.constant 0 : index
      %get3A_85 = arith.constant 0 : index
      %get3A_86 = vector.load %arg13[%get3A_84, %get3A_85] : memref<128x128xf32, #tpu.memory_space<vmem>>, vector<128x128xf32>
      %swap3A_87 = arith.constant 0 : index
      %swap3A_88 = arith.constant 0 : index
      %swap3A_89 = vector.load %arg11[%swap3A_87, %swap3A_88] : memref<128x128xf32, #tpu.memory_space<vmem>>, vector<128x128xf32>
      tpu.vector_store %arg11[%swap3A_87, %swap3A_88], %get3A_86 {strides = array<i32>} : memref<128x128xf32, #tpu.memory_space<vmem>>, vector<128x128xf32>,
      %get3A_90 = arith.constant 0 : index
      %get3A_91 = arith.constant 0 : index
      %get3A_92 = vector.load %arg14[%get3A_90, %get3A_91] : memref<128x1xf32, #tpu.memory_space<vmem>>, vector<128x1xf32>
      %swap3A_93 = arith.constant 0 : index
      %swap3A_94 = arith.constant 0 : index
      %swap3A_95 = vector.load %arg12[%swap3A_93, %swap3A_94] : memref<128x1xf32, #tpu.memory_space<vmem>>, vector<128x1xf32>
      tpu.vector_store %arg12[%swap3A_93, %swap3A_94], %get3A_92 {strides = array<i32>} : memref<128x1xf32, #tpu.memory_space<vmem>>, vector<128x1xf32>,
    } else {
    }
    return
  }
  func.func @transform_0(%arg0: i32) -> (i32, i32) {
    %c0_i32 = arith.constant 0 : i32
    %c0_i32_0 = arith.constant 0 : i32
    return %arg0, %c0_i32 : i32, i32
  }
  func.func @transform_1(%arg0: i32) -> (i32, i32, i32) {
    %c0_i32 = arith.constant 0 : i32
    %c0_i32_0 = arith.constant 0 : i32
    %c0_i32_1 = arith.constant 0 : i32
    return %c0_i32, %arg0, %c0_i32_0 : i32, i32, i32
  }
  func.func @transform_2(%arg0: i32) -> (i32, i32) {
    %c0_i32 = arith.constant 0 : i32
    %c0_i32_0 = arith.constant 0 : i32
    return %arg0, %c0_i32 : i32, i32
  }
  func.func @transform_3(%arg0: i32) -> (i32, i32) {
    %c0_i32 = arith.constant 0 : i32
    %c0_i32_0 = arith.constant 0 : i32
    %c0_i32_1 = arith.constant 0 : i32
    return %c0_i32, %c0_i32_0 : i32, i32
  }
  func.func @transform_4(%arg0: i32) -> (i32, i32) {
    %c0_i32 = arith.constant 0 : i32
    %c0_i32_0 = arith.constant 0 : i32
    %c0_i32_1 = arith.constant 0 : i32
    return %c0_i32, %c0_i32_0 : i32, i32
  }
  func.func @transform_5(%arg0: i32) -> (i32, i32) {
    %c0_i32 = arith.constant 0 : i32
    %c0_i32_0 = arith.constant 0 : i32
    %c0_i32_1 = arith.constant 0 : i32
    return %c0_i32, %c0_i32_0 : i32, i32
  }
  func.func @transform_6(%arg0: i32) -> (i32, i32) {
    %c0_i32 = arith.constant 0 : i32
    %c0_i32_0 = arith.constant 0 : i32
    %c0_i32_1 = arith.constant 0 : i32
    return %c0_i32, %c0_i32_0 : i32, i32
  }
  func.func @transform_7(%arg0: i32) -> (i32, i32) {
    %c0_i32 = arith.constant 0 : i32
    %c0_i32_0 = arith.constant 0 : i32
    %c0_i32_1 = arith.constant 0 : i32
    return %c0_i32, %c0_i32_0 : i32, i32
  }
  func.func @transform_8(%arg0: i32) -> (i32, i32) {
    %c0_i32 = arith.constant 0 : i32
    %c0_i32_0 = arith.constant 0 : i32
    %c0_i32_1 = arith.constant 0 : i32
    return %c0_i32, %c0_i32_0 : i32, i32
  }
  func.func @transform_9(%arg0: i32) -> (i32, i32) {
    %c0_i32 = arith.constant 0 : i32
    %c0_i32_0 = arith.constant 0 : i32
    return %arg0, %c0_i32 : i32, i32
  }
  func.func @transform_10(%arg0: i32) -> (i32, i32) {
    %c0_i32 = arith.constant 0 : i32
    %c0_i32_0 = arith.constant 0 : i32
    %c0_i32_1 = arith.constant 0 : i32
    return %c0_i32, %c0_i32_0 : i32, i32
  }
  func.func @transform_11(%arg0: i32) -> (i32, i32) {
    %c0_i32 = arith.constant 0 : i32
    %c0_i32_0 = arith.constant 0 : i32
    %c0_i32_1 = arith.constant 0 : i32
    return %c0_i32, %c0_i32_0 : i32, i32
  }
}

module attributes {stable_mosaic.version = 14 : i64} {
  func.func @_mlp_body(%arg0: i32, %arg1: memref<1000x128xf32, #tpu.memory_space<vmem>>, %arg2: memref<2x1000x128xf32, #tpu.memory_space<vmem>>, %arg3: memref<1000x1xi32, #tpu.memory_space<vmem>>, %arg4: memref<128x128xf32, #tpu.memory_space<vmem>>, %arg5: memref<1x128xf32, #tpu.memory_space<vmem>>, %arg6: memref<128x128xf32, #tpu.memory_space<vmem>>, %arg7: memref<1x128xf32, #tpu.memory_space<vmem>>, %arg8: memref<1x128xf32, #tpu.memory_space<vmem>>, %arg9: memref<1x128xf32, #tpu.memory_space<vmem>>, %arg10: memref<1000x128xf32, #tpu.memory_space<vmem>>, %arg11: memref<128x128xf32, #tpu.memory_space<vmem>>, %arg12: memref<128x1xf32, #tpu.memory_space<vmem>>, %arg13: memref<128x128xf32, #tpu.memory_space<vmem>>, %arg14: memref<128x1xf32, #tpu.memory_space<vmem>>) attributes {dimension_semantics = [#tpu.dimension_semantics<arbitrary>], iteration_bounds = array<i64: 10>, scalar_prefetch = 0 : i64, scratch_operands = 2 : i64, tpu.core_type = #tpu.core_type<tc>, window_params = [{transform_indices = @transform_0, window_bounds = array<i64: 1000, 128>}, {transform_indices = @transform_1, window_bounds = array<i64: 2, 1000, 128>}, {transform_indices = @transform_2, window_bounds = array<i64: 1000, 1>}, {pipeline_mode = #tpu.pipeline_mode<synchronous>, transform_indices = @transform_3, window_bounds = array<i64: 128, 128>}, {pipeline_mode = #tpu.pipeline_mode<synchronous>, transform_indices = @transform_4, window_bounds = array<i64: 1, 128>}, {pipeline_mode = #tpu.pipeline_mode<synchronous>, transform_indices = @transform_5, window_bounds = array<i64: 128, 128>}, {pipeline_mode = #tpu.pipeline_mode<synchronous>, transform_indices = @transform_6, window_bounds = array<i64: 1, 128>}, {pipeline_mode = #tpu.pipeline_mode<synchronous>, transform_indices = @transform_7, window_bounds = array<i64: 1, 128>}, {pipeline_mode = #tpu.pipeline_mode<synchronous>, transform_indices = @transform_8, window_bounds = array<i64: 1, 128>}, {transform_indices = @transform_9, window_bounds = array<i64: 1000, 128>}, {pipeline_mode = #tpu.pipeline_mode<synchronous>, transform_indices = @transform_10, window_bounds = array<i64: 128, 128>}, {pipeline_mode = #tpu.pipeline_mode<synchronous>, transform_indices = @transform_11, window_bounds = array<i64: 128, 1>}]} {
    %get3A = arith.constant 0 : index
    %get3A_0 = arith.constant 0 : index
    %get3A_1 = vector.load %arg1[%get3A, %get3A_0] : memref<1000x128xf32, #tpu.memory_space<vmem>>, vector<1000x128xf32>
    %get3A_2 = arith.constant 0 : index
    %get3A_3 = arith.constant 0 : index
    %get3A_4 = arith.constant 0 : index
    %get3A_5 = vector.load %arg2[%get3A_2, %get3A_3, %get3A_4] : memref<2x1000x128xf32, #tpu.memory_space<vmem>>, vector<1x1000x128xf32>
    %get3A_6 = vector.shape_cast %get3A_5 : vector<1x1000x128xf32> to vector<1000x128xf32>
    %add3A = arith.addf %get3A_1, %get3A_6 : vector<1000x128xf32>
    %get3A_7 = arith.constant 1 : index
    %get3A_8 = arith.constant 0 : index
    %get3A_9 = arith.constant 0 : index
    %get3A_10 = vector.load %arg2[%get3A_7, %get3A_8, %get3A_9] : memref<2x1000x128xf32, #tpu.memory_space<vmem>>, vector<1x1000x128xf32>
    %get3A_11 = vector.shape_cast %get3A_10 : vector<1x1000x128xf32> to vector<1000x128xf32>
    %add3A_12 = arith.addf %add3A, %get3A_11 : vector<1000x128xf32>
    %get3A_13 = arith.constant 0 : index
    %get3A_14 = arith.constant 0 : index
    %get3A_15 = vector.load %arg4[%get3A_13, %get3A_14] : memref<128x128xf32, #tpu.memory_space<vmem>>, vector<128x128xf32>
    %dot_general3A = arith.constant dense<0.000000e+00> : vector<1000x128xf32>
    %dot_general3A_16 = tpu.matmul %add3A_12, %get3A_15, %dot_general3A {dimension_numbers = #tpu.dot_dimension_numbers<[1], [0], [0], [1], [0, 0, 1, 1], [], []>, transpose_lhs_hint = false} : vector<1000x128xf32>, vector<128x128xf32>, vector<1000x128xf32> -> vector<1000x128xf32>
    %get3A_17 = arith.constant 0 : index
    %get3A_18 = arith.constant 0 : index
    %get3A_19 = vector.load %arg5[%get3A_17, %get3A_18] : memref<1x128xf32, #tpu.memory_space<vmem>>, vector<1x128xf32>
    %add3A_20 = vector.broadcast %get3A_19 : vector<1x128xf32> to vector<1000x128xf32>
    %add3A_21 = arith.addf %dot_general3A_16, %add3A_20 : vector<1000x128xf32>
    %max3A = arith.constant 0.000000e+00 : f32
    %max3A_22 = vector.broadcast %max3A : f32 to vector<1000x128xf32>
    %max3A_23 = arith.maximumf %add3A_21, %max3A_22 : vector<1000x128xf32>
    %get3A_24 = arith.constant 0 : index
    %get3A_25 = arith.constant 0 : index
    %get3A_26 = vector.load %arg6[%get3A_24, %get3A_25] : memref<128x128xf32, #tpu.memory_space<vmem>>, vector<128x128xf32>
    %dot_general3A_27 = arith.constant dense<0.000000e+00> : vector<1000x128xf32>
    %dot_general3A_28 = tpu.matmul %max3A_23, %get3A_26, %dot_general3A_27 {dimension_numbers = #tpu.dot_dimension_numbers<[1], [0], [0], [1], [0, 0, 1, 1], [], []>, transpose_lhs_hint = false} : vector<1000x128xf32>, vector<128x128xf32>, vector<1000x128xf32> -> vector<1000x128xf32>
    %get3A_29 = arith.constant 0 : index
    %get3A_30 = arith.constant 0 : index
    %get3A_31 = vector.load %arg7[%get3A_29, %get3A_30] : memref<1x128xf32, #tpu.memory_space<vmem>>, vector<1x128xf32>
    %add3A_32 = vector.broadcast %get3A_31 : vector<1x128xf32> to vector<1000x128xf32>
    %add3A_33 = arith.addf %dot_general3A_28, %add3A_32 : vector<1000x128xf32>
    %max3A_34 = arith.constant 0.000000e+00 : f32
    %max3A_35 = vector.broadcast %max3A_34 : f32 to vector<1000x128xf32>
    %max3A_36 = arith.maximumf %add3A_33, %max3A_35 : vector<1000x128xf32>
    %get3A_37 = arith.constant 0 : index
    %get3A_38 = arith.constant 0 : index
    %get3A_39 = vector.load %arg8[%get3A_37, %get3A_38] : memref<1x128xf32, #tpu.memory_space<vmem>>, vector<1x128xf32>
    %mul3A = arith.constant 0.999994993 : f32
    %mul3A_40 = vector.broadcast %mul3A : f32 to vector<1x128xf32>
    %mul3A_41 = arith.mulf %get3A_39, %mul3A_40 : vector<1x128xf32>
    %mul3A_42 = vector.broadcast %mul3A_41 : vector<1x128xf32> to vector<1000x128xf32>
    %mul3A_43 = arith.mulf %max3A_36, %mul3A_42 : vector<1000x128xf32>
    %get3A_44 = arith.constant 0 : index
    %get3A_45 = arith.constant 0 : index
    %get3A_46 = vector.load %arg9[%get3A_44, %get3A_45] : memref<1x128xf32, #tpu.memory_space<vmem>>, vector<1x128xf32>
    %add3A_47 = vector.broadcast %get3A_46 : vector<1x128xf32> to vector<1000x128xf32>
    %add3A_48 = arith.addf %mul3A_43, %add3A_47 : vector<1000x128xf32>
    %swap3A = arith.constant 0 : index
    %swap3A_49 = arith.constant 0 : index
    %swap3A_50 = vector.load %arg10[%swap3A, %swap3A_49] : memref<1000x128xf32, #tpu.memory_space<vmem>>, vector<1000x128xf32>
    tpu.vector_store %arg10[%swap3A, %swap3A_49], %add3A_48 {strides = array<i32>} : memref<1000x128xf32, #tpu.memory_space<vmem>>, vector<1000x128xf32>,
    %get3A_51 = arith.constant 0 : index
    %get3A_52 = arith.constant 0 : index
    %get3A_53 = vector.load %arg3[%get3A_51, %get3A_52] : memref<1000x1xi32, #tpu.memory_space<vmem>>, vector<1000x1xi32>
    %iota3A = tpu.iota {dimensions = array<i32: 1>} : vector<1000x128xi32>
    %eq3A = vector.broadcast %get3A_53 : vector<1000x1xi32> to vector<1000x128xi32>
    %eq3A_54 = arith.cmpi eq, %eq3A, %iota3A : vector<1000x128xi32>
    %convert_element_type3A = arith.extui %eq3A_54 : vector<1000x128xi1> to vector<1000x128xi32>
    %convert_element_type3A_55 = arith.sitofp %convert_element_type3A : vector<1000x128xi32> to vector<1000x128xf32>
    %eq3A_56 = arith.constant 0 : i32
    %eq3A_57 = arith.cmpi eq, %arg0, %eq3A_56 : i32
    %convert_element_type3A_58 = arith.extui %eq3A_57 : i1 to i32
    %cond3A = arith.constant 0 : i32
    %cond3A_59 = arith.cmpi ne, %convert_element_type3A_58, %cond3A : i32
    scf.if %cond3A_59 {
      %broadcast_in_dim3A_84 = arith.constant 0.000000e+00 : f32
      %broadcast_in_dim3A_85 = vector.broadcast %broadcast_in_dim3A_84 : f32 to vector<128x128xf32>
      %swap3A_86 = arith.constant 0 : index
      %swap3A_87 = arith.constant 0 : index
      %swap3A_88 = vector.load %arg13[%swap3A_86, %swap3A_87] : memref<128x128xf32, #tpu.memory_space<vmem>>, vector<128x128xf32>
      tpu.vector_store %arg13[%swap3A_86, %swap3A_87], %broadcast_in_dim3A_85 {strides = array<i32>} : memref<128x128xf32, #tpu.memory_space<vmem>>, vector<128x128xf32>,
      %broadcast_in_dim3A_89 = arith.constant 0.000000e+00 : f32
      %broadcast_in_dim3A_90 = vector.broadcast %broadcast_in_dim3A_89 : f32 to vector<128x1xf32>
      %swap3A_91 = arith.constant 0 : index
      %swap3A_92 = arith.constant 0 : index
      %swap3A_93 = vector.load %arg14[%swap3A_91, %swap3A_92] : memref<128x1xf32, #tpu.memory_space<vmem>>, vector<128x1xf32>
      tpu.vector_store %arg14[%swap3A_91, %swap3A_92], %broadcast_in_dim3A_90 {strides = array<i32>} : memref<128x1xf32, #tpu.memory_space<vmem>>, vector<128x1xf32>,
    } else {
    }
    %get3A_60 = arith.constant 0 : index
    %get3A_61 = arith.constant 0 : index
    %get3A_62 = vector.load %arg13[%get3A_60, %get3A_61] : memref<128x128xf32, #tpu.memory_space<vmem>>, vector<128x128xf32>
    %dot_general3A_63 = arith.constant dense<0.000000e+00> : vector<128x128xf32>
    %dot_general3A_64 = tpu.matmul %convert_element_type3A_55, %add3A_48, %dot_general3A_63 {dimension_numbers = #tpu.dot_dimension_numbers<[0], [0], [1], [1], [0, 1, 1, 1], [], []>, precision = #tpu.contract_precision<fp32>, transpose_lhs_hint = false} : vector<1000x128xf32>, vector<1000x128xf32>, vector<128x128xf32> -> vector<128x128xf32>
    %add3A_65 = arith.addf %get3A_62, %dot_general3A_64 : vector<128x128xf32>
    %swap3A_66 = arith.constant 0 : index
    %swap3A_67 = arith.constant 0 : index
    %swap3A_68 = vector.load %arg13[%swap3A_66, %swap3A_67] : memref<128x128xf32, #tpu.memory_space<vmem>>, vector<128x128xf32>
    tpu.vector_store %arg13[%swap3A_66, %swap3A_67], %add3A_65 {strides = array<i32>} : memref<128x128xf32, #tpu.memory_space<vmem>>, vector<128x128xf32>,
    %get3A_69 = arith.constant 0 : index
    %get3A_70 = arith.constant 0 : index
    %get3A_71 = vector.load %arg14[%get3A_69, %get3A_70] : memref<128x1xf32, #tpu.memory_space<vmem>>, vector<128x1xf32>
    %broadcast_in_dim3A = arith.constant 1.000000e+00 : f32
    %broadcast_in_dim3A_72 = vector.broadcast %broadcast_in_dim3A : f32 to vector<1000x1xf32>
    %dot_general3A_73 = arith.constant dense<0.000000e+00> : vector<128x1xf32>
    %dot_general3A_74 = tpu.matmul %convert_element_type3A_55, %broadcast_in_dim3A_72, %dot_general3A_73 {dimension_numbers = #tpu.dot_dimension_numbers<[0], [0], [1], [1], [0, 1, 1, 1], [], []>, transpose_lhs_hint = false} : vector<1000x128xf32>, vector<1000x1xf32>, vector<128x1xf32> -> vector<128x1xf32>
    %add3A_75 = arith.addf %get3A_71, %dot_general3A_74 : vector<128x1xf32>
    %swap3A_76 = arith.constant 0 : index
    %swap3A_77 = arith.constant 0 : index
    %swap3A_78 = vector.load %arg14[%swap3A_76, %swap3A_77] : memref<128x1xf32, #tpu.memory_space<vmem>>, vector<128x1xf32>
    tpu.vector_store %arg14[%swap3A_76, %swap3A_77], %add3A_75 {strides = array<i32>} : memref<128x1xf32, #tpu.memory_space<vmem>>, vector<128x1xf32>,
    %eq3A_79 = arith.constant 9 : i32
    %eq3A_80 = arith.cmpi eq, %arg0, %eq3A_79 : i32
    %convert_element_type3A_81 = arith.extui %eq3A_80 : i1 to i32
    %cond3A_82 = arith.constant 0 : i32
    %cond3A_83 = arith.cmpi ne, %convert_element_type3A_81, %cond3A_82 : i32
    scf.if %cond3A_83 {
      %get3A_84 = arith.constant 0 : index
      %get3A_85 = arith.constant 0 : index
      %get3A_86 = vector.load %arg13[%get3A_84, %get3A_85] : memref<128x128xf32, #tpu.memory_space<vmem>>, vector<128x128xf32>
      %swap3A_87 = arith.constant 0 : index
      %swap3A_88 = arith.constant 0 : index
      %swap3A_89 = vector.load %arg11[%swap3A_87, %swap3A_88] : memref<128x128xf32, #tpu.memory_space<vmem>>, vector<128x128xf32>
      tpu.vector_store %arg11[%swap3A_87, %swap3A_88], %get3A_86 {strides = array<i32>} : memref<128x128xf32, #tpu.memory_space<vmem>>, vector<128x128xf32>,
      %get3A_90 = arith.constant 0 : index
      %get3A_91 = arith.constant 0 : index
      %get3A_92 = vector.load %arg14[%get3A_90, %get3A_91] : memref<128x1xf32, #tpu.memory_space<vmem>>, vector<128x1xf32>
      %swap3A_93 = arith.constant 0 : index
      %swap3A_94 = arith.constant 0 : index
      %swap3A_95 = vector.load %arg12[%swap3A_93, %swap3A_94] : memref<128x1xf32, #tpu.memory_space<vmem>>, vector<128x1xf32>
      tpu.vector_store %arg12[%swap3A_93, %swap3A_94], %get3A_92 {strides = array<i32>} : memref<128x1xf32, #tpu.memory_space<vmem>>, vector<128x1xf32>,
    } else {
    }
    return
  }
  func.func @transform_0(%arg0: i32) -> (i32, i32) {
    %c0_i32 = arith.constant 0 : i32
    %c0_i32_0 = arith.constant 0 : i32
    return %arg0, %c0_i32 : i32, i32
  }
  func.func @transform_1(%arg0: i32) -> (i32, i32, i32) {
    %c0_i32 = arith.constant 0 : i32
    %c0_i32_0 = arith.constant 0 : i32
    %c0_i32_1 = arith.constant 0 : i32
    return %c0_i32, %arg0, %c0_i32_0 : i32, i32, i32
  }
  func.func @transform_2(%arg0: i32) -> (i32, i32) {
    %c0_i32 = arith.constant 0 : i32
    %c0_i32_0 = arith.constant 0 : i32
    return %arg0, %c0_i32 : i32, i32
  }
  func.func @transform_3(%arg0: i32) -> (i32, i32) {
    %c0_i32 = arith.constant 0 : i32
    %c0_i32_0 = arith.constant 0 : i32
    %c0_i32_1 = arith.constant 0 : i32
    return %c0_i32, %c0_i32_0 : i32, i32
  }
  func.func @transform_4(%arg0: i32) -> (i32, i32) {
    %c0_i32 = arith.constant 0 : i32
    %c0_i32_0 = arith.constant 0 : i32
    %c0_i32_1 = arith.constant 0 : i32
    return %c0_i32, %c0_i32_0 : i32, i32
  }
  func.func @transform_5(%arg0: i32) -> (i32, i32) {
    %c0_i32 = arith.constant 0 : i32
    %c0_i32_0 = arith.constant 0 : i32
    %c0_i32_1 = arith.constant 0 : i32
    return %c0_i32, %c0_i32_0 : i32, i32
  }
  func.func @transform_6(%arg0: i32) -> (i32, i32) {
    %c0_i32 = arith.constant 0 : i32
    %c0_i32_0 = arith.constant 0 : i32
    %c0_i32_1 = arith.constant 0 : i32
    return %c0_i32, %c0_i32_0 : i32, i32
  }
  func.func @transform_7(%arg0: i32) -> (i32, i32) {
    %c0_i32 = arith.constant 0 : i32
    %c0_i32_0 = arith.constant 0 : i32
    %c0_i32_1 = arith.constant 0 : i32
    return %c0_i32, %c0_i32_0 : i32, i32
  }
  func.func @transform_8(%arg0: i32) -> (i32, i32) {
    %c0_i32 = arith.constant 0 : i32
    %c0_i32_0 = arith.constant 0 : i32
    %c0_i32_1 = arith.constant 0 : i32
    return %c0_i32, %c0_i32_0 : i32, i32
  }
  func.func @transform_9(%arg0: i32) -> (i32, i32) {
    %c0_i32 = arith.constant 0 : i32
    %c0_i32_0 = arith.constant 0 : i32
    return %arg0, %c0_i32 : i32, i32
  }
  func.func @transform_10(%arg0: i32) -> (i32, i32) {
    %c0_i32 = arith.constant 0 : i32
    %c0_i32_0 = arith.constant 0 : i32
    %c0_i32_1 = arith.constant 0 : i32
    return %c0_i32, %c0_i32_0 : i32, i32
  }
  func.func @transform_11(%arg0: i32) -> (i32, i32) {
    %c0_i32 = arith.constant 0 : i32
    %c0_i32_0 = arith.constant 0 : i32
    %c0_i32_1 = arith.constant 0 : i32
    return %c0_i32, %c0_i32_0 : i32, i32
  }
}

module attributes {stable_mosaic.version = 14 : i64} {
  func.func @_head_body(%arg0: memref<1x1xf32, #tpu.memory_space<vmem>>, %arg1: memref<128x128xf32, #tpu.memory_space<vmem>>, %arg2: memref<128x128xf32, #tpu.memory_space<vmem>>, %arg3: memref<128x128xf32, #tpu.memory_space<vmem>>, %arg4: memref<128x1xf32, #tpu.memory_space<vmem>>, %arg5: memref<384x128xf32, #tpu.memory_space<vmem>>, %arg6: memref<1x128xf32, #tpu.memory_space<vmem>>, %arg7: memref<128x1xf32, #tpu.memory_space<vmem>>, %arg8: memref<1x1xf32, #tpu.memory_space<vmem>>, %arg9: memref<128x1xf32, #tpu.memory_space<vmem>>) attributes {dimension_semantics = [], scalar_prefetch = 0 : i64, scratch_operands = 0 : i64, tpu.core_type = #tpu.core_type<tc>} {
    %get3A = arith.constant 0 : index
    %get3A_0 = arith.constant 0 : index
    %get3A_1 = vector.load %arg4[%get3A, %get3A_0] : memref<128x1xf32, #tpu.memory_space<vmem>>, vector<128x1xf32>
    %get3A_2 = arith.constant 0 : index
    %get3A_3 = arith.constant 0 : index
    %get3A_4 = vector.load %arg0[%get3A_2, %get3A_3] : memref<1x1xf32, #tpu.memory_space<vmem>>, vector<1x1xf32>
    %get3A_5 = vector.extract %get3A_4[0, 0] : f32 from vector<1x1xf32>
    %add3A = vector.broadcast %get3A_5 : f32 to vector<128x1xf32>
    %add3A_6 = arith.addf %get3A_1, %add3A : vector<128x1xf32>
    %max3A = arith.constant 1.000000e+00 : f32
    %max3A_7 = vector.broadcast %max3A : f32 to vector<128x1xf32>
    %max3A_8 = arith.maximumf %add3A_6, %max3A_7 : vector<128x1xf32>
    %get3A_9 = arith.constant 0 : index
    %get3A_10 = arith.constant 0 : index
    %get3A_11 = vector.load %arg1[%get3A_9, %get3A_10] : memref<128x128xf32, #tpu.memory_space<vmem>>, vector<128x128xf32>
    %get3A_12 = arith.constant 0 : index
    %get3A_13 = arith.constant 0 : index
    %get3A_14 = vector.load %arg2[%get3A_12, %get3A_13] : memref<128x128xf32, #tpu.memory_space<vmem>>, vector<128x128xf32>
    %get3A_15 = arith.constant 0 : index
    %get3A_16 = arith.constant 0 : index
    %get3A_17 = vector.load %arg3[%get3A_15, %get3A_16] : memref<128x128xf32, #tpu.memory_space<vmem>>, vector<128x128xf32>
    %concatenate3A = tpu.concatenate %get3A_11, %get3A_14, %get3A_17 in 1 : vector<128x128xf32>, vector<128x128xf32>, vector<128x128xf32> -> vector<128x384xf32>
    %div3A = vector.broadcast %max3A_8 : vector<128x1xf32> to vector<128x384xf32>
    %div3A_18 = arith.divf %concatenate3A, %div3A : vector<128x384xf32>
    %get3A_19 = arith.constant 0 : index
    %get3A_20 = arith.constant 0 : index
    %get3A_21 = vector.load %arg5[%get3A_19, %get3A_20] : memref<384x128xf32, #tpu.memory_space<vmem>>, vector<384x128xf32>
    %dot_general3A = arith.constant dense<0.000000e+00> : vector<128x128xf32>
    %dot_general3A_22 = tpu.matmul %div3A_18, %get3A_21, %dot_general3A {dimension_numbers = #tpu.dot_dimension_numbers<[1], [0], [0], [1], [0, 0, 1, 1], [], []>, transpose_lhs_hint = false} : vector<128x384xf32>, vector<384x128xf32>, vector<128x128xf32> -> vector<128x128xf32>
    %get3A_23 = arith.constant 0 : index
    %get3A_24 = arith.constant 0 : index
    %get3A_25 = vector.load %arg6[%get3A_23, %get3A_24] : memref<1x128xf32, #tpu.memory_space<vmem>>, vector<1x128xf32>
    %add3A_26 = vector.broadcast %get3A_25 : vector<1x128xf32> to vector<128x128xf32>
    %add3A_27 = arith.addf %dot_general3A_22, %add3A_26 : vector<128x128xf32>
    %max3A_28 = arith.constant 0.000000e+00 : f32
    %max3A_29 = vector.broadcast %max3A_28 : f32 to vector<128x128xf32>
    %max3A_30 = arith.maximumf %add3A_27, %max3A_29 : vector<128x128xf32>
    %get3A_31 = arith.constant 0 : index
    %get3A_32 = arith.constant 0 : index
    %get3A_33 = vector.load %arg7[%get3A_31, %get3A_32] : memref<128x1xf32, #tpu.memory_space<vmem>>, vector<128x1xf32>
    %dot_general3A_34 = arith.constant dense<0.000000e+00> : vector<128x1xf32>
    %dot_general3A_35 = tpu.matmul %max3A_30, %get3A_33, %dot_general3A_34 {dimension_numbers = #tpu.dot_dimension_numbers<[1], [0], [0], [1], [0, 0, 1, 1], [], []>, transpose_lhs_hint = false} : vector<128x128xf32>, vector<128x1xf32>, vector<128x1xf32> -> vector<128x1xf32>
    %get3A_36 = arith.constant 0 : index
    %get3A_37 = arith.constant 0 : index
    %get3A_38 = vector.load %arg8[%get3A_36, %get3A_37] : memref<1x1xf32, #tpu.memory_space<vmem>>, vector<1x1xf32>
    %add3A_39 = vector.broadcast %get3A_38 : vector<1x1xf32> to vector<128x1xf32>
    %add3A_40 = arith.addf %dot_general3A_35, %add3A_39 : vector<128x1xf32>
    %swap3A = arith.constant 0 : index
    %swap3A_41 = arith.constant 0 : index
    %swap3A_42 = vector.load %arg9[%swap3A, %swap3A_41] : memref<128x1xf32, #tpu.memory_space<vmem>>, vector<128x1xf32>
    tpu.vector_store %arg9[%swap3A, %swap3A_41], %add3A_40 {strides = array<i32>} : memref<128x1xf32, #tpu.memory_space<vmem>>, vector<128x1xf32>,
    return
  }
}

</mosaic_0001>

<sc_bundles>
// kernel: kernel.10.cloned.1.call-start
scs
__scs_entry_jumppad:
0x0: {  	(pc) =	sbr.rel $0x88, $3  }
0x1: {  	(tag) =	ssettag $0x0;
	lr =	simm.s32 $0x1  }
0x2: {  	[smem:$0x3F86] =	sst lr;
	_ =	strace $0xD0000000  }
0x3: {  	_ = 	snop  }
0x4: {  	_ = 	snop  }
0x5: {  	_ = 	snop  }
0x6: {  	_ = 	snop  }
0x7: {  	_ = 	snop  }
__scs_overlays_trampoline_lowered:
0x8: {  	[smem:$0x3F95] =	sst s0  }
0x9: {  	[smem:$0x3F96] =	sst s1  }
0xa: {  	[smem:$0x3F97] =	sst s2  }
0xb: {  	[smem:$0x3F98] =	sst s3  }
0xc: {  	[smem:$0x3F99] =	sst s4  }
0xd: {  	[smem:$0x3F9A] =	sst s5  }
0xe: {  	[smem:$0x3F9B] =	sst s6  }
0xf: {  	[smem:$0x3F9C] =	sst s7  }
0x10: {  	[smem:$0x3F9D] =	sst s8  }
0x11: {  	[smem:$0x3F9E] =	sst s9;
	s0 =	simm.s32 @!p0 $0x0  }
0x12: {  	s1 =	sld [smem:$0x3F84];
	s0 =	simm.s32 @p0 $0x1  }
0x13: {  	[smem:$0x3F9F] =	sst s0;
	s0 =	simm.s32 @!p1 $0x0  }
0x14: {  	s2 =	sld [smem:$0x3F83];
	s0 =	simm.s32 @p1 $0x1  }
0x15: {  	[smem:$0x3FA0] =	sst s0;
	s0 =	simm.s32 @!p2 $0x0  }
0x16: {  	s3 =	sld [smem:$0x3FDB];
	s0 =	simm.s32 @p2 $0x1  }
0x17: {  	s4 =	simm.s32 $0x1BF5;
	[smem:$0x3FA2] =	sst s0  }
0x18: {  	s0 =	sld [smem:$0x3F85];
	_ =	swait.ge [sflag:s4], $0x0  }
0x19: {  	s7 =	sld [smem:$0x3F86]  }
0x1a: {  	s8 =	sadd.s32 $0xFFFFE003, lr  }
0x1b: {  	s9 =	sadd.s32 $0xFFFFFEF7, lr;
	s5 =	simm.s32 $0xFFFFFFFF;
	p2 =	slt.u32 s8, $0xFFFFF086  }
0x1c: {  	p1 =	slt.u32 s9, $0xF7A;
	s5 =	simm.s32 @!p2 $0x0  }
0x1d: {  	s5 =	simm.s32 @p1 $0x1;
	p0 =	seq.s32 s7, s2  }
0x1e: {  	s7 =	smul.u32 @!p0 $0xF7A, s2;
	p2 =	seq.s32 @!p0 s5, $0x0  }
0x1f: {  	s9 =	smul.u32 $0xF7A, s1;
	s8 =	simm.s32 @!p0 $0x1BF5;
	p2 =	por !p2, p0  }
0x20: {  	[sflag:s8] =	ssyncset.s32 @!p0 $0xFFFFF086;
	s6 =	sadd.s32 @!p0 s3, s7;
	s7 =	simm.s32 @!p0 $0x108  }
0x21: {  	s3 =	sadd.s32 s3, s9;
	s6 =	sadd.s32 @!p0 $0x88, s6;
	s7 =	simm.s32 @p2 $0x1082  }
0x22: {  	[simem:s7], [sflag:s8] =	dma.local @!p0 [hbm:s6], $0xF7A  }
0x23: {  	s9 =	sor.u32 $0xD0000000, s2;
	s6 =	simm.s32 $0x108;
	_ =	swait.ge @!p0 [sflag:s8], $0x0  }
0x24: {  	s3 =	sadd.s32 $0x88, s3;
	s6 =	simm.s32 @!p1 $0x1082;
	[sflag:s4] =	ssyncset.s32 $0xFFFFF086  }
0x25: {  	[simem:s6], [sflag:s4] =	dma.local [hbm:s3], $0xF7A  }
0x26: {  	[smem:$0x3F86] =	sst s1;
	(tag) =	ssettag s2;
	_ =	strace s9  }
0x27: {  	s1 =	sld [smem:$0x3F96]  }
0x28: {  	s2 =	sld [smem:$0x3F97]  }
0x29: {  	s4 =	sld [smem:$0x3F99]  }
0x2a: {  	p0 =	seq.s32 s5, $0x0;
	s5 =	sld [smem:$0x3F9A]  }
0x2b: {  	s6 =	sld [smem:$0x3F9B]  }
0x2c: {  	s7 =	sld [smem:$0x3F9C]  }
0x2d: {  	s3 =	simm.s32 $0x108;
	s8 =	sld [smem:$0x3F9D]  }
0x2e: {  	s3 =	simm.s32 @!p0 $0x1082;
	s9 =	sld [smem:$0x3F9E]  }
0x2f: {  	lr =	sadd.s32 s0, s3;
	s0 =	sld [smem:$0x3F95]  }
0x30: {  	s3 =	sld [smem:$0x3F98]  }
0x31: {  	[smem:$0x3FA1] =	sst s10  }
0x32: {  	s10 =	sld [smem:$0x3F9F];
	_ =	sdelay $0x3  }
0x33: {  	p0 =	seq.s32 s10, $0x1;
	s10 =	sld [smem:$0x3FA1];
	_ =	sdelay $0x3  }
0x34: {  	[smem:$0x3FA1] =	sst s10  }
0x35: {  	s10 =	sld [smem:$0x3FA0];
	_ =	sdelay $0x3  }
0x36: {  	p1 =	seq.s32 s10, $0x1;
	s10 =	sld [smem:$0x3FA1];
	_ =	sdelay $0x3  }
0x37: {  	[smem:$0x3FA1] =	sst s10  }
0x38: {  	s10 =	sld [smem:$0x3FA2]  }
0x39: {  	_ = 	snop;
	(pc) =	sbr.ind lr, $3  }
0x3a: {  	_ = 	snop  }
0x3b: {  	_ = 	snop  }
0x3c: {  	p2 =	seq.s32 s10, $0x1;
	s10 =	sld [smem:$0x3FA1]  }
0x3d: {  	_ =	shalt  }
0x3e: {  	_ =	shalt  }
0x3f: {  	_ =	shalt  }
0x40: {  	_ =	shalt  }
0x41: {  	_ =	shalt  }
0x42: {  	_ =	shalt  }
0x43: {  	_ =	shalt  }
0x44: {  	_ =	shalt  }
0x45: {  	_ =	shalt  }
0x46: {  	_ =	shalt  }
0x47: {  	_ =	shalt  }
0x48: {  	_ =	shalt  }
0x49: {  	_ =	shalt  }
0x4a: {  	_ =	shalt  }
0x4b: {  	_ =	shalt  }
0x4c: {  	_ =	shalt  }
0x4d: {  	_ =	shalt  }
0x4e: {  	_ =	shalt  }
0x4f: {  	_ =	shalt  }
0x50: {  	_ =	shalt  }
0x51: {  	_ =	shalt  }
0x52: {  	_ =	shalt  }
0x53: {  	_ =	shalt  }
0x54: {  	_ =	shalt  }
0x55: {  	_ =	shalt  }
0x56: {  	_ =	shalt  }
0x57: {  	_ =	shalt  }
0x58: {  	_ =	shalt  }
0x59: {  	_ =	shalt  }
0x5a: {  	_ =	shalt  }
0x5b: {  	_ =	shalt  }
0x5c: {  	_ =	shalt  }
0x5d: {  	_ =	shalt  }
0x5e: {  	_ =	shalt  }
0x5f: {  	_ =	shalt  }
0x60: {  	_ =	shalt  }
0x61: {  	_ =	shalt  }
0x62: {  	_ =	shalt  }
0x63: {  	_ =	shalt  }
0x64: {  	_ =	shalt  }
0x65: {  	_ =	shalt  }
0x66: {  	_ =	shalt  }
0x67: {  	_ =	shalt  }
0x68: {  	_ =	shalt  }
0x69: {  	_ =	shalt  }
0x6a: {  	_ =	shalt  }
0x6b: {  	_ =	shalt  }
0x6c: {  	_ =	shalt  }
0x6d: {  	_ =	shalt  }
0x6e: {  	_ =	shalt  }
0x6f: {  	_ =	shalt  }
0x70: {  	_ =	shalt  }
0x71: {  	_ =	shalt  }
0x72: {  	_ =	shalt  }
0x73: {  	_ =	shalt  }
0x74: {  	_ =	shalt  }
0x75: {  	_ =	shalt  }
0x76: {  	_ =	shalt  }
0x77: {  	_ =	shalt  }
0x78: {  	_ =	shalt  }
0x79: {  	_ =	shalt  }
0x7a: {  	_ =	shalt  }
0x7b: {  	_ =	shalt  }
0x7c: {  	_ =	shalt  }
0x7d: {  	_ =	shalt  }
0x7e: {  	_ =	shalt  }
0x7f: {  	_ =	shalt  }
0x80: {  	_ =	shalt  }
0x81: {  	_ =	shalt  }
0x82: {  	_ =	shalt  }
0x83: {  	_ =	shalt  }
0x84: {  	_ =	shalt  }
0x85: {  	_ =	shalt  }
0x86: {  	_ =	shalt  }
0x87: {  	_ =	shalt  }
.Lfunc_end0:
.L_simem_size_0:
called_computation_lowered:
.L_overlay_start_0:
0x88: {  	s2 =	sld [smem:$0x3FD9]  }
0x89: {  	s3 =	sld [smem:$0x3FFE];
	_ =	sdelay $0x1  }
0x8a: {  	s1 =	srdreg.scid  }
0x8b: {  	s0 =	sand.u32 $0x1, s1  }
0x8c: {  	s17 =	sshll.u32 s0, $0xA;
	s2 =	sadd.s32 s3, s2  }
0x8d: {  	s2 =	sadd.s32 s2, s17  }
0x8e: {  	[smem:$0x3FAD] =	sst s2  }
0x8f: {  	_ = 	snop  }
0x90: {  	s2 =	sld [smem:$0x3FC8]  }
0x91: {  	s18 =	sld [smem:$0x3FC5];
	(tm) =	ssettm $0x1  }
0x92: {  	s4 =	sld [smem:$0x3FFB];
	_ =	sdelay $0x3  }
0x93: {  	_ =	strace s4  }
0x94: {  	s4 =	sld [smem:$0x3FFC];
	_ =	sdelay $0x3  }
0x95: {  	_ =	strace s4  }
0x96: {  	s4 =	sld [smem:$0x3FFD];
	_ =	sdelay $0x3  }
0x97: {  	_ =	strace s4  }
0x98: {  	_ =	strace $0x8FFFFFFF  }
0x99: {  	s19 =	sld [smem:$0x3FDB];
	_ =	sdelay $0x1  }
0x9a: {  	s5 =	simm.s32 $_scs_section_size  }
0x9b: {  	s6 =	simm.s32 $_size__tile_overlayer_lowered;
	s7 =	simm.s32 $_tile_overlayer_lowered  }
0x9c: {  	s22 =	simm.s32 $0x1BFF;
	s21 =	sshll.u32 s7, $0x1;
	s4 =	sadd.s32 s5, s19  }
0x9d: {  	s8 =	simm.s32 $0x0;
	s20 =	sshll.u32 s6, $0x1;
	s6 =	sadd.s32 s21, s4  }
0x9e: {  	[timem:s8], [sflag:s22] =	dma.local [hbm:s6], s20  }
0x9f: {  	_ =	swait.ge [sflag:s22], s20  }
0xa0: {  	s5 =	ssub.s32 $0x0, s20;
	[sflag:s22] =	ssyncset.done $0x0  }
0xa1: {  	[sflag:s22] =	ssyncadd.s32 s5;
	_ =	sdelay $0x1  }
0xa2: {  	s23 =	simm.s32 $0x1B8B  }
0xa3: {  	_ =	swait.ge [sflag:s23], $0x1  }
0xa4: {  	[sflag:s23] =	ssyncset.done $0x0  }
0xa5: {  	s25 =	simm.s32 $0x1B8E;
	s24 =	sld [smem:$0x3FFE];
	[sflag:s23] =	ssyncadd.s32 $0xFFFFFFFF  }
0xa6: {  	s26 =	simm.s32 $execute0_lowered;
	[smem:$0x3FD2] =	sst s25  }
0xa7: {  	s6 =	sshll.u32 s26, $0x1;
	_ =	strace $0x80000046;
	[dreg:$0x1] =	wrdreg $0xFFFFFFFF  }
0xa8: {  	s28 =	simm.s32 $_size_execute0_lowered;
	s4 =	sadd.s32 s4, s6;
	[dreg:$0x0] =	wrdreg $0x0  }
0xa9: {  	s6 =	sshll.u32 s28, $0x1;
	[dreg:$0x2] =	wrdreg s4  }
0xaa: {  	[dreg:$0x3] =	wrdreg s6  }
0xab: {  	[dreg:$0x4] =	wrdreg $0xC0  }
0xac: {  	_ =	task [dreg:s8], $0x5FFFF  }
0xad: {  	[dreg:$0x1] =	wrdreg $0xFFFFFFFF  }
0xae: {  	[dreg:$0x0] =	wrdreg $0x60  }
0xaf: {  	[dreg:$0x2] =	wrdreg s2  }
0xb0: {  	[dreg:$0x3] =	wrdreg s18  }
0xb1: {  	[dreg:$0x4] =	wrdreg s24  }
0xb2: {  	[dreg:$0x5] =	wrdreg $0x9  }
0xb3: {  	_ =	task.clear_ibuf [dreg:s8], $0x6FFFF;
	_ =	strace $0x90000046  }
0xb4: {  	s29 =	simm.s32 $0x9;
	_ =	strace $0x80000048  }
0xb5: {  	_ =	swait.ge [sflag:s29], $0x1  }
0xb6: {  	[sflag:s29] =	ssyncadd.s32 $0xFFFFFFFF  }
0xb7: {  	_ =	strace $0x90000048  }
0xb8: {  	_ =	sfence  }
0xb9: {  	s30 =	sld [smem:$0x0];
	_ =	sdelay $0x2  }
0xba: {  	s31 =	sshll.u32 s1, $0xD;
	s1 =	sshrl.u32 s1, $0x2  }
0xbb: {  	s3 =	sand.u32 $0x4000, s31;
	s1 =	sadd.s32 s1, s30  }
0xbc: {  	s0 =	sor.u32 s3, s0;
	s1 =	sshll.u32 s1, $0x11  }
0xbd: {  	s0 =	sor.u32 s1, s0  }
0xbe: {  	s0 =	sadd.s32 $0x8F2B, s0  }
0xbf: {  	[sflag:s0] =	ssyncadd.remote.s32 $0x1  }
0xc0: {  	_ =	sfence.sel $0xFFFF  }
0xc1: {  	[dreg:$0x0] =	wrdreg $0xFFFFFFFF;
	(pc) =	sbr.abs _section_cstart, $3  }
0xc2: {  	[dreg:$0x1] =	wrdreg $0xFFFFFFFF  }
0xc3: {  	_ =	task.clear_ibuf [dreg:s8], $0x2FFFF;
	_ =	strace $0x9FFFFFFF  }
0xc4: {  	(tm) =	ssettm $0x7FFFFFFF  }
0xc5: {  	_ =	shalt  }
tec
execute0_lowered:
.L_overlay_start_1:
0x0: {  	(tag) =	ssettag $0x1  }
0x1: {  	s1 =	srdreg.scid;
	s0 =	stileid.u32  }
0x2: {  	s24 =	rddreg [dreg:$0x0];
	s1 =	sand.u32 $0x1, s1;
	s3 =	sshll.u32 s0, $0x1  }
0x3: {  	s2 =	rddreg [dreg:$0x1];
	s25 =	sor.u32 s1, s3  }
0x4: {  	s9 =	rddreg [dreg:$0x2];
	s3 =	simm.s32 $0x0;
	s4 =	smul.u32 $0x28, s25  }
0x5: {  	[smem:$0x7FF] =	sst s3  }
0x6: {  	s5 =	simm.s32 $0x2;
	_ =	strace $0x80000047;
	s4 =	sadd.s32 s24, s4  }
0x7: {  	[tilespmem:s3], [sflag:$0x2] =	stream.linear.gather [hbm4b:s4+s3], $0x50, $0x38;
	[tilespmem:$0x2880] =	vst v63  }
0x8: {  	_ =	swait.ge [sflag:s5], $0x50  }
0x9: {  	s6 =	simm.s32 $0x50;
	[sflag:s5] =	ssyncset.done $0x0  }
0xa: {  	s7 =	simm.s32 $0x80;
	s8 =	simm.s32 $0x1;
	[sflag:s5] =	ssyncadd.s32 $0xFFFFFFB0  }
0xb: {  	[tilespmem:s7], [sflag:$0x1] =	stream.indirect.gather [hbm4b:s2+s6], $0x80, s3, s6, $0xb8;
	[tilespmem:$0x2880] =	vst v63  }
0xc: {  	s10 =	smul.u32 $0x1400, s25;
	_ =	swait.ge [sflag:s8], $0x2800  }
0xd: {  	s0 =	sadd.s32 $0x5400, s9;
	s16 =	sshll.u32 s25, $0x2;
	[sflag:s8] =	ssyncset.done $0x0  }
0xe: {  	s17 =	sor.u32 $0x1, s16;
	s9 =	sadd.s32 s0, s10;
	[sflag:s8] =	ssyncadd.s32 $0xFFFFD800  }
0xf: {  	[hbm4b:s9+s3] =	stream.linear.scatter [tilespmem:s7], [sflag:$0x2], $0x2800, $0x38;
	[tilespmem:$0x2880] =	vst v63  }
0x10: {  	p0 =	seq.s32 s25, $0x1F;
	s23 =	smul.u32 $0xA, s17;
	_ =	swait.ge [sflag:s5], $0x2800  }
0x11: {  	s11 =	simm.s32 @!p0 $0x0;
	[sflag:s5] =	ssyncset.done $0x0  }
0x12: {  	s12 =	simm.s32 @!p0 $0x2;
	s10 =	sadd.s32 s24, s23;
	[sflag:s5] =	ssyncadd.s32 $0xFFFFD800  }
0x13: {  	[tilespmem:s11], [sflag:$0x2] =	stream.linear.gather @!p0 [hbm4b:s10+s11], $0x50, $0x38;
	[tilespmem:$0x2880] =	vst v63  }
0x14: {  	_ =	swait.ge @!p0 [sflag:s12], $0x50  }
0x15: {  	s13 =	simm.s32 @!p0 $0x1;
	[sflag:s12] =	ssyncset.done @!p0 $0x0  }
0x16: {  	s14 =	simm.s32 @!p0 $0x50;
	s15 =	simm.s32 @!p0 $0x80;
	[sflag:s12] =	ssyncadd.s32 @!p0 $0xFFFFFFB0  }
0x17: {  	[tilespmem:s15], [sflag:$0x1] =	stream.indirect.gather @!p0 [hbm4b:s2+s14], $0x80, s11, s14, $0xb8;
	[tilespmem:$0x2880] =	vst v63  }
0x18: {  	s17 =	smul.u32 $0x500, s17;
	_ =	swait.ge @!p0 [sflag:s13], $0x2800  }
0x19: {  	s23 =	sor.u32 $0x2, s16;
	[sflag:s13] =	ssyncset.done @!p0 $0x0  }
0x1a: {  	s16 =	sadd.s32 s0, s17;
	[dreg:$0x4] =	wrdreg s0;
	[sflag:s13] =	ssyncadd.s32 @!p0 $0xFFFFD800  }
0x1b: {  	[hbm4b:s16+s11] =	stream.linear.scatter @!p0 [tilespmem:s15], [sflag:$0x2], $0x2800, $0x38;
	[tilespmem:$0x2880] =	vst v63  }
0x1c: {  	s26 =	smul.u32 $0xA, s23;
	p1 =	sgt.u32 s23, $0x7C;
	_ =	swait.ge @!p0 [sflag:s12], $0x2800  }
0x1d: {  	s18 =	simm.s32 @!p1 $0x0;
	[sflag:s12] =	ssyncset.done @!p0 $0x0  }
0x1e: {  	s19 =	simm.s32 @!p1 $0x2;
	s17 =	sadd.s32 s24, s26;
	[sflag:s12] =	ssyncadd.s32 @!p0 $0xFFFFD800  }
0x1f: {  	[tilespmem:s18], [sflag:$0x2] =	stream.linear.gather @!p1 [hbm4b:s17+s18], $0x50, $0x38;
	[tilespmem:$0x2880] =	vst v63  }
0x20: {  	_ =	swait.ge @!p1 [sflag:s19], $0x50  }
0x21: {  	s20 =	simm.s32 @!p1 $0x50;
	[sflag:s19] =	ssyncset.done @!p1 $0x0  }
0x22: {  	s21 =	simm.s32 @!p1 $0x80;
	s22 =	simm.s32 @!p1 $0x1;
	[sflag:s19] =	ssyncadd.s32 @!p1 $0xFFFFFFB0  }
0x23: {  	[tilespmem:s21], [sflag:$0x1] =	stream.indirect.gather @!p1 [hbm4b:s2+s20], $0x80, s18, s20, $0xb8;
	[tilespmem:$0x2880] =	vst v63  }
0x24: {  	s1 =	ssub.s32 $0x2, s1;
	s23 =	smul.u32 $0x500, s23;
	_ =	swait.ge @!p1 [sflag:s22], $0x2800  }
0x25: {  	s31 =	sshrl.u32 s1, $0x1;
	[sflag:s22] =	ssyncset.done @!p1 $0x0  }
0x26: {  	s23 =	sadd.s32 s0, s23;
	s0 =	sshllo.u32 s25, $0x2;
	[sflag:s22] =	ssyncadd.s32 @!p1 $0xFFFFD800  }
0x27: {  	[hbm4b:s23+s18] =	stream.linear.scatter @!p1 [tilespmem:s21], [sflag:$0x2], $0x2800, $0x38;
	[tilespmem:$0x2880] =	vst v63  }
0x28: {  	s25 =	smul.u32 $0xA, s0;
	p2 =	sgt.u32 s0, $0x7C;
	_ =	swait.ge @!p1 [sflag:s19], $0x2800  }
0x29: {  	s1 =	ssub.s32 s1, s31;
	s26 =	simm.s32 @!p2 $0x0;
	[sflag:s19] =	ssyncset.done @!p1 $0x0  }
0x2a: {  	s25 =	sadd.s32 s24, s25;
	s24 =	simm.s32 @!p2 $0x2;
	[sflag:s19] =	ssyncadd.s32 @!p1 $0xFFFFD800  }
0x2b: {  	[tilespmem:s26], [sflag:$0x2] =	stream.linear.gather @!p2 [hbm4b:s25+s26], $0x50, $0x38;
	[tilespmem:$0x2880] =	vst v63  }
0x2c: {  	s1 =	smax.u32 s1, $0x1;
	_ =	swait.ge @!p2 [sflag:s24], $0x50  }
0x2d: {  	s1 =	sadd.s32 $0xFFFFFFFF, s1;
	s28 =	simm.s32 @!p2 $0x50;
	[sflag:s24] =	ssyncset.done @!p2 $0x0  }
0x2e: {  	s29 =	simm.s32 @!p2 $0x80;
	s30 =	simm.s32 @!p2 $0x1;
	[sflag:s24] =	ssyncadd.s32 @!p2 $0xFFFFFFB0  }
0x2f: {  	[tilespmem:s29], [sflag:$0x1] =	stream.indirect.gather @!p2 [hbm4b:s2+s28], $0x80, s26, s28, $0xb8;
	[tilespmem:$0x2880] =	vst v63  }
0x30: {  	p3 =	sne.s32 s1, $0x0;
	s0 =	smul.u32 $0x500, s0;
	_ =	swait.ge @!p2 [sflag:s30], $0x2800  }
.Ltmp0:
0x31: {  	[sflag:s30] =	ssyncset.done @!p2 $0x0;
	s31 =	rddreg [dreg:$0x4];
	(pc) =	sbr.rel @!p3 .LBB2_2-.Ltmp0, $4  }
0x32: {  	s31 =	sadd.s32 s31, s0;
	[sflag:s30] =	ssyncadd.s32 @!p2 $0xFFFFD800  }
0x33: {  	[hbm4b:s31+s26] =	stream.linear.scatter @!p2 [tilespmem:s29], [sflag:$0x2], $0x2800, $0x38;
	[tilespmem:$0x2880] =	vst v63  }
0x34: {  	_ =	swait.ge @!p2 [sflag:s24], $0x2800  }
0x35: {  	[sflag:s24] =	ssyncset.done @!p2 $0x0  }
.LBB2_1:
0x36: {  	s1 =	sadd.s32 $0xFFFFFFFF, s1;
	[sflag:s24] =	ssyncadd.s32 @!p2 $0xFFFFD800  }
0x37: {  	[tilespmem:s3], [sflag:$0x2] =	stream.linear.gather [hbm4b:s4+s3], $0x50, $0x38;
	[tilespmem:$0x2880] =	vst v63  }
0x38: {  	p3 =	sne.s32 s1, $0x0;
	_ =	swait.ge [sflag:s5], $0x50  }
0x39: {  	[sflag:s5] =	ssyncset.done $0x0  }
0x3a: {  	[sflag:s5] =	ssyncadd.s32 $0xFFFFFFB0  }
0x3b: {  	[tilespmem:s7], [sflag:$0x1] =	stream.indirect.gather [hbm4b:s2+s6], $0x80, s3, s6, $0xb8;
	[tilespmem:$0x2880] =	vst v63  }
0x3c: {  	_ =	swait.ge [sflag:s8], $0x2800  }
0x3d: {  	[sflag:s8] =	ssyncset.done $0x0  }
0x3e: {  	[sflag:s8] =	ssyncadd.s32 $0xFFFFD800  }
0x3f: {  	[hbm4b:s9+s3] =	stream.linear.scatter [tilespmem:s7], [sflag:$0x2], $0x2800, $0x38;
	[tilespmem:$0x2880] =	vst v63  }
0x40: {  	_ =	swait.ge [sflag:s5], $0x2800  }
0x41: {  	[sflag:s5] =	ssyncset.done $0x0  }
0x42: {  	[sflag:s5] =	ssyncadd.s32 $0xFFFFD800  }
0x43: {  	[tilespmem:s11], [sflag:$0x2] =	stream.linear.gather @!p0 [hbm4b:s10+s11], $0x50, $0x38;
	[tilespmem:$0x2880] =	vst v63  }
0x44: {  	_ =	swait.ge @!p0 [sflag:s12], $0x50  }
0x45: {  	[sflag:s12] =	ssyncset.done @!p0 $0x0  }
0x46: {  	[sflag:s12] =	ssyncadd.s32 @!p0 $0xFFFFFFB0  }
0x47: {  	[tilespmem:s15], [sflag:$0x1] =	stream.indirect.gather @!p0 [hbm4b:s2+s14], $0x80, s11, s14, $0xb8;
	[tilespmem:$0x2880] =	vst v63  }
0x48: {  	_ =	swait.ge @!p0 [sflag:s13], $0x2800  }
0x49: {  	[sflag:s13] =	ssyncset.done @!p0 $0x0  }
0x4a: {  	[sflag:s13] =	ssyncadd.s32 @!p0 $0xFFFFD800  }
0x4b: {  	[hbm4b:s16+s11] =	stream.linear.scatter @!p0 [tilespmem:s15], [sflag:$0x2], $0x2800, $0x38;
	[tilespmem:$0x2880] =	vst v63  }
0x4c: {  	_ =	swait.ge @!p0 [sflag:s12], $0x2800  }
0x4d: {  	[sflag:s12] =	ssyncset.done @!p0 $0x0  }
0x4e: {  	[sflag:s12] =	ssyncadd.s32 @!p0 $0xFFFFD800  }
0x4f: {  	[tilespmem:s18], [sflag:$0x2] =	stream.linear.gather @!p1 [hbm4b:s17+s18], $0x50, $0x38;
	[tilespmem:$0x2880] =	vst v63  }
0x50: {  	_ =	swait.ge @!p1 [sflag:s19], $0x50  }
0x51: {  	[sflag:s19] =	ssyncset.done @!p1 $0x0  }
0x52: {  	[sflag:s19] =	ssyncadd.s32 @!p1 $0xFFFFFFB0  }
0x53: {  	[tilespmem:s21], [sflag:$0x1] =	stream.indirect.gather @!p1 [hbm4b:s2+s20], $0x80, s18, s20, $0xb8;
	[tilespmem:$0x2880] =	vst v63  }
0x54: {  	_ =	swait.ge @!p1 [sflag:s22], $0x2800  }
0x55: {  	[sflag:s22] =	ssyncset.done @!p1 $0x0  }
0x56: {  	[sflag:s22] =	ssyncadd.s32 @!p1 $0xFFFFD800  }
0x57: {  	[hbm4b:s23+s18] =	stream.linear.scatter @!p1 [tilespmem:s21], [sflag:$0x2], $0x2800, $0x38;
	[tilespmem:$0x2880] =	vst v63  }
0x58: {  	_ =	swait.ge @!p1 [sflag:s19], $0x2800  }
0x59: {  	[sflag:s19] =	ssyncset.done @!p1 $0x0  }
0x5a: {  	[sflag:s19] =	ssyncadd.s32 @!p1 $0xFFFFD800  }
0x5b: {  	[tilespmem:s26], [sflag:$0x2] =	stream.linear.gather @!p2 [hbm4b:s25+s26], $0x50, $0x38;
	[tilespmem:$0x2880] =	vst v63  }
0x5c: {  	_ =	swait.ge @!p2 [sflag:s24], $0x50  }
0x5d: {  	[sflag:s24] =	ssyncset.done @!p2 $0x0  }
0x5e: {  	[sflag:s24] =	ssyncadd.s32 @!p2 $0xFFFFFFB0  }
0x5f: {  	[tilespmem:s29], [sflag:$0x1] =	stream.indirect.gather @!p2 [hbm4b:s2+s28], $0x80, s26, s28, $0xb8;
	[tilespmem:$0x2880] =	vst v63  }
0x60: {  	_ =	swait.ge @!p2 [sflag:s30], $0x2800  }
.Ltmp1:
0x61: {  	[sflag:s30] =	ssyncset.done @!p2 $0x0;
	(pc) =	sbr.rel @p3 .LBB2_1-.Ltmp1, $4  }
0x62: {  	[sflag:s30] =	ssyncadd.s32 @!p2 $0xFFFFD800  }
0x63: {  	[hbm4b:s31+s26] =	stream.linear.scatter @!p2 [tilespmem:s29], [sflag:$0x2], $0x2800, $0x38;
	[tilespmem:$0x2880] =	vst v63  }
0x64: {  	_ =	swait.ge @!p2 [sflag:s24], $0x2800  }
0x65: {  	[sflag:s24] =	ssyncset.done @!p2 $0x0  }
.LBB2_2:
0x66: {  	[sflag:s24] =	ssyncadd.s32 @!p2 $0xFFFFD800  }
0x67: {  	_ =	sfence.sel $0x180000  }
0x68: {  	[bflag:$0x0] =	sbarrier.arrive $0xFFFF  }
0x69: {  	_ =	strace $0x90000047  }
0x6a: {  	s0 =	stileid.u32;
	[bflag:$0x2] =	sbarrier.arrive $0xFFFF  }
0x6b: {  	p0 =	sne.s32 s0, $0x0;
	s0 =	rddreg [dreg:$0x3]  }
0x6c: {  	s0 =	sadd.s32 @!p0 $0x100000, s0  }
0x6d: {  	[sflag:s0] =	ssyncadd.tile.s32 @!p0 $0x1;
	_ =	shalt  }
.Lfunc_end2:
_tile_overlayer_lowered:
.L_overlay_start_2:
0x6e: {  	(tag) =	ssettag $0x2  }
0x6f: {  	s0 =	rddreg [dreg:$0x0];
	s2 =	stileid.u32  }
0x70: {  	s1 =	rddreg [dreg:$0x1];
	p0 =	sne.s32 s2, $0x0  }
0x71: {  	s3 =	rddreg [dreg:$0x2];
	[bflag:$0x3] =	sbarrier.arrive $0xFFFF;
	s2 =	simm.s32 @!p0 $0x1C02  }
0x72: {  	[timem:s3], [sflag:s2] =	dma.local @!p0 [hbm:s0], s1  }
0x73: {  	s0 =	simm.s32 @!p0 $0x2  }
0x74: {  	_ =	swait.ge @!p0 [sflag:s0], s1  }
0x75: {  	s1 =	ssub.s32 @!p0 $0x0, s1;
	[sflag:s0] =	ssyncset.done @!p0 $0x0  }
0x76: {  	[sflag:s0] =	ssyncadd.s32 @!p0 s1  }
0x77: {  	[bflag:$0x3] =	sbarrier.arrive $0xFFFF  }
0x78: {  	_ =	shalt  }

// kernel: kernel.13.cloned.1.call-start
scs
__scs_entry_jumppad:
0x0: {  	(pc) =	sbr.rel $0x88, $3  }
0x1: {  	(tag) =	ssettag $0x0;
	lr =	simm.s32 $0x1  }
0x2: {  	[smem:$0x3F86] =	sst lr;
	_ =	strace $0xD0000000  }
0x3: {  	_ = 	snop  }
0x4: {  	_ = 	snop  }
0x5: {  	_ = 	snop  }
0x6: {  	_ = 	snop  }
0x7: {  	_ = 	snop  }
__scs_overlays_trampoline_lowered:
0x8: {  	[smem:$0x3F95] =	sst s0  }
0x9: {  	[smem:$0x3F96] =	sst s1  }
0xa: {  	[smem:$0x3F97] =	sst s2  }
0xb: {  	[smem:$0x3F98] =	sst s3  }
0xc: {  	[smem:$0x3F99] =	sst s4  }
0xd: {  	[smem:$0x3F9A] =	sst s5  }
0xe: {  	[smem:$0x3F9B] =	sst s6  }
0xf: {  	[smem:$0x3F9C] =	sst s7  }
0x10: {  	[smem:$0x3F9D] =	sst s8  }
0x11: {  	[smem:$0x3F9E] =	sst s9;
	s0 =	simm.s32 @!p0 $0x0  }
0x12: {  	s1 =	sld [smem:$0x3F84];
	s0 =	simm.s32 @p0 $0x1  }
0x13: {  	[smem:$0x3F9F] =	sst s0;
	s0 =	simm.s32 @!p1 $0x0  }
0x14: {  	s2 =	sld [smem:$0x3F83];
	s0 =	simm.s32 @p1 $0x1  }
0x15: {  	[smem:$0x3FA0] =	sst s0;
	s0 =	simm.s32 @!p2 $0x0  }
0x16: {  	s3 =	sld [smem:$0x3FDB];
	s0 =	simm.s32 @p2 $0x1  }
0x17: {  	s4 =	simm.s32 $0x1BF5;
	[smem:$0x3FA2] =	sst s0  }
0x18: {  	s0 =	sld [smem:$0x3F85];
	_ =	swait.ge [sflag:s4], $0x0  }
0x19: {  	s7 =	sld [smem:$0x3F86]  }
0x1a: {  	s8 =	sadd.s32 $0xFFFFE003, lr  }
0x1b: {  	s9 =	sadd.s32 $0xFFFFFEF7, lr;
	s5 =	simm.s32 $0xFFFFFFFF;
	p2 =	slt.u32 s8, $0xFFFFF086  }
0x1c: {  	p1 =	slt.u32 s9, $0xF7A;
	s5 =	simm.s32 @!p2 $0x0  }
0x1d: {  	s5 =	simm.s32 @p1 $0x1;
	p0 =	seq.s32 s7, s2  }
0x1e: {  	s7 =	smul.u32 @!p0 $0xF7A, s2;
	p2 =	seq.s32 @!p0 s5, $0x0  }
0x1f: {  	s9 =	smul.u32 $0xF7A, s1;
	s8 =	simm.s32 @!p0 $0x1BF5;
	p2 =	por !p2, p0  }
0x20: {  	[sflag:s8] =	ssyncset.s32 @!p0 $0xFFFFF086;
	s6 =	sadd.s32 @!p0 s3, s7;
	s7 =	simm.s32 @!p0 $0x108  }
0x21: {  	s3 =	sadd.s32 s3, s9;
	s6 =	sadd.s32 @!p0 $0x88, s6;
	s7 =	simm.s32 @p2 $0x1082  }
0x22: {  	[simem:s7], [sflag:s8] =	dma.local @!p0 [hbm:s6], $0xF7A  }
0x23: {  	s9 =	sor.u32 $0xD0000000, s2;
	s6 =	simm.s32 $0x108;
	_ =	swait.ge @!p0 [sflag:s8], $0x0  }
0x24: {  	s3 =	sadd.s32 $0x88, s3;
	s6 =	simm.s32 @!p1 $0x1082;
	[sflag:s4] =	ssyncset.s32 $0xFFFFF086  }
0x25: {  	[simem:s6], [sflag:s4] =	dma.local [hbm:s3], $0xF7A  }
0x26: {  	[smem:$0x3F86] =	sst s1;
	(tag) =	ssettag s2;
	_ =	strace s9  }
0x27: {  	s1 =	sld [smem:$0x3F96]  }
0x28: {  	s2 =	sld [smem:$0x3F97]  }
0x29: {  	s4 =	sld [smem:$0x3F99]  }
0x2a: {  	p0 =	seq.s32 s5, $0x0;
	s5 =	sld [smem:$0x3F9A]  }
0x2b: {  	s6 =	sld [smem:$0x3F9B]  }
0x2c: {  	s7 =	sld [smem:$0x3F9C]  }
0x2d: {  	s3 =	simm.s32 $0x108;
	s8 =	sld [smem:$0x3F9D]  }
0x2e: {  	s3 =	simm.s32 @!p0 $0x1082;
	s9 =	sld [smem:$0x3F9E]  }
0x2f: {  	lr =	sadd.s32 s0, s3;
	s0 =	sld [smem:$0x3F95]  }
0x30: {  	s3 =	sld [smem:$0x3F98]  }
0x31: {  	[smem:$0x3FA1] =	sst s10  }
0x32: {  	s10 =	sld [smem:$0x3F9F];
	_ =	sdelay $0x3  }
0x33: {  	p0 =	seq.s32 s10, $0x1;
	s10 =	sld [smem:$0x3FA1];
	_ =	sdelay $0x3  }
0x34: {  	[smem:$0x3FA1] =	sst s10  }
0x35: {  	s10 =	sld [smem:$0x3FA0];
	_ =	sdelay $0x3  }
0x36: {  	p1 =	seq.s32 s10, $0x1;
	s10 =	sld [smem:$0x3FA1];
	_ =	sdelay $0x3  }
0x37: {  	[smem:$0x3FA1] =	sst s10  }
0x38: {  	s10 =	sld [smem:$0x3FA2]  }
0x39: {  	_ = 	snop;
	(pc) =	sbr.ind lr, $3  }
0x3a: {  	_ = 	snop  }
0x3b: {  	_ = 	snop  }
0x3c: {  	p2 =	seq.s32 s10, $0x1;
	s10 =	sld [smem:$0x3FA1]  }
0x3d: {  	_ =	shalt  }
0x3e: {  	_ =	shalt  }
0x3f: {  	_ =	shalt  }
0x40: {  	_ =	shalt  }
0x41: {  	_ =	shalt  }
0x42: {  	_ =	shalt  }
0x43: {  	_ =	shalt  }
0x44: {  	_ =	shalt  }
0x45: {  	_ =	shalt  }
0x46: {  	_ =	shalt  }
0x47: {  	_ =	shalt  }
0x48: {  	_ =	shalt  }
0x49: {  	_ =	shalt  }
0x4a: {  	_ =	shalt  }
0x4b: {  	_ =	shalt  }
0x4c: {  	_ =	shalt  }
0x4d: {  	_ =	shalt  }
0x4e: {  	_ =	shalt  }
0x4f: {  	_ =	shalt  }
0x50: {  	_ =	shalt  }
0x51: {  	_ =	shalt  }
0x52: {  	_ =	shalt  }
0x53: {  	_ =	shalt  }
0x54: {  	_ =	shalt  }
0x55: {  	_ =	shalt  }
0x56: {  	_ =	shalt  }
0x57: {  	_ =	shalt  }
0x58: {  	_ =	shalt  }
0x59: {  	_ =	shalt  }
0x5a: {  	_ =	shalt  }
0x5b: {  	_ =	shalt  }
0x5c: {  	_ =	shalt  }
0x5d: {  	_ =	shalt  }
0x5e: {  	_ =	shalt  }
0x5f: {  	_ =	shalt  }
0x60: {  	_ =	shalt  }
0x61: {  	_ =	shalt  }
0x62: {  	_ =	shalt  }
0x63: {  	_ =	shalt  }
0x64: {  	_ =	shalt  }
0x65: {  	_ =	shalt  }
0x66: {  	_ =	shalt  }
0x67: {  	_ =	shalt  }
0x68: {  	_ =	shalt  }
0x69: {  	_ =	shalt  }
0x6a: {  	_ =	shalt  }
0x6b: {  	_ =	shalt  }
0x6c: {  	_ =	shalt  }
0x6d: {  	_ =	shalt  }
0x6e: {  	_ =	shalt  }
0x6f: {  	_ =	shalt  }
0x70: {  	_ =	shalt  }
0x71: {  	_ =	shalt  }
0x72: {  	_ =	shalt  }
0x73: {  	_ =	shalt  }
0x74: {  	_ =	shalt  }
0x75: {  	_ =	shalt  }
0x76: {  	_ =	shalt  }
0x77: {  	_ =	shalt  }
0x78: {  	_ =	shalt  }
0x79: {  	_ =	shalt  }
0x7a: {  	_ =	shalt  }
0x7b: {  	_ =	shalt  }
0x7c: {  	_ =	shalt  }
0x7d: {  	_ =	shalt  }
0x7e: {  	_ =	shalt  }
0x7f: {  	_ =	shalt  }
0x80: {  	_ =	shalt  }
0x81: {  	_ =	shalt  }
0x82: {  	_ =	shalt  }
0x83: {  	_ =	shalt  }
0x84: {  	_ =	shalt  }
0x85: {  	_ =	shalt  }
0x86: {  	_ =	shalt  }
0x87: {  	_ =	shalt  }
.Lfunc_end0:
.L_simem_size_0:
called_computation.1_lowered:
.L_overlay_start_0:
0x88: {  	s2 =	sld [smem:$0x3FD9]  }
0x89: {  	s3 =	sld [smem:$0x3FFE];
	_ =	sdelay $0x1  }
0x8a: {  	s1 =	srdreg.scid  }
0x8b: {  	s0 =	sand.u32 $0x1, s1  }
0x8c: {  	s16 =	sshll.u32 s0, $0xA;
	s2 =	sadd.s32 s3, s2  }
0x8d: {  	s2 =	sadd.s32 s2, s16  }
0x8e: {  	[smem:$0x3FAD] =	sst s2  }
0x8f: {  	_ = 	snop  }
0x90: {  	(tm) =	ssettm $0x1  }
0x91: {  	s17 =	sld [smem:$0x3FFB];
	_ =	sdelay $0x3  }
0x92: {  	_ =	strace s17  }
0x93: {  	s2 =	sld [smem:$0x3FFC];
	_ =	sdelay $0x3  }
0x94: {  	_ =	strace s2  }
0x95: {  	s2 =	sld [smem:$0x3FFD];
	_ =	sdelay $0x3  }
0x96: {  	_ =	strace s2  }
0x97: {  	_ =	strace $0x8FFFFFFF  }
0x98: {  	s18 =	sld [smem:$0x3FDB];
	_ =	sdelay $0x1  }
0x99: {  	s19 =	simm.s32 $_scs_section_size  }
0x9a: {  	s4 =	simm.s32 $_size__tile_overlayer_lowered;
	s5 =	simm.s32 $_tile_overlayer_lowered  }
0x9b: {  	s22 =	simm.s32 $0x1BFF;
	s21 =	sshll.u32 s5, $0x1;
	s2 =	sadd.s32 s19, s18  }
0x9c: {  	s6 =	simm.s32 $0x0;
	s20 =	sshll.u32 s4, $0x1;
	s4 =	sadd.s32 s21, s2  }
0x9d: {  	[timem:s6], [sflag:s22] =	dma.local [hbm:s4], s20  }
0x9e: {  	_ =	swait.ge [sflag:s22], s20  }
0x9f: {  	s3 =	ssub.s32 $0x0, s20;
	[sflag:s22] =	ssyncset.done $0x0  }
0xa0: {  	[sflag:s22] =	ssyncadd.s32 s3;
	_ =	sdelay $0x1  }
0xa1: {  	s23 =	simm.s32 $0x1B8B  }
0xa2: {  	_ =	swait.ge [sflag:s23], $0x1  }
0xa3: {  	[sflag:s23] =	ssyncset.done $0x0  }
0xa4: {  	s25 =	simm.s32 $0x1B8E;
	s24 =	sld [smem:$0x3FFE];
	[sflag:s23] =	ssyncadd.s32 $0xFFFFFFFF  }
0xa5: {  	s26 =	simm.s32 $execute0_lowered;
	[smem:$0x3FD2] =	sst s25  }
0xa6: {  	s4 =	sshll.u32 s26, $0x1;
	_ =	strace $0x80000049;
	[dreg:$0x1] =	wrdreg $0xFFFFFFFF  }
0xa7: {  	s28 =	simm.s32 $_size_execute0_lowered;
	s2 =	sadd.s32 s2, s4;
	[dreg:$0x0] =	wrdreg $0x0  }
0xa8: {  	s4 =	sshll.u32 s28, $0x1;
	[dreg:$0x2] =	wrdreg s2  }
0xa9: {  	[dreg:$0x3] =	wrdreg s4  }
0xaa: {  	[dreg:$0x4] =	wrdreg $0xC0  }
0xab: {  	_ =	task [dreg:s6], $0x5FFFF  }
0xac: {  	[dreg:$0x1] =	wrdreg $0xFFFFFFFF  }
0xad: {  	[dreg:$0x0] =	wrdreg $0x60  }
0xae: {  	[dreg:$0x2] =	wrdreg s24  }
0xaf: {  	[dreg:$0x3] =	wrdreg $0x74000  }
0xb0: {  	[dreg:$0x4] =	wrdreg $0x9  }
0xb1: {  	_ =	task.clear_ibuf [dreg:s6], $0x5FFFF;
	_ =	strace $0x90000049  }
0xb2: {  	s29 =	simm.s32 $0x9;
	_ =	strace $0x8000004B  }
0xb3: {  	_ =	swait.ge [sflag:s29], $0x1  }
0xb4: {  	[sflag:s29] =	ssyncadd.s32 $0xFFFFFFFF  }
0xb5: {  	_ =	strace $0x9000004B  }
0xb6: {  	_ =	sfence  }
0xb7: {  	s30 =	sld [smem:$0x0];
	_ =	sdelay $0x2  }
0xb8: {  	s31 =	sshll.u32 s1, $0xD;
	s1 =	sshrl.u32 s1, $0x2  }
0xb9: {  	s3 =	sand.u32 $0x4000, s31;
	s1 =	sadd.s32 s1, s30  }
0xba: {  	s0 =	sor.u32 s3, s0;
	s1 =	sshll.u32 s1, $0x11  }
0xbb: {  	s0 =	sor.u32 s1, s0  }
0xbc: {  	s0 =	sadd.s32 $0x8F2B, s0  }
0xbd: {  	[sflag:s0] =	ssyncadd.remote.s32 $0x1  }
0xbe: {  	_ =	sfence.sel $0xFFFF  }
0xbf: {  	[dreg:$0x0] =	wrdreg $0xFFFFFFFF;
	(pc) =	sbr.abs _section_cstart, $3  }
0xc0: {  	[dreg:$0x1] =	wrdreg $0xFFFFFFFF  }
0xc1: {  	_ =	task.clear_ibuf [dreg:s6], $0x2FFFF;
	_ =	strace $0x9FFFFFFF  }
0xc2: {  	(tm) =	ssettm $0x7FFFFFFF  }
0xc3: {  	_ =	shalt  }
tec
execute0_lowered:
.L_overlay_start_1:
0x0: {  	(tag) =	ssettag $0x1  }
0x1: {  	s0 =	rddreg [dreg:$0x0]  }
0x2: {  	s1 =	rddreg [dreg:$0x1];
	s3 =	simm.s32 $0x0;
	s2 =	srdreg.scid  }
0x3: {  	s17 =	stileid.u32;
	s13 =	simm.s32 $0x100;
	s14 =	simm.s32 $0x1  }
0x4: {  	s15 =	simm.s32 $0x32;
	s16 =	simm.s32 $0x400;
	s18 =	simm.s32 $0x2000  }
0x5: {  	s28 =	simm.s32 $0x300;
	s29 =	simm.s32 $0x6;
	s30 =	simm.s32 $0x180  }
0x6: {  	s31 =	simm.s32 $0x4;
	s19 =	simm.s32 $0x0;
	s5 =	smul.u32 $0x14000, s17  }
0x7: {  	[smem:$0x7FF] =	sst s3;
	s2 =	sand.u32 $0x1, s2;
	s10 =	smul.u32 $0xC8, s17  }
0x8: {  	s4 =	sadd.s32 $0x5400, s0;
	s8 =	sadd.s32 $0x2C600, s0;
	s11 =	smul.u32 $0x50000, s17  }
0x9: {  	s26 =	sshll.u32 s17, $0x6;
	_ =	strace $0x8000004A;
	s7 =	smul.u32 $0x140000, s2  }
0xa: {  	s6 =	sshll.u32 s2, $0x4;
	s20 =	smul.u32 $0xC80, s2;
	s2 =	ssub.s32 $0x2, s2  }
0xb: {  	[dreg:$0xa] =	wrdreg s19;
	s6 =	sor.u32 s17, s6;
	s9 =	sshrl.u32 s5, $0x3  }
0xc: {  	s21 =	sshrl.u32 s2, $0x1;
	s23 =	sshrl.u32 s11, $0x2;
	s17 =	simm.s32 $0x2  }
0xd: {  	s6 =	smul.u32 $0x1900, s6;
	s9 =	sadd.s32 s9, s0;
	s5 =	sadd.s32 s5, s7  }
0xe: {  	s2 =	ssub.s32 s2, s21;
	s22 =	sadd.s32 s10, s20;
	s20 =	sor.u32 $0x1C0D, s26  }
0xf: {  	s26 =	simm.s32 $0x3C00;
	s7 =	simm.s32 $0xA;
	s10 =	simm.s32 $0x380  }
0x10: {  	s5 =	sshrl.u32 s5, $0x3;
	s24 =	sadd.s32 $0x5E600, s9;
	s25 =	smax.u32 s2, $0x1  }
0x11: {  	s2 =	simm.s32 $0x9;
	s9 =	simm.s32 $0x8;
	[dreg:$0x8] =	wrdreg s20  }
0x12: {  	s0 =	sadd.s32 s5, s0;
	s6 =	sadd.s32 s8, s6;
	[dreg:$0x5] =	wrdreg s24  }
0x13: {  	s5 =	sshll.u32 s22, $0x5;
	[dreg:$0x7] =	wrdreg s25;
	s22 =	simm.s32 $0x200  }
0x14: {  	s24 =	simm.s32 $0x80;
	s25 =	simm.s32 $0x3;
	[dreg:$0x3] =	wrdreg s6  }
.Ltmp0:
0x15: {  	s6 =	sadd.s32 $0x20, s6;
	s8 =	sadd.s32 s5, s8;
	(pc) =	sbr.rel .LBB2_1-.Ltmp0, $4  }
0x16: {  	s0 =	sadd.s32 $0x86600, s0;
	s5 =	simm.s32 $0x280;
	[dreg:$0x4] =	wrdreg s6  }
0x17: {  	s6 =	sadd.s32 s23, s1;
	[dreg:$0x6] =	wrdreg s0;
	s11 =	sadd.s32 $0x80, s8  }
0x18: {  	s12 =	sadd.s32 $0x40, s8;
	s23 =	simm.s32 $0x5;
	s21 =	sshrl.u32 s6, $0x3  }
0x19: {  	s0 =	simm.s32 $0x5800;
	s6 =	simm.s32 $0x7;
	[dreg:$0x9] =	wrdreg s21  }
.LBB2_4:
0x1a: {  	_ =	swait.ge [sflag:s6], $0x1900  }
0x1b: {  	[sflag:s6] =	ssyncset.done $0x0  }
0x1c: {  	[sflag:s6] =	ssyncadd.s32 $0xFFFFE700  }
0x1d: {  	[spmem:s1] =	stream.indirect.scatter.add.f32 [tilespmem:s26], [sflag:$0xB], $0x80, s5, s15, $0xb8;
	[tilespmem:$0x1B400] =	vst v63  }
0x1e: {  	_ =	swait.ge [sflag:s7], $0x1900  }
0x1f: {  	[sflag:s7] =	ssyncset.done $0x0  }
0x20: {  	[sflag:s7] =	ssyncadd.s32 $0xFFFFE700  }
0x21: {  	_ =	swait.ge [sflag:s9], $0x1900  }
0x22: {  	[sflag:s9] =	ssyncset.done $0x0  }
0x23: {  	s19 =	simm.s32 $0xB;
	[sflag:s9] =	ssyncadd.s32 $0xFFFFE700  }
0x24: {  	[spmem:s1] =	stream.indirect.scatter.add.f32 [tilespmem:s0], [sflag:$0xC], $0x80, s10, s15, $0xb8;
	[tilespmem:$0x1B400] =	vst v63  }
0x25: {  	_ =	swait.ge [sflag:s19], $0x1900  }
0x26: {  	[sflag:s19] =	ssyncset.done $0x0  }
0x27: {  	s21 =	simm.s32 $0xC;
	[sflag:s19] =	ssyncadd.s32 $0xFFFFE700  }
0x28: {  	_ =	swait.ge [sflag:s21], $0x1900  }
0x29: {  	[sflag:s21] =	ssyncset.done $0x0  }
0x2a: {  	[sflag:s21] =	ssyncadd.s32 $0xFFFFE700  }
0x2b: {  	[bflag:$0x0] =	sbarrier.arrive $0xFFFF  }
0x2c: {  	s19 =	rddreg [dreg:$0x6]  }
0x2d: {  	s21 =	rddreg [dreg:$0x8]  }
0x2e: {  	s20 =	rddreg [dreg:$0x9]  }
0x2f: {  	[hbm:s19], [sflag:s21] =	dma.local [spmem:s20], $0x2800  }
0x30: {  	s19 =	simm.s32 $0xD  }
0x31: {  	_ =	swait.ge [sflag:s19], $0x2800  }
0x32: {  	s20 =	rddreg [dreg:$0xa]  }
0x33: {  	[sflag:s19] =	ssyncset.done $0x0;
	s19 =	rddreg [dreg:$0x7];
	s20 =	sadd.s32 $0x1, s20  }
0x34: {  	p0 =	sne.s32 s20, s19  }
.Ltmp1:
0x35: {  	_ = 	snop;
	(pc) =	sbr.rel @!p0 .LBB2_5-.Ltmp1, $3  }
0x36: {  	_ =	sdelay $0x1  }
0x37: {  	[dreg:$0xa] =	wrdreg s20;
	s19 =	simm.s32 $0xD  }
0x38: {  	s20 =	smov.u32 s21;
	s21 =	rddreg [dreg:$0x9];
	[sflag:s19] =	ssyncadd.s32 $0xFFFFD800  }
.LBB2_1:
0x39: {  	s19 =	rddreg [dreg:$0x3]  }
0x3a: {  	[tilespmem:s3], [sflag:$0x1] =	stream.linear.gather [hbm4b:s19+s3], $0x100, $0x38;
	[tilespmem:$0x1B400] =	vst v63  }
0x3b: {  	s19 =	rddreg [dreg:$0x4]  }
0x3c: {  	[tilespmem:s13], [sflag:$0x2] =	stream.linear.gather [hbm4b:s19+s3], $0x100, $0x38;
	[tilespmem:$0x1B400] =	vst v63  }
0x3d: {  	_ =	swait.ge [sflag:s14], $0x100  }
0x3e: {  	[sflag:s14] =	ssyncset.done $0x0  }
0x3f: {  	[sflag:s14] =	ssyncadd.s32 $0xFFFFFF00  }
0x40: {  	[tilespmem:s16], [sflag:$0x5] =	stream.indirect.gather [hbm4b:s4+s15], $0x80, s3, s15, $0xb8;
	[tilespmem:$0x1B400] =	vst v63  }
0x41: {  	_ =	swait.ge [sflag:s17], $0x100  }
0x42: {  	[sflag:s17] =	ssyncset.done $0x0  }
0x43: {  	s19 =	rddreg [dreg:$0x5];
	[sflag:s17] =	ssyncadd.s32 $0xFFFFFF00  }
0x44: {  	[tilespmem:s18], [sflag:$0x6] =	stream.indirect.gather [hbm4b:s4+s15], $0x80, s13, s15, $0xb8;
	[tilespmem:$0x1B400] =	vst v63  }
0x45: {  	[spmem:s21], [sflag:s20] =	dma.local [hbm:s19], $0x2800  }
0x46: {  	s21 =	simm.s32 $0xD  }
0x47: {  	_ =	swait.ge [sflag:s21], $0x2800  }
0x48: {  	[sflag:s21] =	ssyncset.done $0x0  }
0x49: {  	[sflag:s21] =	ssyncadd.s32 $0xFFFFD800  }
0x4a: {  	s20 =	simm.s32 $0x0;
	[bflag:$0x0] =	sbarrier.arrive $0xFFFF  }
.LBB2_2:
0x4b: {  	p0 =	seq.s32 s20, $0x0  }
0x4c: {  	s21 =	simm.s32 @!p0 $0xB  }
0x4d: {  	_ =	swait.ge @!p0 [sflag:s21], $0x1900  }
0x4e: {  	[sflag:s21] =	ssyncset.done @!p0 $0x0  }
0x4f: {  	s19 =	sadd.s32 s20, s12;
	[sflag:s21] =	ssyncadd.s32 @!p0 $0xFFFFE700  }
0x50: {  	[tilespmem:s22], [sflag:$0x3] =	stream.linear.gather [hbm4b:s19+s3], $0x100, $0x38;
	[tilespmem:$0x1B400] =	vst v63  }
0x51: {  	_ =	swait.ge [sflag:s23], $0x1900  }
0x52: {  	[sflag:s23] =	ssyncset.done $0x0  }
0x53: {  	[sflag:s23] =	ssyncadd.s32 $0xFFFFE700  }
0x54: {  	[spmem:s1] =	stream.indirect.scatter.add.f32 [tilespmem:s16], [sflag:$0x9], $0x80, s24, s15, $0xb8;
	[tilespmem:$0x1B400] =	vst v63  }
0x55: {  	_ =	swait.ge [sflag:s25], $0x100  }
0x56: {  	[sflag:s25] =	ssyncset.done $0x0  }
0x57: {  	s19 =	simm.s32 @!p0 $0xC;
	[sflag:s25] =	ssyncadd.s32 $0xFFFFFF00  }
0x58: {  	[tilespmem:s26], [sflag:$0x7] =	stream.indirect.gather [hbm4b:s4+s15], $0x80, s22, s15, $0xb8;
	[tilespmem:$0x1B400] =	vst v63  }
0x59: {  	_ =	swait.ge @!p0 [sflag:s19], $0x1900  }
0x5a: {  	s21 =	sadd.s32 s20, s8;
	[sflag:s19] =	ssyncset.done @!p0 $0x0  }
0x5b: {  	[sflag:s19] =	ssyncadd.s32 @!p0 $0xFFFFE700;
	s19 =	sadd.s32 $0x60, s21  }
0x5c: {  	[tilespmem:s28], [sflag:$0x4] =	stream.linear.gather [hbm4b:s19+s3], $0x100, $0x38;
	[tilespmem:$0x1B400] =	vst v63  }
0x5d: {  	_ =	swait.ge [sflag:s29], $0x1900  }
0x5e: {  	[sflag:s29] =	ssyncset.done $0x0  }
0x5f: {  	[sflag:s29] =	ssyncadd.s32 $0xFFFFE700  }
0x60: {  	[spmem:s1] =	stream.indirect.scatter.add.f32 [tilespmem:s18], [sflag:$0xA], $0x80, s30, s15, $0xb8;
	[tilespmem:$0x1B400] =	vst v63  }
0x61: {  	_ =	swait.ge [sflag:s31], $0x100  }
0x62: {  	p0 =	seq.s32 s20, $0x1880;
	[sflag:s31] =	ssyncset.done $0x0  }
.Ltmp2:
0x63: {  	[sflag:s31] =	ssyncadd.s32 $0xFFFFFF00;
	(pc) =	sbr.rel @p0 .LBB2_4-.Ltmp2, $4  }
0x64: {  	[tilespmem:s0], [sflag:$0x8] =	stream.indirect.gather [hbm4b:s4+s15], $0x80, s28, s15, $0xb8;
	[tilespmem:$0x1B400] =	vst v63  }
0x65: {  	_ =	swait.ge [sflag:s2], $0x1900  }
0x66: {  	[sflag:s2] =	ssyncset.done $0x0  }
0x67: {  	[sflag:s2] =	ssyncadd.s32 $0xFFFFE700  }
0x68: {  	s19 =	sadd.s32 s20, s11  }
0x69: {  	[tilespmem:s3], [sflag:$0x1] =	stream.linear.gather [hbm4b:s19+s3], $0x100, $0x38;
	[tilespmem:$0x1B400] =	vst v63  }
0x6a: {  	_ =	swait.ge [sflag:s6], $0x1900  }
0x6b: {  	[sflag:s6] =	ssyncset.done $0x0  }
0x6c: {  	[sflag:s6] =	ssyncadd.s32 $0xFFFFE700  }
0x6d: {  	[spmem:s1] =	stream.indirect.scatter.add.f32 [tilespmem:s26], [sflag:$0xB], $0x80, s5, s15, $0xb8;
	[tilespmem:$0x1B400] =	vst v63  }
0x6e: {  	_ =	swait.ge [sflag:s14], $0x100  }
0x6f: {  	[sflag:s14] =	ssyncset.done $0x0  }
0x70: {  	[sflag:s14] =	ssyncadd.s32 $0xFFFFFF00  }
0x71: {  	[tilespmem:s16], [sflag:$0x5] =	stream.indirect.gather [hbm4b:s4+s15], $0x80, s3, s15, $0xb8;
	[tilespmem:$0x1B400] =	vst v63  }
0x72: {  	_ =	swait.ge [sflag:s7], $0x1900  }
0x73: {  	[sflag:s7] =	ssyncset.done $0x0  }
0x74: {  	s21 =	sadd.s32 $0xA0, s21;
	[sflag:s7] =	ssyncadd.s32 $0xFFFFE700  }
0x75: {  	[tilespmem:s13], [sflag:$0x2] =	stream.linear.gather [hbm4b:s21+s3], $0x100, $0x38;
	[tilespmem:$0x1B400] =	vst v63  }
0x76: {  	_ =	swait.ge [sflag:s9], $0x1900  }
0x77: {  	[sflag:s9] =	ssyncset.done $0x0  }
0x78: {  	[sflag:s9] =	ssyncadd.s32 $0xFFFFE700  }
0x79: {  	[spmem:s1] =	stream.indirect.scatter.add.f32 [tilespmem:s0], [sflag:$0xC], $0x80, s10, s15, $0xb8;
	[tilespmem:$0x1B400] =	vst v63  }
.Ltmp3:
0x7a: {  	_ = 	snop;
	(pc) =	sbr.rel .LBB2_2-.Ltmp3, $4  }
0x7b: {  	_ =	swait.ge [sflag:s17], $0x100  }
0x7c: {  	[sflag:s17] =	ssyncset.done $0x0  }
0x7d: {  	s20 =	sadd.s32 $0x80, s20;
	[sflag:s17] =	ssyncadd.s32 $0xFFFFFF00  }
0x7e: {  	[tilespmem:s18], [sflag:$0x6] =	stream.indirect.gather [hbm4b:s4+s15], $0x80, s13, s15, $0xb8;
	[tilespmem:$0x1B400] =	vst v63  }
.LBB2_5:
0x7f: {  	_ =	sfence.sel $0x180000  }
0x80: {  	[bflag:$0x0] =	sbarrier.arrive $0xFFFF  }
0x81: {  	_ =	strace $0x9000004A  }
0x82: {  	s0 =	stileid.u32;
	[bflag:$0x2] =	sbarrier.arrive $0xFFFF  }
0x83: {  	p0 =	sne.s32 s0, $0x0;
	s0 =	rddreg [dreg:$0x2]  }
0x84: {  	s0 =	sadd.s32 @!p0 $0x100000, s0  }
0x85: {  	[sflag:s0] =	ssyncadd.tile.s32 @!p0 $0x1;
	_ =	shalt  }
.Lfunc_end2:
_tile_overlayer_lowered:
.L_overlay_start_2:
0x86: {  	(tag) =	ssettag $0x2  }
0x87: {  	s0 =	rddreg [dreg:$0x0];
	s2 =	stileid.u32  }
0x88: {  	s1 =	rddreg [dreg:$0x1];
	p0 =	sne.s32 s2, $0x0  }
0x89: {  	s3 =	rddreg [dreg:$0x2];
	[bflag:$0x3] =	sbarrier.arrive $0xFFFF;
	s2 =	simm.s32 @!p0 $0x1C0D  }
0x8a: {  	[timem:s3], [sflag:s2] =	dma.local @!p0 [hbm:s0], s1  }
0x8b: {  	s0 =	simm.s32 @!p0 $0xD  }
0x8c: {  	_ =	swait.ge @!p0 [sflag:s0], s1  }
0x8d: {  	s1 =	ssub.s32 @!p0 $0x0, s1;
	[sflag:s0] =	ssyncset.done @!p0 $0x0  }
0x8e: {  	[sflag:s0] =	ssyncadd.s32 @!p0 s1  }
0x8f: {  	[bflag:$0x3] =	sbarrier.arrive $0xFFFF  }
0x90: {  	_ =	shalt  }

// kernel: kernel.16.cloned.1.call-start
scs
__scs_entry_jumppad:
0x0: {  	(pc) =	sbr.rel $0x88, $3  }
0x1: {  	(tag) =	ssettag $0x0;
	lr =	simm.s32 $0x1  }
0x2: {  	[smem:$0x3F86] =	sst lr;
	_ =	strace $0xD0000000  }
0x3: {  	_ = 	snop  }
0x4: {  	_ = 	snop  }
0x5: {  	_ = 	snop  }
0x6: {  	_ = 	snop  }
0x7: {  	_ = 	snop  }
__scs_overlays_trampoline_lowered:
0x8: {  	[smem:$0x3F95] =	sst s0  }
0x9: {  	[smem:$0x3F96] =	sst s1  }
0xa: {  	[smem:$0x3F97] =	sst s2  }
0xb: {  	[smem:$0x3F98] =	sst s3  }
0xc: {  	[smem:$0x3F99] =	sst s4  }
0xd: {  	[smem:$0x3F9A] =	sst s5  }
0xe: {  	[smem:$0x3F9B] =	sst s6  }
0xf: {  	[smem:$0x3F9C] =	sst s7  }
0x10: {  	[smem:$0x3F9D] =	sst s8  }
0x11: {  	[smem:$0x3F9E] =	sst s9;
	s0 =	simm.s32 @!p0 $0x0  }
0x12: {  	s1 =	sld [smem:$0x3F84];
	s0 =	simm.s32 @p0 $0x1  }
0x13: {  	[smem:$0x3F9F] =	sst s0;
	s0 =	simm.s32 @!p1 $0x0  }
0x14: {  	s2 =	sld [smem:$0x3F83];
	s0 =	simm.s32 @p1 $0x1  }
0x15: {  	[smem:$0x3FA0] =	sst s0;
	s0 =	simm.s32 @!p2 $0x0  }
0x16: {  	s3 =	sld [smem:$0x3FDB];
	s0 =	simm.s32 @p2 $0x1  }
0x17: {  	s4 =	simm.s32 $0x1BF5;
	[smem:$0x3FA2] =	sst s0  }
0x18: {  	s0 =	sld [smem:$0x3F85];
	_ =	swait.ge [sflag:s4], $0x0  }
0x19: {  	s7 =	sld [smem:$0x3F86]  }
0x1a: {  	s8 =	sadd.s32 $0xFFFFE003, lr  }
0x1b: {  	s9 =	sadd.s32 $0xFFFFFEF7, lr;
	s5 =	simm.s32 $0xFFFFFFFF;
	p2 =	slt.u32 s8, $0xFFFFF086  }
0x1c: {  	p1 =	slt.u32 s9, $0xF7A;
	s5 =	simm.s32 @!p2 $0x0  }
0x1d: {  	s5 =	simm.s32 @p1 $0x1;
	p0 =	seq.s32 s7, s2  }
0x1e: {  	s7 =	smul.u32 @!p0 $0xF7A, s2;
	p2 =	seq.s32 @!p0 s5, $0x0  }
0x1f: {  	s9 =	smul.u32 $0xF7A, s1;
	s8 =	simm.s32 @!p0 $0x1BF5;
	p2 =	por !p2, p0  }
0x20: {  	[sflag:s8] =	ssyncset.s32 @!p0 $0xFFFFF086;
	s6 =	sadd.s32 @!p0 s3, s7;
	s7 =	simm.s32 @!p0 $0x108  }
0x21: {  	s3 =	sadd.s32 s3, s9;
	s6 =	sadd.s32 @!p0 $0x88, s6;
	s7 =	simm.s32 @p2 $0x1082  }
0x22: {  	[simem:s7], [sflag:s8] =	dma.local @!p0 [hbm:s6], $0xF7A  }
0x23: {  	s9 =	sor.u32 $0xD0000000, s2;
	s6 =	simm.s32 $0x108;
	_ =	swait.ge @!p0 [sflag:s8], $0x0  }
0x24: {  	s3 =	sadd.s32 $0x88, s3;
	s6 =	simm.s32 @!p1 $0x1082;
	[sflag:s4] =	ssyncset.s32 $0xFFFFF086  }
0x25: {  	[simem:s6], [sflag:s4] =	dma.local [hbm:s3], $0xF7A  }
0x26: {  	[smem:$0x3F86] =	sst s1;
	(tag) =	ssettag s2;
	_ =	strace s9  }
0x27: {  	s1 =	sld [smem:$0x3F96]  }
0x28: {  	s2 =	sld [smem:$0x3F97]  }
0x29: {  	s4 =	sld [smem:$0x3F99]  }
0x2a: {  	p0 =	seq.s32 s5, $0x0;
	s5 =	sld [smem:$0x3F9A]  }
0x2b: {  	s6 =	sld [smem:$0x3F9B]  }
0x2c: {  	s7 =	sld [smem:$0x3F9C]  }
0x2d: {  	s3 =	simm.s32 $0x108;
	s8 =	sld [smem:$0x3F9D]  }
0x2e: {  	s3 =	simm.s32 @!p0 $0x1082;
	s9 =	sld [smem:$0x3F9E]  }
0x2f: {  	lr =	sadd.s32 s0, s3;
	s0 =	sld [smem:$0x3F95]  }
0x30: {  	s3 =	sld [smem:$0x3F98]  }
0x31: {  	[smem:$0x3FA1] =	sst s10  }
0x32: {  	s10 =	sld [smem:$0x3F9F];
	_ =	sdelay $0x3  }
0x33: {  	p0 =	seq.s32 s10, $0x1;
	s10 =	sld [smem:$0x3FA1];
	_ =	sdelay $0x3  }
0x34: {  	[smem:$0x3FA1] =	sst s10  }
0x35: {  	s10 =	sld [smem:$0x3FA0];
	_ =	sdelay $0x3  }
0x36: {  	p1 =	seq.s32 s10, $0x1;
	s10 =	sld [smem:$0x3FA1];
	_ =	sdelay $0x3  }
0x37: {  	[smem:$0x3FA1] =	sst s10  }
0x38: {  	s10 =	sld [smem:$0x3FA2]  }
0x39: {  	_ = 	snop;
	(pc) =	sbr.ind lr, $3  }
0x3a: {  	_ = 	snop  }
0x3b: {  	_ = 	snop  }
0x3c: {  	p2 =	seq.s32 s10, $0x1;
	s10 =	sld [smem:$0x3FA1]  }
0x3d: {  	_ =	shalt  }
0x3e: {  	_ =	shalt  }
0x3f: {  	_ =	shalt  }
0x40: {  	_ =	shalt  }
0x41: {  	_ =	shalt  }
0x42: {  	_ =	shalt  }
0x43: {  	_ =	shalt  }
0x44: {  	_ =	shalt  }
0x45: {  	_ =	shalt  }
0x46: {  	_ =	shalt  }
0x47: {  	_ =	shalt  }
0x48: {  	_ =	shalt  }
0x49: {  	_ =	shalt  }
0x4a: {  	_ =	shalt  }
0x4b: {  	_ =	shalt  }
0x4c: {  	_ =	shalt  }
0x4d: {  	_ =	shalt  }
0x4e: {  	_ =	shalt  }
0x4f: {  	_ =	shalt  }
0x50: {  	_ =	shalt  }
0x51: {  	_ =	shalt  }
0x52: {  	_ =	shalt  }
0x53: {  	_ =	shalt  }
0x54: {  	_ =	shalt  }
0x55: {  	_ =	shalt  }
0x56: {  	_ =	shalt  }
0x57: {  	_ =	shalt  }
0x58: {  	_ =	shalt  }
0x59: {  	_ =	shalt  }
0x5a: {  	_ =	shalt  }
0x5b: {  	_ =	shalt  }
0x5c: {  	_ =	shalt  }
0x5d: {  	_ =	shalt  }
0x5e: {  	_ =	shalt  }
0x5f: {  	_ =	shalt  }
0x60: {  	_ =	shalt  }
0x61: {  	_ =	shalt  }
0x62: {  	_ =	shalt  }
0x63: {  	_ =	shalt  }
0x64: {  	_ =	shalt  }
0x65: {  	_ =	shalt  }
0x66: {  	_ =	shalt  }
0x67: {  	_ =	shalt  }
0x68: {  	_ =	shalt  }
0x69: {  	_ =	shalt  }
0x6a: {  	_ =	shalt  }
0x6b: {  	_ =	shalt  }
0x6c: {  	_ =	shalt  }
0x6d: {  	_ =	shalt  }
0x6e: {  	_ =	shalt  }
0x6f: {  	_ =	shalt  }
0x70: {  	_ =	shalt  }
0x71: {  	_ =	shalt  }
0x72: {  	_ =	shalt  }
0x73: {  	_ =	shalt  }
0x74: {  	_ =	shalt  }
0x75: {  	_ =	shalt  }
0x76: {  	_ =	shalt  }
0x77: {  	_ =	shalt  }
0x78: {  	_ =	shalt  }
0x79: {  	_ =	shalt  }
0x7a: {  	_ =	shalt  }
0x7b: {  	_ =	shalt  }
0x7c: {  	_ =	shalt  }
0x7d: {  	_ =	shalt  }
0x7e: {  	_ =	shalt  }
0x7f: {  	_ =	shalt  }
0x80: {  	_ =	shalt  }
0x81: {  	_ =	shalt  }
0x82: {  	_ =	shalt  }
0x83: {  	_ =	shalt  }
0x84: {  	_ =	shalt  }
0x85: {  	_ =	shalt  }
0x86: {  	_ =	shalt  }
0x87: {  	_ =	shalt  }
.Lfunc_end0:
.L_simem_size_0:
called_computation.2_lowered:
.L_overlay_start_0:
0x88: {  	s2 =	sld [smem:$0x3FD9]  }
0x89: {  	s3 =	sld [smem:$0x3FFE];
	_ =	sdelay $0x1  }
0x8a: {  	s1 =	srdreg.scid  }
0x8b: {  	s0 =	sand.u32 $0x1, s1  }
0x8c: {  	s16 =	sshll.u32 s0, $0xA;
	s2 =	sadd.s32 s3, s2  }
0x8d: {  	s2 =	sadd.s32 s2, s16  }
0x8e: {  	[smem:$0x3FAD] =	sst s2  }
0x8f: {  	_ = 	snop  }
0x90: {  	(tm) =	ssettm $0x1  }
0x91: {  	s17 =	sld [smem:$0x3FFB];
	_ =	sdelay $0x3  }
0x92: {  	_ =	strace s17  }
0x93: {  	s2 =	sld [smem:$0x3FFC];
	_ =	sdelay $0x3  }
0x94: {  	_ =	strace s2  }
0x95: {  	s2 =	sld [smem:$0x3FFD];
	_ =	sdelay $0x3  }
0x96: {  	_ =	strace s2  }
0x97: {  	_ =	strace $0x8FFFFFFF  }
0x98: {  	s18 =	sld [smem:$0x3FDB];
	_ =	sdelay $0x1  }
0x99: {  	s19 =	simm.s32 $_scs_section_size  }
0x9a: {  	s4 =	simm.s32 $_size__tile_overlayer_lowered;
	s5 =	simm.s32 $_tile_overlayer_lowered  }
0x9b: {  	s22 =	simm.s32 $0x1BFF;
	s21 =	sshll.u32 s5, $0x1;
	s2 =	sadd.s32 s19, s18  }
0x9c: {  	s6 =	simm.s32 $0x0;
	s20 =	sshll.u32 s4, $0x1;
	s4 =	sadd.s32 s21, s2  }
0x9d: {  	[timem:s6], [sflag:s22] =	dma.local [hbm:s4], s20  }
0x9e: {  	_ =	swait.ge [sflag:s22], s20  }
0x9f: {  	s3 =	ssub.s32 $0x0, s20;
	[sflag:s22] =	ssyncset.done $0x0  }
0xa0: {  	[sflag:s22] =	ssyncadd.s32 s3;
	_ =	sdelay $0x1  }
0xa1: {  	s23 =	simm.s32 $0x1B8B  }
0xa2: {  	_ =	swait.ge [sflag:s23], $0x1  }
0xa3: {  	[sflag:s23] =	ssyncset.done $0x0  }
0xa4: {  	s25 =	simm.s32 $0x1B8E;
	s24 =	sld [smem:$0x3FFE];
	[sflag:s23] =	ssyncadd.s32 $0xFFFFFFFF  }
0xa5: {  	s26 =	simm.s32 $execute0_lowered;
	[smem:$0x3FD2] =	sst s25  }
0xa6: {  	s4 =	sshll.u32 s26, $0x1;
	_ =	strace $0x8000004C;
	[dreg:$0x1] =	wrdreg $0xFFFFFFFF  }
0xa7: {  	s28 =	simm.s32 $_size_execute0_lowered;
	s2 =	sadd.s32 s2, s4;
	[dreg:$0x0] =	wrdreg $0x0  }
0xa8: {  	s4 =	sshll.u32 s28, $0x1;
	[dreg:$0x2] =	wrdreg s2  }
0xa9: {  	[dreg:$0x3] =	wrdreg s4  }
0xaa: {  	[dreg:$0x4] =	wrdreg $0xC0  }
0xab: {  	_ =	task [dreg:s6], $0x5FFFF  }
0xac: {  	[dreg:$0x1] =	wrdreg $0xFFFFFFFF  }
0xad: {  	[dreg:$0x0] =	wrdreg $0x60  }
0xae: {  	[dreg:$0x2] =	wrdreg s24  }
0xaf: {  	[dreg:$0x3] =	wrdreg $0x74000  }
0xb0: {  	[dreg:$0x4] =	wrdreg $0x9  }
0xb1: {  	_ =	task.clear_ibuf [dreg:s6], $0x5FFFF;
	_ =	strace $0x9000004C  }
0xb2: {  	s29 =	simm.s32 $0x9;
	_ =	strace $0x8000004E  }
0xb3: {  	_ =	swait.ge [sflag:s29], $0x1  }
0xb4: {  	[sflag:s29] =	ssyncadd.s32 $0xFFFFFFFF  }
0xb5: {  	_ =	strace $0x9000004E  }
0xb6: {  	_ =	sfence  }
0xb7: {  	s30 =	sld [smem:$0x0];
	_ =	sdelay $0x2  }
0xb8: {  	s31 =	sshll.u32 s1, $0xD;
	s1 =	sshrl.u32 s1, $0x2  }
0xb9: {  	s3 =	sand.u32 $0x4000, s31;
	s1 =	sadd.s32 s1, s30  }
0xba: {  	s0 =	sor.u32 s3, s0;
	s1 =	sshll.u32 s1, $0x11  }
0xbb: {  	s0 =	sor.u32 s1, s0  }
0xbc: {  	s0 =	sadd.s32 $0x8F2B, s0  }
0xbd: {  	[sflag:s0] =	ssyncadd.remote.s32 $0x1  }
0xbe: {  	_ =	sfence.sel $0xFFFF  }
0xbf: {  	[dreg:$0x0] =	wrdreg $0xFFFFFFFF;
	(pc) =	sbr.abs _section_cstart, $3  }
0xc0: {  	[dreg:$0x1] =	wrdreg $0xFFFFFFFF  }
0xc1: {  	_ =	task.clear_ibuf [dreg:s6], $0x2FFFF;
	_ =	strace $0x9FFFFFFF  }
0xc2: {  	(tm) =	ssettm $0x7FFFFFFF  }
0xc3: {  	_ =	shalt  }
tec
execute0_lowered:
.L_overlay_start_1:
0x0: {  	(tag) =	ssettag $0x1  }
0x1: {  	s0 =	rddreg [dreg:$0x0]  }
0x2: {  	s1 =	rddreg [dreg:$0x1];
	s3 =	simm.s32 $0x0;
	s2 =	srdreg.scid  }
0x3: {  	s17 =	stileid.u32;
	s13 =	simm.s32 $0x100;
	s14 =	simm.s32 $0x1  }
0x4: {  	s15 =	simm.s32 $0x32;
	s16 =	simm.s32 $0x400;
	s18 =	simm.s32 $0x2000  }
0x5: {  	s28 =	simm.s32 $0x300;
	s29 =	simm.s32 $0x6;
	s30 =	simm.s32 $0x180  }
0x6: {  	s31 =	simm.s32 $0x4;
	s19 =	simm.s32 $0x0;
	s5 =	smul.u32 $0x14000, s17  }
0x7: {  	[smem:$0x7FF] =	sst s3;
	s2 =	sand.u32 $0x1, s2;
	s10 =	smul.u32 $0xC8, s17  }
0x8: {  	s4 =	sadd.s32 $0x5400, s0;
	s8 =	sadd.s32 $0x2C600, s0;
	s11 =	smul.u32 $0x50000, s17  }
0x9: {  	s26 =	sshll.u32 s17, $0x6;
	_ =	strace $0x8000004D;
	s7 =	smul.u32 $0x140000, s2  }
0xa: {  	s6 =	sshll.u32 s2, $0x4;
	s20 =	smul.u32 $0xC80, s2;
	s2 =	ssub.s32 $0x2, s2  }
0xb: {  	[dreg:$0xa] =	wrdreg s19;
	s6 =	sor.u32 s17, s6;
	s9 =	sshrl.u32 s5, $0x3  }
0xc: {  	s21 =	sshrl.u32 s2, $0x1;
	s23 =	sshrl.u32 s11, $0x2;
	s17 =	simm.s32 $0x2  }
0xd: {  	s6 =	smul.u32 $0x1900, s6;
	s9 =	sadd.s32 s9, s0;
	s5 =	sadd.s32 s5, s7  }
0xe: {  	s2 =	ssub.s32 s2, s21;
	s22 =	sadd.s32 s10, s20;
	s20 =	sor.u32 $0x1C0D, s26  }
0xf: {  	s26 =	simm.s32 $0x3C00;
	s7 =	simm.s32 $0xA;
	s10 =	simm.s32 $0x380  }
0x10: {  	s5 =	sshrl.u32 s5, $0x3;
	s24 =	sadd.s32 $0x5E600, s9;
	s25 =	smax.u32 s2, $0x1  }
0x11: {  	s2 =	simm.s32 $0x9;
	s9 =	simm.s32 $0x8;
	[dreg:$0x8] =	wrdreg s20  }
0x12: {  	s0 =	sadd.s32 s5, s0;
	s6 =	sadd.s32 s8, s6;
	[dreg:$0x5] =	wrdreg s24  }
0x13: {  	s5 =	sshll.u32 s22, $0x5;
	[dreg:$0x7] =	wrdreg s25;
	s22 =	simm.s32 $0x200  }
0x14: {  	s24 =	simm.s32 $0x80;
	s25 =	simm.s32 $0x3;
	[dreg:$0x3] =	wrdreg s6  }
.Ltmp0:
0x15: {  	s6 =	sadd.s32 $0x20, s6;
	s8 =	sadd.s32 s5, s8;
	(pc) =	sbr.rel .LBB2_1-.Ltmp0, $4  }
0x16: {  	s0 =	sadd.s32 $0x86600, s0;
	s5 =	simm.s32 $0x280;
	[dreg:$0x4] =	wrdreg s6  }
0x17: {  	s6 =	sadd.s32 s23, s1;
	[dreg:$0x6] =	wrdreg s0;
	s11 =	sadd.s32 $0x80, s8  }
0x18: {  	s12 =	sadd.s32 $0x40, s8;
	s23 =	simm.s32 $0x5;
	s21 =	sshrl.u32 s6, $0x3  }
0x19: {  	s0 =	simm.s32 $0x5800;
	s6 =	simm.s32 $0x7;
	[dreg:$0x9] =	wrdreg s21  }
.LBB2_4:
0x1a: {  	_ =	swait.ge [sflag:s6], $0x1900  }
0x1b: {  	[sflag:s6] =	ssyncset.done $0x0  }
0x1c: {  	[sflag:s6] =	ssyncadd.s32 $0xFFFFE700  }
0x1d: {  	[spmem:s1] =	stream.indirect.scatter.add.f32 [tilespmem:s26], [sflag:$0xB], $0x80, s5, s15, $0xb8;
	[tilespmem:$0x1B400] =	vst v63  }
0x1e: {  	_ =	swait.ge [sflag:s7], $0x1900  }
0x1f: {  	[sflag:s7] =	ssyncset.done $0x0  }
0x20: {  	[sflag:s7] =	ssyncadd.s32 $0xFFFFE700  }
0x21: {  	_ =	swait.ge [sflag:s9], $0x1900  }
0x22: {  	[sflag:s9] =	ssyncset.done $0x0  }
0x23: {  	s19 =	simm.s32 $0xB;
	[sflag:s9] =	ssyncadd.s32 $0xFFFFE700  }
0x24: {  	[spmem:s1] =	stream.indirect.scatter.add.f32 [tilespmem:s0], [sflag:$0xC], $0x80, s10, s15, $0xb8;
	[tilespmem:$0x1B400] =	vst v63  }
0x25: {  	_ =	swait.ge [sflag:s19], $0x1900  }
0x26: {  	[sflag:s19] =	ssyncset.done $0x0  }
0x27: {  	s21 =	simm.s32 $0xC;
	[sflag:s19] =	ssyncadd.s32 $0xFFFFE700  }
0x28: {  	_ =	swait.ge [sflag:s21], $0x1900  }
0x29: {  	[sflag:s21] =	ssyncset.done $0x0  }
0x2a: {  	[sflag:s21] =	ssyncadd.s32 $0xFFFFE700  }
0x2b: {  	[bflag:$0x0] =	sbarrier.arrive $0xFFFF  }
0x2c: {  	s19 =	rddreg [dreg:$0x6]  }
0x2d: {  	s21 =	rddreg [dreg:$0x8]  }
0x2e: {  	s20 =	rddreg [dreg:$0x9]  }
0x2f: {  	[hbm:s19], [sflag:s21] =	dma.local [spmem:s20], $0x2800  }
0x30: {  	s19 =	simm.s32 $0xD  }
0x31: {  	_ =	swait.ge [sflag:s19], $0x2800  }
0x32: {  	s20 =	rddreg [dreg:$0xa]  }
0x33: {  	[sflag:s19] =	ssyncset.done $0x0;
	s19 =	rddreg [dreg:$0x7];
	s20 =	sadd.s32 $0x1, s20  }
0x34: {  	p0 =	sne.s32 s20, s19  }
.Ltmp1:
0x35: {  	_ = 	snop;
	(pc) =	sbr.rel @!p0 .LBB2_5-.Ltmp1, $3  }
0x36: {  	_ =	sdelay $0x1  }
0x37: {  	[dreg:$0xa] =	wrdreg s20;
	s19 =	simm.s32 $0xD  }
0x38: {  	s20 =	smov.u32 s21;
	s21 =	rddreg [dreg:$0x9];
	[sflag:s19] =	ssyncadd.s32 $0xFFFFD800  }
.LBB2_1:
0x39: {  	s19 =	rddreg [dreg:$0x3]  }
0x3a: {  	[tilespmem:s3], [sflag:$0x1] =	stream.linear.gather [hbm4b:s19+s3], $0x100, $0x38;
	[tilespmem:$0x1B400] =	vst v63  }
0x3b: {  	s19 =	rddreg [dreg:$0x4]  }
0x3c: {  	[tilespmem:s13], [sflag:$0x2] =	stream.linear.gather [hbm4b:s19+s3], $0x100, $0x38;
	[tilespmem:$0x1B400] =	vst v63  }
0x3d: {  	_ =	swait.ge [sflag:s14], $0x100  }
0x3e: {  	[sflag:s14] =	ssyncset.done $0x0  }
0x3f: {  	[sflag:s14] =	ssyncadd.s32 $0xFFFFFF00  }
0x40: {  	[tilespmem:s16], [sflag:$0x5] =	stream.indirect.gather [hbm4b:s4+s15], $0x80, s3, s15, $0xb8;
	[tilespmem:$0x1B400] =	vst v63  }
0x41: {  	_ =	swait.ge [sflag:s17], $0x100  }
0x42: {  	[sflag:s17] =	ssyncset.done $0x0  }
0x43: {  	s19 =	rddreg [dreg:$0x5];
	[sflag:s17] =	ssyncadd.s32 $0xFFFFFF00  }
0x44: {  	[tilespmem:s18], [sflag:$0x6] =	stream.indirect.gather [hbm4b:s4+s15], $0x80, s13, s15, $0xb8;
	[tilespmem:$0x1B400] =	vst v63  }
0x45: {  	[spmem:s21], [sflag:s20] =	dma.local [hbm:s19], $0x2800  }
0x46: {  	s21 =	simm.s32 $0xD  }
0x47: {  	_ =	swait.ge [sflag:s21], $0x2800  }
0x48: {  	[sflag:s21] =	ssyncset.done $0x0  }
0x49: {  	[sflag:s21] =	ssyncadd.s32 $0xFFFFD800  }
0x4a: {  	s20 =	simm.s32 $0x0;
	[bflag:$0x0] =	sbarrier.arrive $0xFFFF  }
.LBB2_2:
0x4b: {  	p0 =	seq.s32 s20, $0x0  }
0x4c: {  	s21 =	simm.s32 @!p0 $0xB  }
0x4d: {  	_ =	swait.ge @!p0 [sflag:s21], $0x1900  }
0x4e: {  	[sflag:s21] =	ssyncset.done @!p0 $0x0  }
0x4f: {  	s19 =	sadd.s32 s20, s12;
	[sflag:s21] =	ssyncadd.s32 @!p0 $0xFFFFE700  }
0x50: {  	[tilespmem:s22], [sflag:$0x3] =	stream.linear.gather [hbm4b:s19+s3], $0x100, $0x38;
	[tilespmem:$0x1B400] =	vst v63  }
0x51: {  	_ =	swait.ge [sflag:s23], $0x1900  }
0x52: {  	[sflag:s23] =	ssyncset.done $0x0  }
0x53: {  	[sflag:s23] =	ssyncadd.s32 $0xFFFFE700  }
0x54: {  	[spmem:s1] =	stream.indirect.scatter.add.f32 [tilespmem:s16], [sflag:$0x9], $0x80, s24, s15, $0xb8;
	[tilespmem:$0x1B400] =	vst v63  }
0x55: {  	_ =	swait.ge [sflag:s25], $0x100  }
0x56: {  	[sflag:s25] =	ssyncset.done $0x0  }
0x57: {  	s19 =	simm.s32 @!p0 $0xC;
	[sflag:s25] =	ssyncadd.s32 $0xFFFFFF00  }
0x58: {  	[tilespmem:s26], [sflag:$0x7] =	stream.indirect.gather [hbm4b:s4+s15], $0x80, s22, s15, $0xb8;
	[tilespmem:$0x1B400] =	vst v63  }
0x59: {  	_ =	swait.ge @!p0 [sflag:s19], $0x1900  }
0x5a: {  	s21 =	sadd.s32 s20, s8;
	[sflag:s19] =	ssyncset.done @!p0 $0x0  }
0x5b: {  	[sflag:s19] =	ssyncadd.s32 @!p0 $0xFFFFE700;
	s19 =	sadd.s32 $0x60, s21  }
0x5c: {  	[tilespmem:s28], [sflag:$0x4] =	stream.linear.gather [hbm4b:s19+s3], $0x100, $0x38;
	[tilespmem:$0x1B400] =	vst v63  }
0x5d: {  	_ =	swait.ge [sflag:s29], $0x1900  }
0x5e: {  	[sflag:s29] =	ssyncset.done $0x0  }
0x5f: {  	[sflag:s29] =	ssyncadd.s32 $0xFFFFE700  }
0x60: {  	[spmem:s1] =	stream.indirect.scatter.add.f32 [tilespmem:s18], [sflag:$0xA], $0x80, s30, s15, $0xb8;
	[tilespmem:$0x1B400] =	vst v63  }
0x61: {  	_ =	swait.ge [sflag:s31], $0x100  }
0x62: {  	p0 =	seq.s32 s20, $0x1880;
	[sflag:s31] =	ssyncset.done $0x0  }
.Ltmp2:
0x63: {  	[sflag:s31] =	ssyncadd.s32 $0xFFFFFF00;
	(pc) =	sbr.rel @p0 .LBB2_4-.Ltmp2, $4  }
0x64: {  	[tilespmem:s0], [sflag:$0x8] =	stream.indirect.gather [hbm4b:s4+s15], $0x80, s28, s15, $0xb8;
	[tilespmem:$0x1B400] =	vst v63  }
0x65: {  	_ =	swait.ge [sflag:s2], $0x1900  }
0x66: {  	[sflag:s2] =	ssyncset.done $0x0  }
0x67: {  	[sflag:s2] =	ssyncadd.s32 $0xFFFFE700  }
0x68: {  	s19 =	sadd.s32 s20, s11  }
0x69: {  	[tilespmem:s3], [sflag:$0x1] =	stream.linear.gather [hbm4b:s19+s3], $0x100, $0x38;
	[tilespmem:$0x1B400] =	vst v63  }
0x6a: {  	_ =	swait.ge [sflag:s6], $0x1900  }
0x6b: {  	[sflag:s6] =	ssyncset.done $0x0  }
0x6c: {  	[sflag:s6] =	ssyncadd.s32 $0xFFFFE700  }
0x6d: {  	[spmem:s1] =	stream.indirect.scatter.add.f32 [tilespmem:s26], [sflag:$0xB], $0x80, s5, s15, $0xb8;
	[tilespmem:$0x1B400] =	vst v63  }
0x6e: {  	_ =	swait.ge [sflag:s14], $0x100  }
0x6f: {  	[sflag:s14] =	ssyncset.done $0x0  }
0x70: {  	[sflag:s14] =	ssyncadd.s32 $0xFFFFFF00  }
0x71: {  	[tilespmem:s16], [sflag:$0x5] =	stream.indirect.gather [hbm4b:s4+s15], $0x80, s3, s15, $0xb8;
	[tilespmem:$0x1B400] =	vst v63  }
0x72: {  	_ =	swait.ge [sflag:s7], $0x1900  }
0x73: {  	[sflag:s7] =	ssyncset.done $0x0  }
0x74: {  	s21 =	sadd.s32 $0xA0, s21;
	[sflag:s7] =	ssyncadd.s32 $0xFFFFE700  }
0x75: {  	[tilespmem:s13], [sflag:$0x2] =	stream.linear.gather [hbm4b:s21+s3], $0x100, $0x38;
	[tilespmem:$0x1B400] =	vst v63  }
0x76: {  	_ =	swait.ge [sflag:s9], $0x1900  }
0x77: {  	[sflag:s9] =	ssyncset.done $0x0  }
0x78: {  	[sflag:s9] =	ssyncadd.s32 $0xFFFFE700  }
0x79: {  	[spmem:s1] =	stream.indirect.scatter.add.f32 [tilespmem:s0], [sflag:$0xC], $0x80, s10, s15, $0xb8;
	[tilespmem:$0x1B400] =	vst v63  }
.Ltmp3:
0x7a: {  	_ = 	snop;
	(pc) =	sbr.rel .LBB2_2-.Ltmp3, $4  }
0x7b: {  	_ =	swait.ge [sflag:s17], $0x100  }
0x7c: {  	[sflag:s17] =	ssyncset.done $0x0  }
0x7d: {  	s20 =	sadd.s32 $0x80, s20;
	[sflag:s17] =	ssyncadd.s32 $0xFFFFFF00  }
0x7e: {  	[tilespmem:s18], [sflag:$0x6] =	stream.indirect.gather [hbm4b:s4+s15], $0x80, s13, s15, $0xb8;
	[tilespmem:$0x1B400] =	vst v63  }
.LBB2_5:
0x7f: {  	_ =	sfence.sel $0x180000  }
0x80: {  	[bflag:$0x0] =	sbarrier.arrive $0xFFFF  }
0x81: {  	_ =	strace $0x9000004D  }
0x82: {  	s0 =	stileid.u32;
	[bflag:$0x2] =	sbarrier.arrive $0xFFFF  }
0x83: {  	p0 =	sne.s32 s0, $0x0;
	s0 =	rddreg [dreg:$0x2]  }
0x84: {  	s0 =	sadd.s32 @!p0 $0x100000, s0  }
0x85: {  	[sflag:s0] =	ssyncadd.tile.s32 @!p0 $0x1;
	_ =	shalt  }
.Lfunc_end2:
_tile_overlayer_lowered:
.L_overlay_start_2:
0x86: {  	(tag) =	ssettag $0x2  }
0x87: {  	s0 =	rddreg [dreg:$0x0];
	s2 =	stileid.u32  }
0x88: {  	s1 =	rddreg [dreg:$0x1];
	p0 =	sne.s32 s2, $0x0  }
0x89: {  	s3 =	rddreg [dreg:$0x2];
	[bflag:$0x3] =	sbarrier.arrive $0xFFFF;
	s2 =	simm.s32 @!p0 $0x1C0D  }
0x8a: {  	[timem:s3], [sflag:s2] =	dma.local @!p0 [hbm:s0], s1  }
0x8b: {  	s0 =	simm.s32 @!p0 $0xD  }
0x8c: {  	_ =	swait.ge @!p0 [sflag:s0], s1  }
0x8d: {  	s1 =	ssub.s32 @!p0 $0x0, s1;
	[sflag:s0] =	ssyncset.done @!p0 $0x0  }
0x8e: {  	[sflag:s0] =	ssyncadd.s32 @!p0 s1  }
0x8f: {  	[bflag:$0x3] =	sbarrier.arrive $0xFFFF  }
0x90: {  	_ =	shalt  }

// kernel: kernel.19.cloned.1.call-start
scs
__scs_entry_jumppad:
0x0: {  	(pc) =	sbr.rel $0x88, $3  }
0x1: {  	(tag) =	ssettag $0x0;
	lr =	simm.s32 $0x1  }
0x2: {  	[smem:$0x3F86] =	sst lr;
	_ =	strace $0xD0000000  }
0x3: {  	_ = 	snop  }
0x4: {  	_ = 	snop  }
0x5: {  	_ = 	snop  }
0x6: {  	_ = 	snop  }
0x7: {  	_ = 	snop  }
__scs_overlays_trampoline_lowered:
0x8: {  	[smem:$0x3F95] =	sst s0  }
0x9: {  	[smem:$0x3F96] =	sst s1  }
0xa: {  	[smem:$0x3F97] =	sst s2  }
0xb: {  	[smem:$0x3F98] =	sst s3  }
0xc: {  	[smem:$0x3F99] =	sst s4  }
0xd: {  	[smem:$0x3F9A] =	sst s5  }
0xe: {  	[smem:$0x3F9B] =	sst s6  }
0xf: {  	[smem:$0x3F9C] =	sst s7  }
0x10: {  	[smem:$0x3F9D] =	sst s8  }
0x11: {  	[smem:$0x3F9E] =	sst s9;
	s0 =	simm.s32 @!p0 $0x0  }
0x12: {  	s1 =	sld [smem:$0x3F84];
	s0 =	simm.s32 @p0 $0x1  }
0x13: {  	[smem:$0x3F9F] =	sst s0;
	s0 =	simm.s32 @!p1 $0x0  }
0x14: {  	s2 =	sld [smem:$0x3F83];
	s0 =	simm.s32 @p1 $0x1  }
0x15: {  	[smem:$0x3FA0] =	sst s0;
	s0 =	simm.s32 @!p2 $0x0  }
0x16: {  	s3 =	sld [smem:$0x3FDB];
	s0 =	simm.s32 @p2 $0x1  }
0x17: {  	s4 =	simm.s32 $0x1BF5;
	[smem:$0x3FA2] =	sst s0  }
0x18: {  	s0 =	sld [smem:$0x3F85];
	_ =	swait.ge [sflag:s4], $0x0  }
0x19: {  	s7 =	sld [smem:$0x3F86]  }
0x1a: {  	s8 =	sadd.s32 $0xFFFFE003, lr  }
0x1b: {  	s9 =	sadd.s32 $0xFFFFFEF7, lr;
	s5 =	simm.s32 $0xFFFFFFFF;
	p2 =	slt.u32 s8, $0xFFFFF086  }
0x1c: {  	p1 =	slt.u32 s9, $0xF7A;
	s5 =	simm.s32 @!p2 $0x0  }
0x1d: {  	s5 =	simm.s32 @p1 $0x1;
	p0 =	seq.s32 s7, s2  }
0x1e: {  	s7 =	smul.u32 @!p0 $0xF7A, s2;
	p2 =	seq.s32 @!p0 s5, $0x0  }
0x1f: {  	s9 =	smul.u32 $0xF7A, s1;
	s8 =	simm.s32 @!p0 $0x1BF5;
	p2 =	por !p2, p0  }
0x20: {  	[sflag:s8] =	ssyncset.s32 @!p0 $0xFFFFF086;
	s6 =	sadd.s32 @!p0 s3, s7;
	s7 =	simm.s32 @!p0 $0x108  }
0x21: {  	s3 =	sadd.s32 s3, s9;
	s6 =	sadd.s32 @!p0 $0x88, s6;
	s7 =	simm.s32 @p2 $0x1082  }
0x22: {  	[simem:s7], [sflag:s8] =	dma.local @!p0 [hbm:s6], $0xF7A  }
0x23: {  	s9 =	sor.u32 $0xD0000000, s2;
	s6 =	simm.s32 $0x108;
	_ =	swait.ge @!p0 [sflag:s8], $0x0  }
0x24: {  	s3 =	sadd.s32 $0x88, s3;
	s6 =	simm.s32 @!p1 $0x1082;
	[sflag:s4] =	ssyncset.s32 $0xFFFFF086  }
0x25: {  	[simem:s6], [sflag:s4] =	dma.local [hbm:s3], $0xF7A  }
0x26: {  	[smem:$0x3F86] =	sst s1;
	(tag) =	ssettag s2;
	_ =	strace s9  }
0x27: {  	s1 =	sld [smem:$0x3F96]  }
0x28: {  	s2 =	sld [smem:$0x3F97]  }
0x29: {  	s4 =	sld [smem:$0x3F99]  }
0x2a: {  	p0 =	seq.s32 s5, $0x0;
	s5 =	sld [smem:$0x3F9A]  }
0x2b: {  	s6 =	sld [smem:$0x3F9B]  }
0x2c: {  	s7 =	sld [smem:$0x3F9C]  }
0x2d: {  	s3 =	simm.s32 $0x108;
	s8 =	sld [smem:$0x3F9D]  }
0x2e: {  	s3 =	simm.s32 @!p0 $0x1082;
	s9 =	sld [smem:$0x3F9E]  }
0x2f: {  	lr =	sadd.s32 s0, s3;
	s0 =	sld [smem:$0x3F95]  }
0x30: {  	s3 =	sld [smem:$0x3F98]  }
0x31: {  	[smem:$0x3FA1] =	sst s10  }
0x32: {  	s10 =	sld [smem:$0x3F9F];
	_ =	sdelay $0x3  }
0x33: {  	p0 =	seq.s32 s10, $0x1;
	s10 =	sld [smem:$0x3FA1];
	_ =	sdelay $0x3  }
0x34: {  	[smem:$0x3FA1] =	sst s10  }
0x35: {  	s10 =	sld [smem:$0x3FA0];
	_ =	sdelay $0x3  }
0x36: {  	p1 =	seq.s32 s10, $0x1;
	s10 =	sld [smem:$0x3FA1];
	_ =	sdelay $0x3  }
0x37: {  	[smem:$0x3FA1] =	sst s10  }
0x38: {  	s10 =	sld [smem:$0x3FA2]  }
0x39: {  	_ = 	snop;
	(pc) =	sbr.ind lr, $3  }
0x3a: {  	_ = 	snop  }
0x3b: {  	_ = 	snop  }
0x3c: {  	p2 =	seq.s32 s10, $0x1;
	s10 =	sld [smem:$0x3FA1]  }
0x3d: {  	_ =	shalt  }
0x3e: {  	_ =	shalt  }
0x3f: {  	_ =	shalt  }
0x40: {  	_ =	shalt  }
0x41: {  	_ =	shalt  }
0x42: {  	_ =	shalt  }
0x43: {  	_ =	shalt  }
0x44: {  	_ =	shalt  }
0x45: {  	_ =	shalt  }
0x46: {  	_ =	shalt  }
0x47: {  	_ =	shalt  }
0x48: {  	_ =	shalt  }
0x49: {  	_ =	shalt  }
0x4a: {  	_ =	shalt  }
0x4b: {  	_ =	shalt  }
0x4c: {  	_ =	shalt  }
0x4d: {  	_ =	shalt  }
0x4e: {  	_ =	shalt  }
0x4f: {  	_ =	shalt  }
0x50: {  	_ =	shalt  }
0x51: {  	_ =	shalt  }
0x52: {  	_ =	shalt  }
0x53: {  	_ =	shalt  }
0x54: {  	_ =	shalt  }
0x55: {  	_ =	shalt  }
0x56: {  	_ =	shalt  }
0x57: {  	_ =	shalt  }
0x58: {  	_ =	shalt  }
0x59: {  	_ =	shalt  }
0x5a: {  	_ =	shalt  }
0x5b: {  	_ =	shalt  }
0x5c: {  	_ =	shalt  }
0x5d: {  	_ =	shalt  }
0x5e: {  	_ =	shalt  }
0x5f: {  	_ =	shalt  }
0x60: {  	_ =	shalt  }
0x61: {  	_ =	shalt  }
0x62: {  	_ =	shalt  }
0x63: {  	_ =	shalt  }
0x64: {  	_ =	shalt  }
0x65: {  	_ =	shalt  }
0x66: {  	_ =	shalt  }
0x67: {  	_ =	shalt  }
0x68: {  	_ =	shalt  }
0x69: {  	_ =	shalt  }
0x6a: {  	_ =	shalt  }
0x6b: {  	_ =	shalt  }
0x6c: {  	_ =	shalt  }
0x6d: {  	_ =	shalt  }
0x6e: {  	_ =	shalt  }
0x6f: {  	_ =	shalt  }
0x70: {  	_ =	shalt  }
0x71: {  	_ =	shalt  }
0x72: {  	_ =	shalt  }
0x73: {  	_ =	shalt  }
0x74: {  	_ =	shalt  }
0x75: {  	_ =	shalt  }
0x76: {  	_ =	shalt  }
0x77: {  	_ =	shalt  }
0x78: {  	_ =	shalt  }
0x79: {  	_ =	shalt  }
0x7a: {  	_ =	shalt  }
0x7b: {  	_ =	shalt  }
0x7c: {  	_ =	shalt  }
0x7d: {  	_ =	shalt  }
0x7e: {  	_ =	shalt  }
0x7f: {  	_ =	shalt  }
0x80: {  	_ =	shalt  }
0x81: {  	_ =	shalt  }
0x82: {  	_ =	shalt  }
0x83: {  	_ =	shalt  }
0x84: {  	_ =	shalt  }
0x85: {  	_ =	shalt  }
0x86: {  	_ =	shalt  }
0x87: {  	_ =	shalt  }
.Lfunc_end0:
.L_simem_size_0:
called_computation.3_lowered:
.L_overlay_start_0:
0x88: {  	s2 =	sld [smem:$0x3FD9]  }
0x89: {  	s3 =	sld [smem:$0x3FFE];
	_ =	sdelay $0x1  }
0x8a: {  	s1 =	srdreg.scid  }
0x8b: {  	s0 =	sand.u32 $0x1, s1  }
0x8c: {  	s16 =	sshll.u32 s0, $0xA;
	s2 =	sadd.s32 s3, s2  }
0x8d: {  	s2 =	sadd.s32 s2, s16  }
0x8e: {  	[smem:$0x3FAD] =	sst s2  }
0x8f: {  	_ = 	snop  }
0x90: {  	(tm) =	ssettm $0x1  }
0x91: {  	s17 =	sld [smem:$0x3FFB];
	_ =	sdelay $0x3  }
0x92: {  	_ =	strace s17  }
0x93: {  	s2 =	sld [smem:$0x3FFC];
	_ =	sdelay $0x3  }
0x94: {  	_ =	strace s2  }
0x95: {  	s2 =	sld [smem:$0x3FFD];
	_ =	sdelay $0x3  }
0x96: {  	_ =	strace s2  }
0x97: {  	_ =	strace $0x8FFFFFFF  }
0x98: {  	s18 =	sld [smem:$0x3FDB];
	_ =	sdelay $0x1  }
0x99: {  	s19 =	simm.s32 $_scs_section_size  }
0x9a: {  	s4 =	simm.s32 $_size__tile_overlayer_lowered;
	s5 =	simm.s32 $_tile_overlayer_lowered  }
0x9b: {  	s22 =	simm.s32 $0x1BFF;
	s21 =	sshll.u32 s5, $0x1;
	s2 =	sadd.s32 s19, s18  }
0x9c: {  	s6 =	simm.s32 $0x0;
	s20 =	sshll.u32 s4, $0x1;
	s4 =	sadd.s32 s21, s2  }
0x9d: {  	[timem:s6], [sflag:s22] =	dma.local [hbm:s4], s20  }
0x9e: {  	_ =	swait.ge [sflag:s22], s20  }
0x9f: {  	s3 =	ssub.s32 $0x0, s20;
	[sflag:s22] =	ssyncset.done $0x0  }
0xa0: {  	[sflag:s22] =	ssyncadd.s32 s3;
	_ =	sdelay $0x1  }
0xa1: {  	s23 =	simm.s32 $0x1B8B  }
0xa2: {  	_ =	swait.ge [sflag:s23], $0x1  }
0xa3: {  	[sflag:s23] =	ssyncset.done $0x0  }
0xa4: {  	s25 =	simm.s32 $0x1B8E;
	s24 =	sld [smem:$0x3FFE];
	[sflag:s23] =	ssyncadd.s32 $0xFFFFFFFF  }
0xa5: {  	s26 =	simm.s32 $execute0_lowered;
	[smem:$0x3FD2] =	sst s25  }
0xa6: {  	s4 =	sshll.u32 s26, $0x1;
	_ =	strace $0x8000004F;
	[dreg:$0x1] =	wrdreg $0xFFFFFFFF  }
0xa7: {  	s28 =	simm.s32 $_size_execute0_lowered;
	s2 =	sadd.s32 s2, s4;
	[dreg:$0x0] =	wrdreg $0x0  }
0xa8: {  	s4 =	sshll.u32 s28, $0x1;
	[dreg:$0x2] =	wrdreg s2  }
0xa9: {  	[dreg:$0x3] =	wrdreg s4  }
0xaa: {  	[dreg:$0x4] =	wrdreg $0xC0  }
0xab: {  	_ =	task [dreg:s6], $0x5FFFF  }
0xac: {  	[dreg:$0x1] =	wrdreg $0xFFFFFFFF  }
0xad: {  	[dreg:$0x0] =	wrdreg $0x60  }
0xae: {  	[dreg:$0x2] =	wrdreg s24  }
0xaf: {  	[dreg:$0x3] =	wrdreg $0x74000  }
0xb0: {  	[dreg:$0x4] =	wrdreg $0x9  }
0xb1: {  	_ =	task.clear_ibuf [dreg:s6], $0x5FFFF;
	_ =	strace $0x9000004F  }
0xb2: {  	s29 =	simm.s32 $0x9;
	_ =	strace $0x80000051  }
0xb3: {  	_ =	swait.ge [sflag:s29], $0x1  }
0xb4: {  	[sflag:s29] =	ssyncadd.s32 $0xFFFFFFFF  }
0xb5: {  	_ =	strace $0x90000051  }
0xb6: {  	_ =	sfence  }
0xb7: {  	s30 =	sld [smem:$0x0];
	_ =	sdelay $0x2  }
0xb8: {  	s31 =	sshll.u32 s1, $0xD;
	s1 =	sshrl.u32 s1, $0x2  }
0xb9: {  	s3 =	sand.u32 $0x4000, s31;
	s1 =	sadd.s32 s1, s30  }
0xba: {  	s0 =	sor.u32 s3, s0;
	s1 =	sshll.u32 s1, $0x11  }
0xbb: {  	s0 =	sor.u32 s1, s0  }
0xbc: {  	s0 =	sadd.s32 $0x8F2B, s0  }
0xbd: {  	[sflag:s0] =	ssyncadd.remote.s32 $0x1  }
0xbe: {  	_ =	sfence.sel $0xFFFF  }
0xbf: {  	[dreg:$0x0] =	wrdreg $0xFFFFFFFF;
	(pc) =	sbr.abs _section_cstart, $3  }
0xc0: {  	[dreg:$0x1] =	wrdreg $0xFFFFFFFF  }
0xc1: {  	_ =	task.clear_ibuf [dreg:s6], $0x2FFFF;
	_ =	strace $0x9FFFFFFF  }
0xc2: {  	(tm) =	ssettm $0x7FFFFFFF  }
0xc3: {  	_ =	shalt  }
tec
execute0_lowered:
.L_overlay_start_1:
0x0: {  	(tag) =	ssettag $0x1  }
0x1: {  	s0 =	rddreg [dreg:$0x0]  }
0x2: {  	s1 =	rddreg [dreg:$0x1];
	s3 =	simm.s32 $0x0;
	s2 =	srdreg.scid  }
0x3: {  	s17 =	stileid.u32;
	s13 =	simm.s32 $0x100;
	s14 =	simm.s32 $0x1  }
0x4: {  	s15 =	simm.s32 $0x32;
	s16 =	simm.s32 $0x400;
	s18 =	simm.s32 $0x2000  }
0x5: {  	s28 =	simm.s32 $0x300;
	s29 =	simm.s32 $0x6;
	s30 =	simm.s32 $0x180  }
0x6: {  	s31 =	simm.s32 $0x4;
	s19 =	simm.s32 $0x0;
	s5 =	smul.u32 $0x14000, s17  }
0x7: {  	[smem:$0x7FF] =	sst s3;
	s2 =	sand.u32 $0x1, s2;
	s10 =	smul.u32 $0xC8, s17  }
0x8: {  	s4 =	sadd.s32 $0x5400, s0;
	s8 =	sadd.s32 $0x2C600, s0;
	s11 =	smul.u32 $0x50000, s17  }
0x9: {  	s26 =	sshll.u32 s17, $0x6;
	_ =	strace $0x80000050;
	s7 =	smul.u32 $0x140000, s2  }
0xa: {  	s6 =	sshll.u32 s2, $0x4;
	s20 =	smul.u32 $0xC80, s2;
	s2 =	ssub.s32 $0x2, s2  }
0xb: {  	[dreg:$0xa] =	wrdreg s19;
	s6 =	sor.u32 s17, s6;
	s9 =	sshrl.u32 s5, $0x3  }
0xc: {  	s21 =	sshrl.u32 s2, $0x1;
	s23 =	sshrl.u32 s11, $0x2;
	s17 =	simm.s32 $0x2  }
0xd: {  	s6 =	smul.u32 $0x1900, s6;
	s9 =	sadd.s32 s9, s0;
	s5 =	sadd.s32 s5, s7  }
0xe: {  	s2 =	ssub.s32 s2, s21;
	s22 =	sadd.s32 s10, s20;
	s20 =	sor.u32 $0x1C0D, s26  }
0xf: {  	s26 =	simm.s32 $0x3C00;
	s7 =	simm.s32 $0xA;
	s10 =	simm.s32 $0x380  }
0x10: {  	s5 =	sshrl.u32 s5, $0x3;
	s24 =	sadd.s32 $0x5E600, s9;
	s25 =	smax.u32 s2, $0x1  }
0x11: {  	s2 =	simm.s32 $0x9;
	s9 =	simm.s32 $0x8;
	[dreg:$0x8] =	wrdreg s20  }
0x12: {  	s0 =	sadd.s32 s5, s0;
	s6 =	sadd.s32 s8, s6;
	[dreg:$0x5] =	wrdreg s24  }
0x13: {  	s5 =	sshll.u32 s22, $0x5;
	[dreg:$0x7] =	wrdreg s25;
	s22 =	simm.s32 $0x200  }
0x14: {  	s24 =	simm.s32 $0x80;
	s25 =	simm.s32 $0x3;
	[dreg:$0x3] =	wrdreg s6  }
.Ltmp0:
0x15: {  	s6 =	sadd.s32 $0x20, s6;
	s8 =	sadd.s32 s5, s8;
	(pc) =	sbr.rel .LBB2_1-.Ltmp0, $4  }
0x16: {  	s0 =	sadd.s32 $0x86600, s0;
	s5 =	simm.s32 $0x280;
	[dreg:$0x4] =	wrdreg s6  }
0x17: {  	s6 =	sadd.s32 s23, s1;
	[dreg:$0x6] =	wrdreg s0;
	s11 =	sadd.s32 $0x80, s8  }
0x18: {  	s12 =	sadd.s32 $0x40, s8;
	s23 =	simm.s32 $0x5;
	s21 =	sshrl.u32 s6, $0x3  }
0x19: {  	s0 =	simm.s32 $0x5800;
	s6 =	simm.s32 $0x7;
	[dreg:$0x9] =	wrdreg s21  }
.LBB2_4:
0x1a: {  	_ =	swait.ge [sflag:s6], $0x1900  }
0x1b: {  	[sflag:s6] =	ssyncset.done $0x0  }
0x1c: {  	[sflag:s6] =	ssyncadd.s32 $0xFFFFE700  }
0x1d: {  	[spmem:s1] =	stream.indirect.scatter.add.f32 [tilespmem:s26], [sflag:$0xB], $0x80, s5, s15, $0xb8;
	[tilespmem:$0x1B400] =	vst v63  }
0x1e: {  	_ =	swait.ge [sflag:s7], $0x1900  }
0x1f: {  	[sflag:s7] =	ssyncset.done $0x0  }
0x20: {  	[sflag:s7] =	ssyncadd.s32 $0xFFFFE700  }
0x21: {  	_ =	swait.ge [sflag:s9], $0x1900  }
0x22: {  	[sflag:s9] =	ssyncset.done $0x0  }
0x23: {  	s19 =	simm.s32 $0xB;
	[sflag:s9] =	ssyncadd.s32 $0xFFFFE700  }
0x24: {  	[spmem:s1] =	stream.indirect.scatter.add.f32 [tilespmem:s0], [sflag:$0xC], $0x80, s10, s15, $0xb8;
	[tilespmem:$0x1B400] =	vst v63  }
0x25: {  	_ =	swait.ge [sflag:s19], $0x1900  }
0x26: {  	[sflag:s19] =	ssyncset.done $0x0  }
0x27: {  	s21 =	simm.s32 $0xC;
	[sflag:s19] =	ssyncadd.s32 $0xFFFFE700  }
0x28: {  	_ =	swait.ge [sflag:s21], $0x1900  }
0x29: {  	[sflag:s21] =	ssyncset.done $0x0  }
0x2a: {  	[sflag:s21] =	ssyncadd.s32 $0xFFFFE700  }
0x2b: {  	[bflag:$0x0] =	sbarrier.arrive $0xFFFF  }
0x2c: {  	s19 =	rddreg [dreg:$0x6]  }
0x2d: {  	s21 =	rddreg [dreg:$0x8]  }
0x2e: {  	s20 =	rddreg [dreg:$0x9]  }
0x2f: {  	[hbm:s19], [sflag:s21] =	dma.local [spmem:s20], $0x2800  }
0x30: {  	s19 =	simm.s32 $0xD  }
0x31: {  	_ =	swait.ge [sflag:s19], $0x2800  }
0x32: {  	s20 =	rddreg [dreg:$0xa]  }
0x33: {  	[sflag:s19] =	ssyncset.done $0x0;
	s19 =	rddreg [dreg:$0x7];
	s20 =	sadd.s32 $0x1, s20  }
0x34: {  	p0 =	sne.s32 s20, s19  }
.Ltmp1:
0x35: {  	_ = 	snop;
	(pc) =	sbr.rel @!p0 .LBB2_5-.Ltmp1, $3  }
0x36: {  	_ =	sdelay $0x1  }
0x37: {  	[dreg:$0xa] =	wrdreg s20;
	s19 =	simm.s32 $0xD  }
0x38: {  	s20 =	smov.u32 s21;
	s21 =	rddreg [dreg:$0x9];
	[sflag:s19] =	ssyncadd.s32 $0xFFFFD800  }
.LBB2_1:
0x39: {  	s19 =	rddreg [dreg:$0x3]  }
0x3a: {  	[tilespmem:s3], [sflag:$0x1] =	stream.linear.gather [hbm4b:s19+s3], $0x100, $0x38;
	[tilespmem:$0x1B400] =	vst v63  }
0x3b: {  	s19 =	rddreg [dreg:$0x4]  }
0x3c: {  	[tilespmem:s13], [sflag:$0x2] =	stream.linear.gather [hbm4b:s19+s3], $0x100, $0x38;
	[tilespmem:$0x1B400] =	vst v63  }
0x3d: {  	_ =	swait.ge [sflag:s14], $0x100  }
0x3e: {  	[sflag:s14] =	ssyncset.done $0x0  }
0x3f: {  	[sflag:s14] =	ssyncadd.s32 $0xFFFFFF00  }
0x40: {  	[tilespmem:s16], [sflag:$0x5] =	stream.indirect.gather [hbm4b:s4+s15], $0x80, s3, s15, $0xb8;
	[tilespmem:$0x1B400] =	vst v63  }
0x41: {  	_ =	swait.ge [sflag:s17], $0x100  }
0x42: {  	[sflag:s17] =	ssyncset.done $0x0  }
0x43: {  	s19 =	rddreg [dreg:$0x5];
	[sflag:s17] =	ssyncadd.s32 $0xFFFFFF00  }
0x44: {  	[tilespmem:s18], [sflag:$0x6] =	stream.indirect.gather [hbm4b:s4+s15], $0x80, s13, s15, $0xb8;
	[tilespmem:$0x1B400] =	vst v63  }
0x45: {  	[spmem:s21], [sflag:s20] =	dma.local [hbm:s19], $0x2800  }
0x46: {  	s21 =	simm.s32 $0xD  }
0x47: {  	_ =	swait.ge [sflag:s21], $0x2800  }
0x48: {  	[sflag:s21] =	ssyncset.done $0x0  }
0x49: {  	[sflag:s21] =	ssyncadd.s32 $0xFFFFD800  }
0x4a: {  	s20 =	simm.s32 $0x0;
	[bflag:$0x0] =	sbarrier.arrive $0xFFFF  }
.LBB2_2:
0x4b: {  	p0 =	seq.s32 s20, $0x0  }
0x4c: {  	s21 =	simm.s32 @!p0 $0xB  }
0x4d: {  	_ =	swait.ge @!p0 [sflag:s21], $0x1900  }
0x4e: {  	[sflag:s21] =	ssyncset.done @!p0 $0x0  }
0x4f: {  	s19 =	sadd.s32 s20, s12;
	[sflag:s21] =	ssyncadd.s32 @!p0 $0xFFFFE700  }
0x50: {  	[tilespmem:s22], [sflag:$0x3] =	stream.linear.gather [hbm4b:s19+s3], $0x100, $0x38;
	[tilespmem:$0x1B400] =	vst v63  }
0x51: {  	_ =	swait.ge [sflag:s23], $0x1900  }
0x52: {  	[sflag:s23] =	ssyncset.done $0x0  }
0x53: {  	[sflag:s23] =	ssyncadd.s32 $0xFFFFE700  }
0x54: {  	[spmem:s1] =	stream.indirect.scatter.add.f32 [tilespmem:s16], [sflag:$0x9], $0x80, s24, s15, $0xb8;
	[tilespmem:$0x1B400] =	vst v63  }
0x55: {  	_ =	swait.ge [sflag:s25], $0x100  }
0x56: {  	[sflag:s25] =	ssyncset.done $0x0  }
0x57: {  	s19 =	simm.s32 @!p0 $0xC;
	[sflag:s25] =	ssyncadd.s32 $0xFFFFFF00  }
0x58: {  	[tilespmem:s26], [sflag:$0x7] =	stream.indirect.gather [hbm4b:s4+s15], $0x80, s22, s15, $0xb8;
	[tilespmem:$0x1B400] =	vst v63  }
0x59: {  	_ =	swait.ge @!p0 [sflag:s19], $0x1900  }
0x5a: {  	s21 =	sadd.s32 s20, s8;
	[sflag:s19] =	ssyncset.done @!p0 $0x0  }
0x5b: {  	[sflag:s19] =	ssyncadd.s32 @!p0 $0xFFFFE700;
	s19 =	sadd.s32 $0x60, s21  }
0x5c: {  	[tilespmem:s28], [sflag:$0x4] =	stream.linear.gather [hbm4b:s19+s3], $0x100, $0x38;
	[tilespmem:$0x1B400] =	vst v63  }
0x5d: {  	_ =	swait.ge [sflag:s29], $0x1900  }
0x5e: {  	[sflag:s29] =	ssyncset.done $0x0  }
0x5f: {  	[sflag:s29] =	ssyncadd.s32 $0xFFFFE700  }
0x60: {  	[spmem:s1] =	stream.indirect.scatter.add.f32 [tilespmem:s18], [sflag:$0xA], $0x80, s30, s15, $0xb8;
	[tilespmem:$0x1B400] =	vst v63  }
0x61: {  	_ =	swait.ge [sflag:s31], $0x100  }
0x62: {  	p0 =	seq.s32 s20, $0x1880;
	[sflag:s31] =	ssyncset.done $0x0  }
.Ltmp2:
0x63: {  	[sflag:s31] =	ssyncadd.s32 $0xFFFFFF00;
	(pc) =	sbr.rel @p0 .LBB2_4-.Ltmp2, $4  }
0x64: {  	[tilespmem:s0], [sflag:$0x8] =	stream.indirect.gather [hbm4b:s4+s15], $0x80, s28, s15, $0xb8;
	[tilespmem:$0x1B400] =	vst v63  }
0x65: {  	_ =	swait.ge [sflag:s2], $0x1900  }
0x66: {  	[sflag:s2] =	ssyncset.done $0x0  }
0x67: {  	[sflag:s2] =	ssyncadd.s32 $0xFFFFE700  }
0x68: {  	s19 =	sadd.s32 s20, s11  }
0x69: {  	[tilespmem:s3], [sflag:$0x1] =	stream.linear.gather [hbm4b:s19+s3], $0x100, $0x38;
	[tilespmem:$0x1B400] =	vst v63  }
0x6a: {  	_ =	swait.ge [sflag:s6], $0x1900  }
0x6b: {  	[sflag:s6] =	ssyncset.done $0x0  }
0x6c: {  	[sflag:s6] =	ssyncadd.s32 $0xFFFFE700  }
0x6d: {  	[spmem:s1] =	stream.indirect.scatter.add.f32 [tilespmem:s26], [sflag:$0xB], $0x80, s5, s15, $0xb8;
	[tilespmem:$0x1B400] =	vst v63  }
0x6e: {  	_ =	swait.ge [sflag:s14], $0x100  }
0x6f: {  	[sflag:s14] =	ssyncset.done $0x0  }
0x70: {  	[sflag:s14] =	ssyncadd.s32 $0xFFFFFF00  }
0x71: {  	[tilespmem:s16], [sflag:$0x5] =	stream.indirect.gather [hbm4b:s4+s15], $0x80, s3, s15, $0xb8;
	[tilespmem:$0x1B400] =	vst v63  }
0x72: {  	_ =	swait.ge [sflag:s7], $0x1900  }
0x73: {  	[sflag:s7] =	ssyncset.done $0x0  }
0x74: {  	s21 =	sadd.s32 $0xA0, s21;
	[sflag:s7] =	ssyncadd.s32 $0xFFFFE700  }
0x75: {  	[tilespmem:s13], [sflag:$0x2] =	stream.linear.gather [hbm4b:s21+s3], $0x100, $0x38;
	[tilespmem:$0x1B400] =	vst v63  }
0x76: {  	_ =	swait.ge [sflag:s9], $0x1900  }
0x77: {  	[sflag:s9] =	ssyncset.done $0x0  }
0x78: {  	[sflag:s9] =	ssyncadd.s32 $0xFFFFE700  }
0x79: {  	[spmem:s1] =	stream.indirect.scatter.add.f32 [tilespmem:s0], [sflag:$0xC], $0x80, s10, s15, $0xb8;
	[tilespmem:$0x1B400] =	vst v63  }
.Ltmp3:
0x7a: {  	_ = 	snop;
	(pc) =	sbr.rel .LBB2_2-.Ltmp3, $4  }
0x7b: {  	_ =	swait.ge [sflag:s17], $0x100  }
0x7c: {  	[sflag:s17] =	ssyncset.done $0x0  }
0x7d: {  	s20 =	sadd.s32 $0x80, s20;
	[sflag:s17] =	ssyncadd.s32 $0xFFFFFF00  }
0x7e: {  	[tilespmem:s18], [sflag:$0x6] =	stream.indirect.gather [hbm4b:s4+s15], $0x80, s13, s15, $0xb8;
	[tilespmem:$0x1B400] =	vst v63  }
.LBB2_5:
0x7f: {  	_ =	sfence.sel $0x180000  }
0x80: {  	[bflag:$0x0] =	sbarrier.arrive $0xFFFF  }
0x81: {  	_ =	strace $0x90000050  }
0x82: {  	s0 =	stileid.u32;
	[bflag:$0x2] =	sbarrier.arrive $0xFFFF  }
0x83: {  	p0 =	sne.s32 s0, $0x0;
	s0 =	rddreg [dreg:$0x2]  }
0x84: {  	s0 =	sadd.s32 @!p0 $0x100000, s0  }
0x85: {  	[sflag:s0] =	ssyncadd.tile.s32 @!p0 $0x1;
	_ =	shalt  }
.Lfunc_end2:
_tile_overlayer_lowered:
.L_overlay_start_2:
0x86: {  	(tag) =	ssettag $0x2  }
0x87: {  	s0 =	rddreg [dreg:$0x0];
	s2 =	stileid.u32  }
0x88: {  	s1 =	rddreg [dreg:$0x1];
	p0 =	sne.s32 s2, $0x0  }
0x89: {  	s3 =	rddreg [dreg:$0x2];
	[bflag:$0x3] =	sbarrier.arrive $0xFFFF;
	s2 =	simm.s32 @!p0 $0x1C0D  }
0x8a: {  	[timem:s3], [sflag:s2] =	dma.local @!p0 [hbm:s0], s1  }
0x8b: {  	s0 =	simm.s32 @!p0 $0xD  }
0x8c: {  	_ =	swait.ge @!p0 [sflag:s0], s1  }
0x8d: {  	s1 =	ssub.s32 @!p0 $0x0, s1;
	[sflag:s0] =	ssyncset.done @!p0 $0x0  }
0x8e: {  	[sflag:s0] =	ssyncadd.s32 @!p0 s1  }
0x8f: {  	[bflag:$0x3] =	sbarrier.arrive $0xFFFF  }
0x90: {  	_ =	shalt  }

</sc_bundles>
